<compile_context>
chip_gen: v7x
topology: tpu7x:2x2x1
jax: 0.10.2.dev20260603
libtpu: 0.0.44.dev20260713+nightly
codegen_flags: <defaults>
</compile_context>

<pallas_src>
import functools
import jax
import jax.numpy as jnp
from jax import lax
from jax.experimental import pallas as pl
from jax.experimental.pallas import tpu as pltpu
from jax.experimental.pallas import tpu_sc as plsc

N = 10000
E = 320000
D = 128
H = 4
F = 128

BN = 1000
NT = 16
N_PAD = 10240
ROWS_PT = N_PAD // NT
EPT = E // NT
K2C = 2000
K3C = 80
FH = F // 2
DEN = 2 * N_PAD
DSL = DEN // NT


def _proj_body(x_ref, w_ref, al_ref, ar_ref, feat_ref, el_ref, er_ref,
               mxl_ref, mxr_ref):
    i = pl.program_id(0)
    feat = jnp.dot(x_ref[...], w_ref[...],
                   preferred_element_type=jnp.float32)
    for h in range(H):
        fh = feat[:, h * F:(h + 1) * F]
        feat_ref[2 * h] = fh[:, :FH]
        feat_ref[2 * h + 1] = fh[:, FH:]
        el_ref[:, h:h + 1] = jnp.dot(fh, al_ref[h, :].reshape(F, 1),
                                     preferred_element_type=jnp.float32)
        er_ref[:, h:h + 1] = jnp.dot(fh, ar_ref[h, :].reshape(F, 1),
                                     preferred_element_type=jnp.float32)

    bl = jnp.max(el_ref[...])
    br = jnp.max(er_ref[...])

    @pl.when(i == 0)
    def _():
        mxl_ref[0, 0] = bl
        mxr_ref[0, 0] = br

    @pl.when(i > 0)
    def _():
        mxl_ref[0, 0] = jnp.maximum(mxl_ref[0, 0], bl)
        mxr_ref[0, 0] = jnp.maximum(mxr_ref[0, 0], br)


def _project(x, W, attn_l, attn_r):
    return pl.pallas_call(
        _proj_body,
        grid=(N // BN,),
        in_specs=[
            pl.BlockSpec((BN, D), lambda i: (i, 0)),
            pl.BlockSpec((D, H * F), lambda i: (0, 0)),
            pl.BlockSpec((H, F), lambda i: (0, 0)),
            pl.BlockSpec((H, F), lambda i: (0, 0)),
        ],
        out_specs=[
            pl.BlockSpec((2 * H, BN, FH), lambda i: (0, i, 0)),
            pl.BlockSpec((BN, H), lambda i: (i, 0)),
            pl.BlockSpec((BN, H), lambda i: (i, 0)),
            pl.BlockSpec(memory_space=pltpu.SMEM),
            pl.BlockSpec(memory_space=pltpu.SMEM),
        ],
        out_shape=[
            jax.ShapeDtypeStruct((2 * H, N, FH), jnp.float32),
            jax.ShapeDtypeStruct((N, H), jnp.float32),
            jax.ShapeDtypeStruct((N, H), jnp.float32),
            jax.ShapeDtypeStruct((1, 1), jnp.float32),
            jax.ShapeDtypeStruct((1, 1), jnp.float32),
        ],
    )(x, W, attn_l, attn_r)


def _weights_body(el_hbm, er_hbm, src_hbm, dst_hbm, c_hbm,
                  w_hbm, den16_hbm,
                  el_v, er_v, c_v, src_c, dst_c, w_c, den_l):
    cid = lax.axis_index("c")
    sid = lax.axis_index("s")
    tbase = sid * EPT

    pltpu.sync_copy(el_hbm, el_v)
    pltpu.sync_copy(er_hbm, er_v)
    pltpu.sync_copy(c_hbm, c_v)

    z16 = jnp.zeros((16,), jnp.float32)

    def zero_body(i, _):
        den_l[pl.ds(i * 16, 16)] = z16
        return 0

    lax.fori_loop(0, DEN // 16, zero_body, 0)

    cvec = c_v[...]
    lane = lax.iota(jnp.int32, 16)
    hbase = 2 * cid

    def chunk_body(c, _):
        base = tbase + c * K2C
        pltpu.sync_copy(src_hbm.at[pl.ds(base, K2C)], src_c)
        pltpu.sync_copy(dst_hbm.at[pl.ds(base, K2C)], dst_c)

        def strip_body(st, _):
            j16 = lane + st * 16
            s16 = src_c[pl.ds(st * 16, 16)]
            d16 = dst_c[pl.ds(st * 16, 16)]
            for hp in range(2):
                e = (plsc.load_gather(el_v, [s16 * H + hbase + hp])
                     + plsc.load_gather(er_v, [d16 * H + hbase + hp]))
                e = jnp.maximum(e, 0.2 * e)
                wv = jnp.exp(e - cvec)
                plsc.store_scatter(w_c, [j16, jnp.full((16,), hp, jnp.int32)],
                                   wv)
                plsc.addupdate_scatter(den_l, [d16 * 2 + hp], wv)
            return 0

        lax.fori_loop(0, K2C // 16, strip_body, 0)
        pltpu.sync_copy(w_c, w_hbm.at[pl.ds(cid * E + base, K2C)])
        return 0

    lax.fori_loop(0, EPT // K2C, chunk_body, 0)
    pltpu.sync_copy(den_l, den16_hbm.at[pl.ds((cid * NT + sid) * DEN, DEN)])


def _edge_weights(el_flat, er_flat, src, dst, c16):
    mesh = plsc.VectorSubcoreMesh(core_axis_name="c", subcore_axis_name="s")
    return pl.kernel(
        _weights_body,
        mesh=mesh,
        compiler_params=pltpu.CompilerParams(needs_layout_passes=False, use_tc_tiling_on_sc=False),
        out_type=[
            jax.ShapeDtypeStruct((2 * E, 2), jnp.float32),
            jax.ShapeDtypeStruct((2 * NT * DEN,), jnp.float32),
        ],
        scratch_types=[
            pltpu.VMEM((N * H,), jnp.float32),
            pltpu.VMEM((N * H,), jnp.float32),
            pltpu.VMEM((16,), jnp.float32),
            pltpu.VMEM((K2C,), jnp.int32),
            pltpu.VMEM((K2C,), jnp.int32),
            pltpu.VMEM((K2C, 2), jnp.float32),
            pltpu.VMEM((DEN,), jnp.float32),
        ],
    )(el_flat, er_flat, src, dst, c16)


def _reduce_body(den16_hbm, den_hbm, acc, tmp):
    cid = lax.axis_index("c")
    sid = lax.axis_index("s")
    pltpu.sync_copy(den16_hbm.at[pl.ds(cid * NT * DEN + sid * DSL, DSL)], acc)
    for p in range(1, NT):
        pltpu.sync_copy(
            den16_hbm.at[pl.ds((cid * NT + p) * DEN + sid * DSL, DSL)], tmp)

        def add_body(i, _):
            sl = pl.ds(i * 16, 16)
            acc[sl] = acc[sl] + tmp[sl]
            return 0

        lax.fori_loop(0, DSL // 16, add_body, 0)
    pltpu.sync_copy(acc, den_hbm.at[pl.ds(cid * DEN + sid * DSL, DSL)])


def _reduce_den(den16):
    mesh = plsc.VectorSubcoreMesh(core_axis_name="c", subcore_axis_name="s")
    return pl.kernel(
        _reduce_body,
        mesh=mesh,
        compiler_params=pltpu.CompilerParams(needs_layout_passes=False, use_tc_tiling_on_sc=False),
        out_type=jax.ShapeDtypeStruct((2 * DEN,), jnp.float32),
        scratch_types=[
            pltpu.VMEM((DSL,), jnp.float32),
            pltpu.VMEM((DSL,), jnp.float32),
        ],
    )(den16)


def _aggregate_body(feat_hbm, src_hbm, dst_hbm, w_hbm, den_hbm, z64_hbm,
                    out_hbm,
                    den_v, src_c, dst_c, idx_c, w_c, a_st, rows, out_sp, sem):
    cid = lax.axis_index("c")
    sid = lax.axis_index("s")
    tbase = sid * EPT

    pltpu.sync_copy(den_hbm.at[pl.ds(cid * DEN, 2 * N)], den_v)
    lane = lax.iota(jnp.int32, 16)

    def sub_body(sub, _):
        slab = 4 * cid + sub
        hp = sub // 2
        pltpu.sync_copy(z64_hbm, out_sp.at[pl.ds(sid * ROWS_PT, ROWS_PT)])
        plsc.subcore_barrier()

        def chunk_body(c, _):
            base = tbase + c * K3C
            pltpu.sync_copy(src_hbm.at[pl.ds(base, K3C)], src_c)
            pltpu.sync_copy(dst_hbm.at[pl.ds(base, K3C)], dst_c)
            pltpu.sync_copy(w_hbm.at[pl.ds(2 * (cid * E + base), 2 * K3C)],
                            w_c)

            def idx_body(st, _):
                sl = pl.ds(st * 16, 16)
                idx_c[sl] = src_c[sl] + slab * N
                return 0

            lax.fori_loop(0, K3C // 16, idx_body, 0)
            pltpu.async_copy(feat_hbm.at[idx_c], rows, sem).wait()

            def scale_body(st, _):
                j16 = lane + st * 16
                d16 = dst_c[pl.ds(st * 16, 16)]
                wv = plsc.load_gather(w_c, [j16 * 2 + hp])
                dv = plsc.load_gather(den_v, [d16 * 2 + hp])
                av = wv / dv
                for cc in range(FH):
                    ccol = jnp.full((16,), cc, jnp.int32)
                    v = plsc.load_gather(rows, [j16, ccol])
                    plsc.store_scatter(rows, [j16, ccol], v * av)
                return 0

            lax.fori_loop(0, K3C // 16, scale_body, 0)
            pltpu.sync_copy(rows, out_sp.at[dst_c], add=True)
            return 0

        lax.fori_loop(0, EPT // K3C, chunk_body, 0)
        plsc.subcore_barrier()
        pltpu.sync_copy(out_sp.at[pl.ds(sid * ROWS_PT, ROWS_PT)],
                        out_hbm.at[pl.ds(slab * N_PAD + sid * ROWS_PT,
                                         ROWS_PT)])
        plsc.subcore_barrier()
        return 0

    lax.fori_loop(0, 4, sub_body, 0)


def _aggregate(feat_flat, src, dst, w, den, z64):
    mesh = plsc.VectorSubcoreMesh(core_axis_name="c", subcore_axis_name="s")
    return pl.kernel(
        _aggregate_body,
        mesh=mesh,
        compiler_params=pltpu.CompilerParams(needs_layout_passes=False, use_tc_tiling_on_sc=False),
        out_type=jax.ShapeDtypeStruct((2 * H * N_PAD, FH), jnp.float32),
        scratch_types=[
            pltpu.VMEM((2 * N,), jnp.float32),
            pltpu.VMEM((K3C,), jnp.int32),
            pltpu.VMEM((K3C,), jnp.int32),
            pltpu.VMEM((K3C,), jnp.int32),
            pltpu.VMEM((2 * K3C,), jnp.float32),
            pltpu.VMEM((16,), jnp.float32),
            pltpu.VMEM((K3C, FH), jnp.float32),
            pltpu.VMEM_SHARED((N_PAD, FH), jnp.float32),
            pltpu.SemaphoreType.DMA,
        ],
    )(feat_flat, src, dst, w, den, z64)


def _final_body(out_ref, x0_ref, bias_ref, al_ref, h_ref):
    acc0 = (out_ref[0] + out_ref[2] + out_ref[4] + out_ref[6]) * 0.25
    acc1 = (out_ref[1] + out_ref[3] + out_ref[5] + out_ref[7]) * 0.25
    bm = jnp.mean(bias_ref[...], axis=0, keepdims=True)
    alpha = al_ref[0, 0]
    h_ref[:, :FH] = ((1.0 - alpha) * (acc0 + bm[:, :FH])
                     + alpha * x0_ref[:, :FH])
    h_ref[:, FH:] = ((1.0 - alpha) * (acc1 + bm[:, FH:])
                     + alpha * x0_ref[:, FH:])


def _finalize(out_t, x0, bias2, alpha11):
    return pl.pallas_call(
        _final_body,
        grid=(N // BN,),
        in_specs=[
            pl.BlockSpec((2 * H, BN, FH), lambda i: (0, i, 0)),
            pl.BlockSpec((BN, F), lambda i: (i, 0)),
            pl.BlockSpec((H, F), lambda i: (0, 0)),
            pl.BlockSpec(memory_space=pltpu.SMEM),
        ],
        out_specs=pl.BlockSpec((BN, F), lambda i: (i, 0)),
        out_shape=jax.ShapeDtypeStruct((N, F), jnp.float32),
    )(out_t, x0, bias2, alpha11)


@jax.jit
def _run(x, x0, edge_index, alpha, W, attn_l, attn_r, bias):
    feat_t, el, er, mxl, mxr = _project(x, W, attn_l, attn_r)
    C = jnp.maximum(mxl[0, 0] + mxr[0, 0], 0.0)
    c16 = jnp.full((16,), C, jnp.float32)

    src = edge_index[0]
    dst = edge_index[1]
    z64 = jnp.zeros((ROWS_PT, FH), jnp.float32)

    w, den16 = _edge_weights(el.reshape(N * H), er.reshape(N * H),
                             src, dst, c16)
    den = _reduce_den(den16)
    feat_flat = feat_t.reshape(2 * H * N, FH)
    out_flat = _aggregate(feat_flat, src, dst, w.reshape(2 * E * 2), den, z64)

    alpha11 = jnp.full((1, 1), 1.0, jnp.float32) * alpha
    out_t = out_flat.reshape(2 * H, N_PAD, FH)
    return _finalize(out_t, x0, bias.reshape(H, F), alpha11)


def kernel(x, x0, edge_index, alpha, W, attn_l, attn_r, bias):
    return _run(x, x0, edge_index, alpha, W, attn_l, attn_r, bias)

# --- scband reference (transcript-rebuilt; emitter-appended) ---
"""Pipeline reference for scband-gat-layer-55344948576541 (READ-ONLY COPY).

The authoritative reference and input builder live on the scoring server;
editing this copy changes nothing except your own understanding.
"""

import jax, jax.numpy as jnp
import numpy as np

N = 10000
E = 320000
D = 128
H = 4
F = 128
STEP = 1

def setup_inputs(seed: int = 0) -> dict:
    key = jax.random.key(seed)
    ks = jax.random.split(key, 8)
    x = jax.random.normal(ks[0], (N, D), dtype=jnp.float32)
    x0 = jax.random.normal(ks[1], (N, D), dtype=jnp.float32)
    edge_index = jax.random.randint(ks[2], (2, E), 0, N, dtype=jnp.int32)
    alpha = jnp.float32(0.1)
    # GATConv parameters (DGL-style): fc weight, attn_l, attn_r, bias
    W = jax.random.normal(ks[3], (D, H * F), dtype=jnp.float32) * (1.0 / np.sqrt(D))
    attn_l = jax.random.normal(ks[4], (H, F), dtype=jnp.float32) * 0.1
    attn_r = jax.random.normal(ks[5], (H, F), dtype=jnp.float32) * 0.1
    bias = jnp.zeros((H * F,), dtype=jnp.float32)
    return {"x": x, "x0": x0, "edge_index": edge_index, "alpha": alpha,
            "W": W, "attn_l": attn_l, "attn_r": attn_r, "bias": bias}

def reference(x, x0, edge_index, alpha, W, attn_l, attn_r, bias):
    src = edge_index[0]
    dst = edge_index[1]
    h = x
    for _ in range(STEP):
        # GATConv: linear projection -> [N, H, F]
        feat = jnp.dot(h, W).reshape(N, H, F)
        el = jnp.sum(feat * attn_l[None, :, :], axis=-1)  # [N, H]
        er = jnp.sum(feat * attn_r[None, :, :], axis=-1)  # [N, H]
        e = el[src] + er[dst]                              # [E, H]
        e = jax.nn.leaky_relu(e, negative_slope=0.2)
        # edge softmax over incoming edges of each dst node
        emax = jax.ops.segment_max(e, dst, num_segments=N)
        emax = jnp.where(jnp.isfinite(emax), emax, 0.0)
        ee = jnp.exp(e - emax[dst])
        denom = jax.ops.segment_sum(ee, dst, num_segments=N)
        a = ee / (denom[dst] + 1e-9)                       # [E, H]
        # aggregate messages
        msg = feat[src] * a[:, :, None]                    # [E, H, F]
        out = jax.ops.segment_sum(msg, dst, num_segments=N)  # [N, H, F]
        out = out + bias.reshape(H, F)[None, :, :]
        # mean over heads + residual mixing
        h = out.mean(axis=1)
        h = (1.0 - alpha) * h + alpha * x0
    return h

if __name__ == "__main__":
    import jax
    _d = setup_inputs()
    print(jax.jit(kernel)(*tuple(_d.values())))

</pallas_src>

<mosaic_0001>
#map = affine_map<(d0, d1) -> (0)>
#map1 = affine_map<(d0, d1) -> (0, 0)>
module attributes {stable_mosaic.version = 14 : i64} {
  func.func @_weights_body(%arg0: i32, %arg1: i32, %arg2: memref<40000xf32, #tpu.memory_space<hbm>>, %arg3: memref<40000xf32, #tpu.memory_space<hbm>>, %arg4: memref<320000xi32, #tpu.memory_space<hbm>>, %arg5: memref<320000xi32, #tpu.memory_space<hbm>>, %arg6: memref<16xf32, #tpu.memory_space<hbm>>, %arg7: memref<640000x2xf32, #tpu.memory_space<hbm>>, %arg8: memref<655360xf32, #tpu.memory_space<hbm>>, %arg9: memref<40000xf32, #tpu.memory_space<vmem>>, %arg10: memref<40000xf32, #tpu.memory_space<vmem>>, %arg11: memref<16xf32, #tpu.memory_space<vmem>>, %arg12: memref<2000xi32, #tpu.memory_space<vmem>>, %arg13: memref<2000xi32, #tpu.memory_space<vmem>>, %arg14: memref<2000x2xf32, #tpu.memory_space<vmem>>, %arg15: memref<20480xf32, #tpu.memory_space<vmem>>) attributes {dimension_semantics = [#tpu.dimension_semantics<core_parallel>, #tpu.dimension_semantics<subcore_parallel>], iteration_bounds = array<i64: 2, 16>, scalar_prefetch = 0 : i64, scratch_operands = 7 : i64, tpu.core_type = #tpu.core_type<sc_vector_subcore>, window_params = [{transform_indices = #map}, {transform_indices = #map}, {transform_indices = #map}, {transform_indices = #map}, {transform_indices = #map}, {transform_indices = #map1}, {transform_indices = #map}]} {
    %mul3A = arith.constant 20000 : i32
    %mul3A_0 = arith.muli %arg1, %mul3A : i32
    "tpu.region"() ({
      %run_scoped3A = tpu.sem_alloc : memref<!tpu.dma_semaphore, #tpu.memory_space<semaphore_mem>>
      tpu.enqueue_dma source(%arg2 : memref<40000xf32, #tpu.memory_space<hbm>>) target(%arg9 : memref<40000xf32, #tpu.memory_space<vmem>>) target_semaphore(%run_scoped3A : memref<!tpu.dma_semaphore, #tpu.memory_space<semaphore_mem>>)
      tpu.wait_dma2 semaphore(%run_scoped3A : memref<!tpu.dma_semaphore, #tpu.memory_space<semaphore_mem>>) src(%arg2 : memref<40000xf32, #tpu.memory_space<hbm>>) dst(%arg9 : memref<40000xf32, #tpu.memory_space<vmem>>)
      tpu.yield
    }) : () -> ()
    "tpu.region"() ({
      %run_scoped3A = tpu.sem_alloc : memref<!tpu.dma_semaphore, #tpu.memory_space<semaphore_mem>>
      tpu.enqueue_dma source(%arg3 : memref<40000xf32, #tpu.memory_space<hbm>>) target(%arg10 : memref<40000xf32, #tpu.memory_space<vmem>>) target_semaphore(%run_scoped3A : memref<!tpu.dma_semaphore, #tpu.memory_space<semaphore_mem>>)
      tpu.wait_dma2 semaphore(%run_scoped3A : memref<!tpu.dma_semaphore, #tpu.memory_space<semaphore_mem>>) src(%arg3 : memref<40000xf32, #tpu.memory_space<hbm>>) dst(%arg10 : memref<40000xf32, #tpu.memory_space<vmem>>)
      tpu.yield
    }) : () -> ()
    "tpu.region"() ({
      %run_scoped3A = tpu.sem_alloc : memref<!tpu.dma_semaphore, #tpu.memory_space<semaphore_mem>>
      tpu.enqueue_dma source(%arg6 : memref<16xf32, #tpu.memory_space<hbm>>) target(%arg11 : memref<16xf32, #tpu.memory_space<vmem>>) target_semaphore(%run_scoped3A : memref<!tpu.dma_semaphore, #tpu.memory_space<semaphore_mem>>)
      tpu.wait_dma2 semaphore(%run_scoped3A : memref<!tpu.dma_semaphore, #tpu.memory_space<semaphore_mem>>) src(%arg6 : memref<16xf32, #tpu.memory_space<hbm>>) dst(%arg11 : memref<16xf32, #tpu.memory_space<vmem>>)
      tpu.yield
    }) : () -> ()
    %broadcast_in_dim3A = arith.constant 0.000000e+00 : f32
    %broadcast_in_dim3A_1 = vector.broadcast %broadcast_in_dim3A : f32 to vector<16xf32>
    %scan3A = arith.constant 0 : i32
    %scan3A_2 = arith.constant 0 : i32
    %scan3A_3 = arith.constant 1280 : i32
    %scan3A_4 = arith.addi %scan3A_2, %scan3A_3 : i32
    %scan3A_5 = arith.constant 1 : i32
    %scan3A_6 = scf.for %scan3A_22 = %scan3A_2 to %scan3A_4 step %scan3A_5 iter_args(%scan3A_23 = %scan3A) -> (i32)  : i32 {
      %mul3A_24 = arith.constant 16 : i32
      %mul3A_25 = arith.muli %scan3A_22, %mul3A_24 : i32
      %swap3A = arith.index_cast %mul3A_25 : i32 to index
      %swap3A_26 = tpu.vector_load %arg15[%swap3A] {strides = array<i32>} : memref<20480xf32, #tpu.memory_space<vmem>>, vector<16xf32>,
      tpu.vector_store %arg15[%swap3A], %broadcast_in_dim3A_1 {strides = array<i32>} : memref<20480xf32, #tpu.memory_space<vmem>>, vector<16xf32>,
      %scan3A_27 = arith.constant 0 : i32
      scf.yield %scan3A_27 : i32
    }
    %scan3A_7 = arith.constant 1280 : i32
    %get3A = arith.constant 0 : index
    %get3A_8 = tpu.vector_load %arg11[%get3A] {strides = array<i32>} : memref<16xf32, #tpu.memory_space<vmem>>, vector<16xf32>,
    %iota3A = tpu.iota {dimensions = array<i32: 0>} : vector<16xi32>
    %mul3A_9 = arith.constant 2 : i32
    %mul3A_10 = arith.muli %mul3A_9, %arg0 : i32
    %scan3A_11 = arith.constant 0 : i32
    %scan3A_12 = arith.constant 0 : i32
    %scan3A_13 = arith.constant 10 : i32
    %scan3A_14 = arith.addi %scan3A_12, %scan3A_13 : i32
    %scan3A_15 = arith.constant 1 : i32
    %scan3A_16 = scf.for %scan3A_22 = %scan3A_12 to %scan3A_14 step %scan3A_15 iter_args(%scan3A_23 = %scan3A_11) -> (i32)  : i32 {
      %mul3A_24 = arith.constant 2000 : i32
      %mul3A_25 = arith.muli %scan3A_22, %mul3A_24 : i32
      %add3A_26 = arith.addi %mul3A_0, %mul3A_25 : i32
      "tpu.region"() ({
        %run_scoped3A = tpu.sem_alloc : memref<!tpu.dma_semaphore, #tpu.memory_space<semaphore_mem>>
        %dma_start3A = tpu.memref_slice %arg4[%add3A_26] : memref<320000xi32, #tpu.memory_space<hbm>> -> memref<2000xi32, #tpu.memory_space<hbm>>
        %dma_start3A_38 = tpu.memref_slice %arg4[%add3A_26] : memref<320000xi32, #tpu.memory_space<hbm>> -> memref<2000xi32, #tpu.memory_space<hbm>>
        tpu.enqueue_dma source(%dma_start3A_38 : memref<2000xi32, #tpu.memory_space<hbm>>) target(%arg12 : memref<2000xi32, #tpu.memory_space<vmem>>) target_semaphore(%run_scoped3A : memref<!tpu.dma_semaphore, #tpu.memory_space<semaphore_mem>>)
        %dma_wait3A = tpu.memref_slice %arg4[%add3A_26] : memref<320000xi32, #tpu.memory_space<hbm>> -> memref<2000xi32, #tpu.memory_space<hbm>>
        %dma_wait3A_39 = tpu.memref_slice %arg4[%add3A_26] : memref<320000xi32, #tpu.memory_space<hbm>> -> memref<2000xi32, #tpu.memory_space<hbm>>
        tpu.wait_dma2 semaphore(%run_scoped3A : memref<!tpu.dma_semaphore, #tpu.memory_space<semaphore_mem>>) src(%dma_wait3A_39 : memref<2000xi32, #tpu.memory_space<hbm>>) dst(%arg12 : memref<2000xi32, #tpu.memory_space<vmem>>)
        tpu.yield
      }) : () -> ()
      "tpu.region"() ({
        %run_scoped3A = tpu.sem_alloc : memref<!tpu.dma_semaphore, #tpu.memory_space<semaphore_mem>>
        %dma_start3A = tpu.memref_slice %arg5[%add3A_26] : memref<320000xi32, #tpu.memory_space<hbm>> -> memref<2000xi32, #tpu.memory_space<hbm>>
        %dma_start3A_38 = tpu.memref_slice %arg5[%add3A_26] : memref<320000xi32, #tpu.memory_space<hbm>> -> memref<2000xi32, #tpu.memory_space<hbm>>
        tpu.enqueue_dma source(%dma_start3A_38 : memref<2000xi32, #tpu.memory_space<hbm>>) target(%arg13 : memref<2000xi32, #tpu.memory_space<vmem>>) target_semaphore(%run_scoped3A : memref<!tpu.dma_semaphore, #tpu.memory_space<semaphore_mem>>)
        %dma_wait3A = tpu.memref_slice %arg5[%add3A_26] : memref<320000xi32, #tpu.memory_space<hbm>> -> memref<2000xi32, #tpu.memory_space<hbm>>
        %dma_wait3A_39 = tpu.memref_slice %arg5[%add3A_26] : memref<320000xi32, #tpu.memory_space<hbm>> -> memref<2000xi32, #tpu.memory_space<hbm>>
        tpu.wait_dma2 semaphore(%run_scoped3A : memref<!tpu.dma_semaphore, #tpu.memory_space<semaphore_mem>>) src(%dma_wait3A_39 : memref<2000xi32, #tpu.memory_space<hbm>>) dst(%arg13 : memref<2000xi32, #tpu.memory_space<vmem>>)
        tpu.yield
      }) : () -> ()
      %scan3A_27 = arith.constant 0 : i32
      %scan3A_28 = arith.constant 0 : i32
      %scan3A_29 = arith.constant 125 : i32
      %scan3A_30 = arith.addi %scan3A_28, %scan3A_29 : i32
      %scan3A_31 = arith.constant 1 : i32
      %scan3A_32 = scf.for %scan3A_38 = %scan3A_28 to %scan3A_30 step %scan3A_31 iter_args(%scan3A_39 = %scan3A_27) -> (i32)  : i32 {
        %mul3A_40 = arith.constant 16 : i32
        %mul3A_41 = arith.muli %scan3A_38, %mul3A_40 : i32
        %add3A_42 = vector.broadcast %mul3A_41 : i32 to vector<16xi32>
        %add3A_43 = arith.addi %iota3A, %add3A_42 : vector<16xi32>
        %mul3A_44 = arith.constant 16 : i32
        %mul3A_45 = arith.muli %scan3A_38, %mul3A_44 : i32
        %get3A_46 = arith.index_cast %mul3A_45 : i32 to index
        %get3A_47 = tpu.vector_load %arg12[%get3A_46] {strides = array<i32>} : memref<2000xi32, #tpu.memory_space<vmem>>, vector<16xi32>,
        %mul3A_48 = arith.constant 16 : i32
        %mul3A_49 = arith.muli %scan3A_38, %mul3A_48 : i32
        %get3A_50 = arith.index_cast %mul3A_49 : i32 to index
        %get3A_51 = tpu.vector_load %arg13[%get3A_50] {strides = array<i32>} : memref<2000xi32, #tpu.memory_space<vmem>>, vector<16xi32>,
        %mul3A_52 = arith.constant 4 : i32
        %mul3A_53 = vector.broadcast %mul3A_52 : i32 to vector<16xi32>
        %mul3A_54 = arith.muli %get3A_47, %mul3A_53 : vector<16xi32>
        %add3A_55 = vector.broadcast %mul3A_10 : i32 to vector<16xi32>
        %add3A_56 = arith.addi %mul3A_54, %add3A_55 : vector<16xi32>
        %add3A_57 = arith.constant 0 : i32
        %add3A_58 = vector.broadcast %add3A_57 : i32 to vector<16xi32>
        %add3A_59 = arith.addi %add3A_56, %add3A_58 : vector<16xi32>
        %gather3A = tpu.vector_load_idx %arg9[%add3A_59] : memref<40000xf32, #tpu.memory_space<vmem>>[vector<16xi32>], vector<16xf32>,
        %mul3A_60 = arith.constant 4 : i32
        %mul3A_61 = vector.broadcast %mul3A_60 : i32 to vector<16xi32>
        %mul3A_62 = arith.muli %get3A_51, %mul3A_61 : vector<16xi32>
        %add3A_63 = vector.broadcast %mul3A_10 : i32 to vector<16xi32>
        %add3A_64 = arith.addi %mul3A_62, %add3A_63 : vector<16xi32>
        %add3A_65 = arith.constant 0 : i32
        %add3A_66 = vector.broadcast %add3A_65 : i32 to vector<16xi32>
        %add3A_67 = arith.addi %add3A_64, %add3A_66 : vector<16xi32>
        %gather3A_68 = tpu.vector_load_idx %arg10[%add3A_67] : memref<40000xf32, #tpu.memory_space<vmem>>[vector<16xi32>], vector<16xf32>,
        %add3A_69 = arith.addf %gather3A, %gather3A_68 : vector<16xf32>
        %mul3A_70 = arith.constant 2.000000e-01 : f32
        %mul3A_71 = vector.broadcast %mul3A_70 : f32 to vector<16xf32>
        %mul3A_72 = arith.mulf %mul3A_71, %add3A_69 : vector<16xf32>
        %max3A = arith.maximumf %add3A_69, %mul3A_72 : vector<16xf32>
        %sub3A = arith.subf %max3A, %get3A_8 : vector<16xf32>
        %exp3A = math.exp %sub3A : vector<16xf32>
        %broadcast_in_dim3A_73 = arith.constant 0 : i32
        %broadcast_in_dim3A_74 = vector.broadcast %broadcast_in_dim3A_73 : i32 to vector<16xi32>
        tpu.vector_store_idx %arg14[%add3A_43, %broadcast_in_dim3A_74], %exp3A : memref<2000x2xf32, #tpu.memory_space<vmem>>[vector<16xi32>, vector<16xi32>], vector<16xf32>,
        %mul3A_75 = arith.constant 2 : i32
        %mul3A_76 = vector.broadcast %mul3A_75 : i32 to vector<16xi32>
        %mul3A_77 = arith.muli %get3A_51, %mul3A_76 : vector<16xi32>
        %add3A_78 = arith.constant 0 : i32
        %add3A_79 = vector.broadcast %add3A_78 : i32 to vector<16xi32>
        %add3A_80 = arith.addi %mul3A_77, %add3A_79 : vector<16xi32>
        tpu.vector_store_idx %arg15[%add3A_80], %exp3A {add = true} : memref<20480xf32, #tpu.memory_space<vmem>>[vector<16xi32>], vector<16xf32>,
        %mul3A_81 = arith.constant 4 : i32
        %mul3A_82 = vector.broadcast %mul3A_81 : i32 to vector<16xi32>
        %mul3A_83 = arith.muli %get3A_47, %mul3A_82 : vector<16xi32>
        %add3A_84 = vector.broadcast %mul3A_10 : i32 to vector<16xi32>
        %add3A_85 = arith.addi %mul3A_83, %add3A_84 : vector<16xi32>
        %add3A_86 = arith.constant 1 : i32
        %add3A_87 = vector.broadcast %add3A_86 : i32 to vector<16xi32>
        %add3A_88 = arith.addi %add3A_85, %add3A_87 : vector<16xi32>
        %gather3A_89 = tpu.vector_load_idx %arg9[%add3A_88] : memref<40000xf32, #tpu.memory_space<vmem>>[vector<16xi32>], vector<16xf32>,
        %mul3A_90 = arith.constant 4 : i32
        %mul3A_91 = vector.broadcast %mul3A_90 : i32 to vector<16xi32>
        %mul3A_92 = arith.muli %get3A_51, %mul3A_91 : vector<16xi32>
        %add3A_93 = vector.broadcast %mul3A_10 : i32 to vector<16xi32>
        %add3A_94 = arith.addi %mul3A_92, %add3A_93 : vector<16xi32>
        %add3A_95 = arith.constant 1 : i32
        %add3A_96 = vector.broadcast %add3A_95 : i32 to vector<16xi32>
        %add3A_97 = arith.addi %add3A_94, %add3A_96 : vector<16xi32>
        %gather3A_98 = tpu.vector_load_idx %arg10[%add3A_97] : memref<40000xf32, #tpu.memory_space<vmem>>[vector<16xi32>], vector<16xf32>,
        %add3A_99 = arith.addf %gather3A_89, %gather3A_98 : vector<16xf32>
        %mul3A_100 = arith.constant 2.000000e-01 : f32
        %mul3A_101 = vector.broadcast %mul3A_100 : f32 to vector<16xf32>
        %mul3A_102 = arith.mulf %mul3A_101, %add3A_99 : vector<16xf32>
        %max3A_103 = arith.maximumf %add3A_99, %mul3A_102 : vector<16xf32>
        %sub3A_104 = arith.subf %max3A_103, %get3A_8 : vector<16xf32>
        %exp3A_105 = math.exp %sub3A_104 : vector<16xf32>
        %broadcast_in_dim3A_106 = arith.constant 1 : i32
        %broadcast_in_dim3A_107 = vector.broadcast %broadcast_in_dim3A_106 : i32 to vector<16xi32>
        tpu.vector_store_idx %arg14[%add3A_43, %broadcast_in_dim3A_107], %exp3A_105 : memref<2000x2xf32, #tpu.memory_space<vmem>>[vector<16xi32>, vector<16xi32>], vector<16xf32>,
        %mul3A_108 = arith.constant 2 : i32
        %mul3A_109 = vector.broadcast %mul3A_108 : i32 to vector<16xi32>
        %mul3A_110 = arith.muli %get3A_51, %mul3A_109 : vector<16xi32>
        %add3A_111 = arith.constant 1 : i32
        %add3A_112 = vector.broadcast %add3A_111 : i32 to vector<16xi32>
        %add3A_113 = arith.addi %mul3A_110, %add3A_112 : vector<16xi32>
        tpu.vector_store_idx %arg15[%add3A_113], %exp3A_105 {add = true} : memref<20480xf32, #tpu.memory_space<vmem>>[vector<16xi32>], vector<16xf32>,
        %scan3A_114 = arith.constant 0 : i32
        scf.yield %scan3A_114 : i32
      }
      %scan3A_33 = arith.constant 125 : i32
      %mul3A_34 = arith.constant 320000 : i32
      %mul3A_35 = arith.muli %arg0, %mul3A_34 : i32
      %add3A_36 = arith.addi %mul3A_35, %add3A_26 : i32
      "tpu.region"() ({
        %run_scoped3A = tpu.sem_alloc : memref<!tpu.dma_semaphore, #tpu.memory_space<semaphore_mem>>
        %dma_start3A = arith.constant 0 : i32
        %dma_start3A_38 = tpu.memref_slice %arg7[%add3A_36, %dma_start3A] : memref<640000x2xf32, #tpu.memory_space<hbm>> -> memref<2000x2xf32, #tpu.memory_space<hbm>>
        %dma_start3A_39 = arith.constant 0 : i32
        %dma_start3A_40 = tpu.memref_slice %arg7[%add3A_36, %dma_start3A_39] : memref<640000x2xf32, #tpu.memory_space<hbm>> -> memref<2000x2xf32, #tpu.memory_space<hbm>>
        tpu.enqueue_dma source(%arg14 : memref<2000x2xf32, #tpu.memory_space<vmem>>) target(%dma_start3A_40 : memref<2000x2xf32, #tpu.memory_space<hbm>>) target_semaphore(%run_scoped3A : memref<!tpu.dma_semaphore, #tpu.memory_space<semaphore_mem>>)
        %dma_wait3A = arith.constant 0 : i32
        %dma_wait3A_41 = tpu.memref_slice %arg7[%add3A_36, %dma_wait3A] : memref<640000x2xf32, #tpu.memory_space<hbm>> -> memref<2000x2xf32, #tpu.memory_space<hbm>>
        %dma_wait3A_42 = arith.constant 0 : i32
        %dma_wait3A_43 = tpu.memref_slice %arg7[%add3A_36, %dma_wait3A_42] : memref<640000x2xf32, #tpu.memory_space<hbm>> -> memref<2000x2xf32, #tpu.memory_space<hbm>>
        tpu.wait_dma2 semaphore(%run_scoped3A : memref<!tpu.dma_semaphore, #tpu.memory_space<semaphore_mem>>) src(%arg14 : memref<2000x2xf32, #tpu.memory_space<vmem>>) dst(%dma_wait3A_43 : memref<2000x2xf32, #tpu.memory_space<hbm>>)
        tpu.yield
      }) : () -> ()
      %scan3A_37 = arith.constant 0 : i32
      scf.yield %scan3A_37 : i32
    }
    %scan3A_17 = arith.constant 10 : i32
    %mul3A_18 = arith.constant 16 : i32
    %mul3A_19 = arith.muli %arg0, %mul3A_18 : i32
    %add3A = arith.addi %mul3A_19, %arg1 : i32
    %mul3A_20 = arith.constant 20480 : i32
    %mul3A_21 = arith.muli %add3A, %mul3A_20 : i32
    "tpu.region"() ({
      %run_scoped3A = tpu.sem_alloc : memref<!tpu.dma_semaphore, #tpu.memory_space<semaphore_mem>>
      %dma_start3A = tpu.memref_slice %arg8[%mul3A_21] : memref<655360xf32, #tpu.memory_space<hbm>> -> memref<20480xf32, #tpu.memory_space<hbm>>
      %dma_start3A_22 = tpu.memref_slice %arg8[%mul3A_21] : memref<655360xf32, #tpu.memory_space<hbm>> -> memref<20480xf32, #tpu.memory_space<hbm>>
      tpu.enqueue_dma source(%arg15 : memref<20480xf32, #tpu.memory_space<vmem>>) target(%dma_start3A_22 : memref<20480xf32, #tpu.memory_space<hbm>>) target_semaphore(%run_scoped3A : memref<!tpu.dma_semaphore, #tpu.memory_space<semaphore_mem>>)
      %dma_wait3A = tpu.memref_slice %arg8[%mul3A_21] : memref<655360xf32, #tpu.memory_space<hbm>> -> memref<20480xf32, #tpu.memory_space<hbm>>
      %dma_wait3A_23 = tpu.memref_slice %arg8[%mul3A_21] : memref<655360xf32, #tpu.memory_space<hbm>> -> memref<20480xf32, #tpu.memory_space<hbm>>
      tpu.wait_dma2 semaphore(%run_scoped3A : memref<!tpu.dma_semaphore, #tpu.memory_space<semaphore_mem>>) src(%arg15 : memref<20480xf32, #tpu.memory_space<vmem>>) dst(%dma_wait3A_23 : memref<20480xf32, #tpu.memory_space<hbm>>)
      tpu.yield
    }) : () -> ()
    return
  }
}

#map = affine_map<(d0, d1) -> (0)>
module attributes {stable_mosaic.version = 14 : i64} {
  func.func @_reduce_body(%arg0: i32, %arg1: i32, %arg2: memref<655360xf32, #tpu.memory_space<hbm>>, %arg3: memref<40960xf32, #tpu.memory_space<hbm>>, %arg4: memref<1280xf32, #tpu.memory_space<vmem>>, %arg5: memref<1280xf32, #tpu.memory_space<vmem>>) attributes {dimension_semantics = [#tpu.dimension_semantics<core_parallel>, #tpu.dimension_semantics<subcore_parallel>], iteration_bounds = array<i64: 2, 16>, scalar_prefetch = 0 : i64, scratch_operands = 2 : i64, tpu.core_type = #tpu.core_type<sc_vector_subcore>, window_params = [{transform_indices = #map}, {transform_indices = #map}]} {
    %mul3A = arith.constant 16 : i32
    %mul3A_0 = arith.muli %arg0, %mul3A : i32
    %mul3A_1 = arith.constant 20480 : i32
    %mul3A_2 = arith.muli %mul3A_0, %mul3A_1 : i32
    %mul3A_3 = arith.constant 1280 : i32
    %mul3A_4 = arith.muli %arg1, %mul3A_3 : i32
    %add3A = arith.addi %mul3A_2, %mul3A_4 : i32
    "tpu.region"() ({
      %run_scoped3A = tpu.sem_alloc : memref<!tpu.dma_semaphore, #tpu.memory_space<semaphore_mem>>
      %dma_start3A = tpu.memref_slice %arg2[%add3A] : memref<655360xf32, #tpu.memory_space<hbm>> -> memref<1280xf32, #tpu.memory_space<hbm>>
      %dma_start3A_249 = tpu.memref_slice %arg2[%add3A] : memref<655360xf32, #tpu.memory_space<hbm>> -> memref<1280xf32, #tpu.memory_space<hbm>>
      tpu.enqueue_dma source(%dma_start3A_249 : memref<1280xf32, #tpu.memory_space<hbm>>) target(%arg4 : memref<1280xf32, #tpu.memory_space<vmem>>) target_semaphore(%run_scoped3A : memref<!tpu.dma_semaphore, #tpu.memory_space<semaphore_mem>>)
      %dma_wait3A = tpu.memref_slice %arg2[%add3A] : memref<655360xf32, #tpu.memory_space<hbm>> -> memref<1280xf32, #tpu.memory_space<hbm>>
      %dma_wait3A_250 = tpu.memref_slice %arg2[%add3A] : memref<655360xf32, #tpu.memory_space<hbm>> -> memref<1280xf32, #tpu.memory_space<hbm>>
      tpu.wait_dma2 semaphore(%run_scoped3A : memref<!tpu.dma_semaphore, #tpu.memory_space<semaphore_mem>>) src(%dma_wait3A_250 : memref<1280xf32, #tpu.memory_space<hbm>>) dst(%arg4 : memref<1280xf32, #tpu.memory_space<vmem>>)
      tpu.yield
    }) : () -> ()
    %mul3A_5 = arith.constant 16 : i32
    %mul3A_6 = arith.muli %arg0, %mul3A_5 : i32
    %add3A_7 = arith.constant 1 : i32
    %add3A_8 = arith.addi %mul3A_6, %add3A_7 : i32
    %mul3A_9 = arith.constant 20480 : i32
    %mul3A_10 = arith.muli %add3A_8, %mul3A_9 : i32
    %mul3A_11 = arith.constant 1280 : i32
    %mul3A_12 = arith.muli %arg1, %mul3A_11 : i32
    %add3A_13 = arith.addi %mul3A_10, %mul3A_12 : i32
    "tpu.region"() ({
      %run_scoped3A = tpu.sem_alloc : memref<!tpu.dma_semaphore, #tpu.memory_space<semaphore_mem>>
      %dma_start3A = tpu.memref_slice %arg2[%add3A_13] : memref<655360xf32, #tpu.memory_space<hbm>> -> memref<1280xf32, #tpu.memory_space<hbm>>
      %dma_start3A_249 = tpu.memref_slice %arg2[%add3A_13] : memref<655360xf32, #tpu.memory_space<hbm>> -> memref<1280xf32, #tpu.memory_space<hbm>>
      tpu.enqueue_dma source(%dma_start3A_249 : memref<1280xf32, #tpu.memory_space<hbm>>) target(%arg5 : memref<1280xf32, #tpu.memory_space<vmem>>) target_semaphore(%run_scoped3A : memref<!tpu.dma_semaphore, #tpu.memory_space<semaphore_mem>>)
      %dma_wait3A = tpu.memref_slice %arg2[%add3A_13] : memref<655360xf32, #tpu.memory_space<hbm>> -> memref<1280xf32, #tpu.memory_space<hbm>>
      %dma_wait3A_250 = tpu.memref_slice %arg2[%add3A_13] : memref<655360xf32, #tpu.memory_space<hbm>> -> memref<1280xf32, #tpu.memory_space<hbm>>
      tpu.wait_dma2 semaphore(%run_scoped3A : memref<!tpu.dma_semaphore, #tpu.memory_space<semaphore_mem>>) src(%dma_wait3A_250 : memref<1280xf32, #tpu.memory_space<hbm>>) dst(%arg5 : memref<1280xf32, #tpu.memory_space<vmem>>)
      tpu.yield
    }) : () -> ()
    %scan3A = arith.constant 0 : i32
    %scan3A_14 = arith.constant 0 : i32
    %scan3A_15 = arith.constant 80 : i32
    %scan3A_16 = arith.addi %scan3A_14, %scan3A_15 : i32
    %scan3A_17 = arith.constant 1 : i32
    %scan3A_18 = scf.for %scan3A_249 = %scan3A_14 to %scan3A_16 step %scan3A_17 iter_args(%scan3A_250 = %scan3A) -> (i32)  : i32 {
      %mul3A_251 = arith.constant 16 : i32
      %mul3A_252 = arith.muli %scan3A_249, %mul3A_251 : i32
      %get3A = arith.index_cast %mul3A_252 : i32 to index
      %get3A_253 = tpu.vector_load %arg4[%get3A] {strides = array<i32>} : memref<1280xf32, #tpu.memory_space<vmem>>, vector<16xf32>,
      %get3A_254 = arith.index_cast %mul3A_252 : i32 to index
      %get3A_255 = tpu.vector_load %arg5[%get3A_254] {strides = array<i32>} : memref<1280xf32, #tpu.memory_space<vmem>>, vector<16xf32>,
      %add3A_256 = arith.addf %get3A_253, %get3A_255 : vector<16xf32>
      %swap3A = arith.index_cast %mul3A_252 : i32 to index
      %swap3A_257 = tpu.vector_load %arg4[%swap3A] {strides = array<i32>} : memref<1280xf32, #tpu.memory_space<vmem>>, vector<16xf32>,
      tpu.vector_store %arg4[%swap3A], %add3A_256 {strides = array<i32>} : memref<1280xf32, #tpu.memory_space<vmem>>, vector<16xf32>,
      %scan3A_258 = arith.constant 0 : i32
      scf.yield %scan3A_258 : i32
    }
    %scan3A_19 = arith.constant 80 : i32
    %mul3A_20 = arith.constant 16 : i32
    %mul3A_21 = arith.muli %arg0, %mul3A_20 : i32
    %add3A_22 = arith.constant 2 : i32
    %add3A_23 = arith.addi %mul3A_21, %add3A_22 : i32
    %mul3A_24 = arith.constant 20480 : i32
    %mul3A_25 = arith.muli %add3A_23, %mul3A_24 : i32
    %mul3A_26 = arith.constant 1280 : i32
    %mul3A_27 = arith.muli %arg1, %mul3A_26 : i32
    %add3A_28 = arith.addi %mul3A_25, %mul3A_27 : i32
    "tpu.region"() ({
      %run_scoped3A = tpu.sem_alloc : memref<!tpu.dma_semaphore, #tpu.memory_space<semaphore_mem>>
      %dma_start3A = tpu.memref_slice %arg2[%add3A_28] : memref<655360xf32, #tpu.memory_space<hbm>> -> memref<1280xf32, #tpu.memory_space<hbm>>
      %dma_start3A_249 = tpu.memref_slice %arg2[%add3A_28] : memref<655360xf32, #tpu.memory_space<hbm>> -> memref<1280xf32, #tpu.memory_space<hbm>>
      tpu.enqueue_dma source(%dma_start3A_249 : memref<1280xf32, #tpu.memory_space<hbm>>) target(%arg5 : memref<1280xf32, #tpu.memory_space<vmem>>) target_semaphore(%run_scoped3A : memref<!tpu.dma_semaphore, #tpu.memory_space<semaphore_mem>>)
      %dma_wait3A = tpu.memref_slice %arg2[%add3A_28] : memref<655360xf32, #tpu.memory_space<hbm>> -> memref<1280xf32, #tpu.memory_space<hbm>>
      %dma_wait3A_250 = tpu.memref_slice %arg2[%add3A_28] : memref<655360xf32, #tpu.memory_space<hbm>> -> memref<1280xf32, #tpu.memory_space<hbm>>
      tpu.wait_dma2 semaphore(%run_scoped3A : memref<!tpu.dma_semaphore, #tpu.memory_space<semaphore_mem>>) src(%dma_wait3A_250 : memref<1280xf32, #tpu.memory_space<hbm>>) dst(%arg5 : memref<1280xf32, #tpu.memory_space<vmem>>)
      tpu.yield
    }) : () -> ()
    %scan3A_29 = arith.constant 0 : i32
    %scan3A_30 = arith.constant 0 : i32
    %scan3A_31 = arith.constant 80 : i32
    %scan3A_32 = arith.addi %scan3A_30, %scan3A_31 : i32
    %scan3A_33 = arith.constant 1 : i32
    %scan3A_34 = scf.for %scan3A_249 = %scan3A_30 to %scan3A_32 step %scan3A_33 iter_args(%scan3A_250 = %scan3A_29) -> (i32)  : i32 {
      %mul3A_251 = arith.constant 16 : i32
      %mul3A_252 = arith.muli %scan3A_249, %mul3A_251 : i32
      %get3A = arith.index_cast %mul3A_252 : i32 to index
      %get3A_253 = tpu.vector_load %arg4[%get3A] {strides = array<i32>} : memref<1280xf32, #tpu.memory_space<vmem>>, vector<16xf32>,
      %get3A_254 = arith.index_cast %mul3A_252 : i32 to index
      %get3A_255 = tpu.vector_load %arg5[%get3A_254] {strides = array<i32>} : memref<1280xf32, #tpu.memory_space<vmem>>, vector<16xf32>,
      %add3A_256 = arith.addf %get3A_253, %get3A_255 : vector<16xf32>
      %swap3A = arith.index_cast %mul3A_252 : i32 to index
      %swap3A_257 = tpu.vector_load %arg4[%swap3A] {strides = array<i32>} : memref<1280xf32, #tpu.memory_space<vmem>>, vector<16xf32>,
      tpu.vector_store %arg4[%swap3A], %add3A_256 {strides = array<i32>} : memref<1280xf32, #tpu.memory_space<vmem>>, vector<16xf32>,
      %scan3A_258 = arith.constant 0 : i32
      scf.yield %scan3A_258 : i32
    }
    %scan3A_35 = arith.constant 80 : i32
    %mul3A_36 = arith.constant 16 : i32
    %mul3A_37 = arith.muli %arg0, %mul3A_36 : i32
    %add3A_38 = arith.constant 3 : i32
    %add3A_39 = arith.addi %mul3A_37, %add3A_38 : i32
    %mul3A_40 = arith.constant 20480 : i32
    %mul3A_41 = arith.muli %add3A_39, %mul3A_40 : i32
    %mul3A_42 = arith.constant 1280 : i32
    %mul3A_43 = arith.muli %arg1, %mul3A_42 : i32
    %add3A_44 = arith.addi %mul3A_41, %mul3A_43 : i32
    "tpu.region"() ({
      %run_scoped3A = tpu.sem_alloc : memref<!tpu.dma_semaphore, #tpu.memory_space<semaphore_mem>>
      %dma_start3A = tpu.memref_slice %arg2[%add3A_44] : memref<655360xf32, #tpu.memory_space<hbm>> -> memref<1280xf32, #tpu.memory_space<hbm>>
      %dma_start3A_249 = tpu.memref_slice %arg2[%add3A_44] : memref<655360xf32, #tpu.memory_space<hbm>> -> memref<1280xf32, #tpu.memory_space<hbm>>
      tpu.enqueue_dma source(%dma_start3A_249 : memref<1280xf32, #tpu.memory_space<hbm>>) target(%arg5 : memref<1280xf32, #tpu.memory_space<vmem>>) target_semaphore(%run_scoped3A : memref<!tpu.dma_semaphore, #tpu.memory_space<semaphore_mem>>)
      %dma_wait3A = tpu.memref_slice %arg2[%add3A_44] : memref<655360xf32, #tpu.memory_space<hbm>> -> memref<1280xf32, #tpu.memory_space<hbm>>
      %dma_wait3A_250 = tpu.memref_slice %arg2[%add3A_44] : memref<655360xf32, #tpu.memory_space<hbm>> -> memref<1280xf32, #tpu.memory_space<hbm>>
      tpu.wait_dma2 semaphore(%run_scoped3A : memref<!tpu.dma_semaphore, #tpu.memory_space<semaphore_mem>>) src(%dma_wait3A_250 : memref<1280xf32, #tpu.memory_space<hbm>>) dst(%arg5 : memref<1280xf32, #tpu.memory_space<vmem>>)
      tpu.yield
    }) : () -> ()
    %scan3A_45 = arith.constant 0 : i32
    %scan3A_46 = arith.constant 0 : i32
    %scan3A_47 = arith.constant 80 : i32
    %scan3A_48 = arith.addi %scan3A_46, %scan3A_47 : i32
    %scan3A_49 = arith.constant 1 : i32
    %scan3A_50 = scf.for %scan3A_249 = %scan3A_46 to %scan3A_48 step %scan3A_49 iter_args(%scan3A_250 = %scan3A_45) -> (i32)  : i32 {
      %mul3A_251 = arith.constant 16 : i32
      %mul3A_252 = arith.muli %scan3A_249, %mul3A_251 : i32
      %get3A = arith.index_cast %mul3A_252 : i32 to index
      %get3A_253 = tpu.vector_load %arg4[%get3A] {strides = array<i32>} : memref<1280xf32, #tpu.memory_space<vmem>>, vector<16xf32>,
      %get3A_254 = arith.index_cast %mul3A_252 : i32 to index
      %get3A_255 = tpu.vector_load %arg5[%get3A_254] {strides = array<i32>} : memref<1280xf32, #tpu.memory_space<vmem>>, vector<16xf32>,
      %add3A_256 = arith.addf %get3A_253, %get3A_255 : vector<16xf32>
      %swap3A = arith.index_cast %mul3A_252 : i32 to index
      %swap3A_257 = tpu.vector_load %arg4[%swap3A] {strides = array<i32>} : memref<1280xf32, #tpu.memory_space<vmem>>, vector<16xf32>,
      tpu.vector_store %arg4[%swap3A], %add3A_256 {strides = array<i32>} : memref<1280xf32, #tpu.memory_space<vmem>>, vector<16xf32>,
      %scan3A_258 = arith.constant 0 : i32
      scf.yield %scan3A_258 : i32
    }
    %scan3A_51 = arith.constant 80 : i32
    %mul3A_52 = arith.constant 16 : i32
    %mul3A_53 = arith.muli %arg0, %mul3A_52 : i32
    %add3A_54 = arith.constant 4 : i32
    %add3A_55 = arith.addi %mul3A_53, %add3A_54 : i32
    %mul3A_56 = arith.constant 20480 : i32
    %mul3A_57 = arith.muli %add3A_55, %mul3A_56 : i32
    %mul3A_58 = arith.constant 1280 : i32
    %mul3A_59 = arith.muli %arg1, %mul3A_58 : i32
    %add3A_60 = arith.addi %mul3A_57, %mul3A_59 : i32
    "tpu.region"() ({
      %run_scoped3A = tpu.sem_alloc : memref<!tpu.dma_semaphore, #tpu.memory_space<semaphore_mem>>
      %dma_start3A = tpu.memref_slice %arg2[%add3A_60] : memref<655360xf32, #tpu.memory_space<hbm>> -> memref<1280xf32, #tpu.memory_space<hbm>>
      %dma_start3A_249 = tpu.memref_slice %arg2[%add3A_60] : memref<655360xf32, #tpu.memory_space<hbm>> -> memref<1280xf32, #tpu.memory_space<hbm>>
      tpu.enqueue_dma source(%dma_start3A_249 : memref<1280xf32, #tpu.memory_space<hbm>>) target(%arg5 : memref<1280xf32, #tpu.memory_space<vmem>>) target_semaphore(%run_scoped3A : memref<!tpu.dma_semaphore, #tpu.memory_space<semaphore_mem>>)
      %dma_wait3A = tpu.memref_slice %arg2[%add3A_60] : memref<655360xf32, #tpu.memory_space<hbm>> -> memref<1280xf32, #tpu.memory_space<hbm>>
      %dma_wait3A_250 = tpu.memref_slice %arg2[%add3A_60] : memref<655360xf32, #tpu.memory_space<hbm>> -> memref<1280xf32, #tpu.memory_space<hbm>>
      tpu.wait_dma2 semaphore(%run_scoped3A : memref<!tpu.dma_semaphore, #tpu.memory_space<semaphore_mem>>) src(%dma_wait3A_250 : memref<1280xf32, #tpu.memory_space<hbm>>) dst(%arg5 : memref<1280xf32, #tpu.memory_space<vmem>>)
      tpu.yield
    }) : () -> ()
    %scan3A_61 = arith.constant 0 : i32
    %scan3A_62 = arith.constant 0 : i32
    %scan3A_63 = arith.constant 80 : i32
    %scan3A_64 = arith.addi %scan3A_62, %scan3A_63 : i32
    %scan3A_65 = arith.constant 1 : i32
    %scan3A_66 = scf.for %scan3A_249 = %scan3A_62 to %scan3A_64 step %scan3A_65 iter_args(%scan3A_250 = %scan3A_61) -> (i32)  : i32 {
      %mul3A_251 = arith.constant 16 : i32
      %mul3A_252 = arith.muli %scan3A_249, %mul3A_251 : i32
      %get3A = arith.index_cast %mul3A_252 : i32 to index
      %get3A_253 = tpu.vector_load %arg4[%get3A] {strides = array<i32>} : memref<1280xf32, #tpu.memory_space<vmem>>, vector<16xf32>,
      %get3A_254 = arith.index_cast %mul3A_252 : i32 to index
      %get3A_255 = tpu.vector_load %arg5[%get3A_254] {strides = array<i32>} : memref<1280xf32, #tpu.memory_space<vmem>>, vector<16xf32>,
      %add3A_256 = arith.addf %get3A_253, %get3A_255 : vector<16xf32>
      %swap3A = arith.index_cast %mul3A_252 : i32 to index
      %swap3A_257 = tpu.vector_load %arg4[%swap3A] {strides = array<i32>} : memref<1280xf32, #tpu.memory_space<vmem>>, vector<16xf32>,
      tpu.vector_store %arg4[%swap3A], %add3A_256 {strides = array<i32>} : memref<1280xf32, #tpu.memory_space<vmem>>, vector<16xf32>,
      %scan3A_258 = arith.constant 0 : i32
      scf.yield %scan3A_258 : i32
    }
    %scan3A_67 = arith.constant 80 : i32
    %mul3A_68 = arith.constant 16 : i32
    %mul3A_69 = arith.muli %arg0, %mul3A_68 : i32
    %add3A_70 = arith.constant 5 : i32
    %add3A_71 = arith.addi %mul3A_69, %add3A_70 : i32
    %mul3A_72 = arith.constant 20480 : i32
    %mul3A_73 = arith.muli %add3A_71, %mul3A_72 : i32
    %mul3A_74 = arith.constant 1280 : i32
    %mul3A_75 = arith.muli %arg1, %mul3A_74 : i32
    %add3A_76 = arith.addi %mul3A_73, %mul3A_75 : i32
    "tpu.region"() ({
      %run_scoped3A = tpu.sem_alloc : memref<!tpu.dma_semaphore, #tpu.memory_space<semaphore_mem>>
      %dma_start3A = tpu.memref_slice %arg2[%add3A_76] : memref<655360xf32, #tpu.memory_space<hbm>> -> memref<1280xf32, #tpu.memory_space<hbm>>
      %dma_start3A_249 = tpu.memref_slice %arg2[%add3A_76] : memref<655360xf32, #tpu.memory_space<hbm>> -> memref<1280xf32, #tpu.memory_space<hbm>>
      tpu.enqueue_dma source(%dma_start3A_249 : memref<1280xf32, #tpu.memory_space<hbm>>) target(%arg5 : memref<1280xf32, #tpu.memory_space<vmem>>) target_semaphore(%run_scoped3A : memref<!tpu.dma_semaphore, #tpu.memory_space<semaphore_mem>>)
      %dma_wait3A = tpu.memref_slice %arg2[%add3A_76] : memref<655360xf32, #tpu.memory_space<hbm>> -> memref<1280xf32, #tpu.memory_space<hbm>>
      %dma_wait3A_250 = tpu.memref_slice %arg2[%add3A_76] : memref<655360xf32, #tpu.memory_space<hbm>> -> memref<1280xf32, #tpu.memory_space<hbm>>
      tpu.wait_dma2 semaphore(%run_scoped3A : memref<!tpu.dma_semaphore, #tpu.memory_space<semaphore_mem>>) src(%dma_wait3A_250 : memref<1280xf32, #tpu.memory_space<hbm>>) dst(%arg5 : memref<1280xf32, #tpu.memory_space<vmem>>)
      tpu.yield
    }) : () -> ()
    %scan3A_77 = arith.constant 0 : i32
    %scan3A_78 = arith.constant 0 : i32
    %scan3A_79 = arith.constant 80 : i32
    %scan3A_80 = arith.addi %scan3A_78, %scan3A_79 : i32
    %scan3A_81 = arith.constant 1 : i32
    %scan3A_82 = scf.for %scan3A_249 = %scan3A_78 to %scan3A_80 step %scan3A_81 iter_args(%scan3A_250 = %scan3A_77) -> (i32)  : i32 {
      %mul3A_251 = arith.constant 16 : i32
      %mul3A_252 = arith.muli %scan3A_249, %mul3A_251 : i32
      %get3A = arith.index_cast %mul3A_252 : i32 to index
      %get3A_253 = tpu.vector_load %arg4[%get3A] {strides = array<i32>} : memref<1280xf32, #tpu.memory_space<vmem>>, vector<16xf32>,
      %get3A_254 = arith.index_cast %mul3A_252 : i32 to index
      %get3A_255 = tpu.vector_load %arg5[%get3A_254] {strides = array<i32>} : memref<1280xf32, #tpu.memory_space<vmem>>, vector<16xf32>,
      %add3A_256 = arith.addf %get3A_253, %get3A_255 : vector<16xf32>
      %swap3A = arith.index_cast %mul3A_252 : i32 to index
      %swap3A_257 = tpu.vector_load %arg4[%swap3A] {strides = array<i32>} : memref<1280xf32, #tpu.memory_space<vmem>>, vector<16xf32>,
      tpu.vector_store %arg4[%swap3A], %add3A_256 {strides = array<i32>} : memref<1280xf32, #tpu.memory_space<vmem>>, vector<16xf32>,
      %scan3A_258 = arith.constant 0 : i32
      scf.yield %scan3A_258 : i32
    }
    %scan3A_83 = arith.constant 80 : i32
    %mul3A_84 = arith.constant 16 : i32
    %mul3A_85 = arith.muli %arg0, %mul3A_84 : i32
    %add3A_86 = arith.constant 6 : i32
    %add3A_87 = arith.addi %mul3A_85, %add3A_86 : i32
    %mul3A_88 = arith.constant 20480 : i32
    %mul3A_89 = arith.muli %add3A_87, %mul3A_88 : i32
    %mul3A_90 = arith.constant 1280 : i32
    %mul3A_91 = arith.muli %arg1, %mul3A_90 : i32
    %add3A_92 = arith.addi %mul3A_89, %mul3A_91 : i32
    "tpu.region"() ({
      %run_scoped3A = tpu.sem_alloc : memref<!tpu.dma_semaphore, #tpu.memory_space<semaphore_mem>>
      %dma_start3A = tpu.memref_slice %arg2[%add3A_92] : memref<655360xf32, #tpu.memory_space<hbm>> -> memref<1280xf32, #tpu.memory_space<hbm>>
      %dma_start3A_249 = tpu.memref_slice %arg2[%add3A_92] : memref<655360xf32, #tpu.memory_space<hbm>> -> memref<1280xf32, #tpu.memory_space<hbm>>
      tpu.enqueue_dma source(%dma_start3A_249 : memref<1280xf32, #tpu.memory_space<hbm>>) target(%arg5 : memref<1280xf32, #tpu.memory_space<vmem>>) target_semaphore(%run_scoped3A : memref<!tpu.dma_semaphore, #tpu.memory_space<semaphore_mem>>)
      %dma_wait3A = tpu.memref_slice %arg2[%add3A_92] : memref<655360xf32, #tpu.memory_space<hbm>> -> memref<1280xf32, #tpu.memory_space<hbm>>
      %dma_wait3A_250 = tpu.memref_slice %arg2[%add3A_92] : memref<655360xf32, #tpu.memory_space<hbm>> -> memref<1280xf32, #tpu.memory_space<hbm>>
      tpu.wait_dma2 semaphore(%run_scoped3A : memref<!tpu.dma_semaphore, #tpu.memory_space<semaphore_mem>>) src(%dma_wait3A_250 : memref<1280xf32, #tpu.memory_space<hbm>>) dst(%arg5 : memref<1280xf32, #tpu.memory_space<vmem>>)
      tpu.yield
    }) : () -> ()
    %scan3A_93 = arith.constant 0 : i32
    %scan3A_94 = arith.constant 0 : i32
    %scan3A_95 = arith.constant 80 : i32
    %scan3A_96 = arith.addi %scan3A_94, %scan3A_95 : i32
    %scan3A_97 = arith.constant 1 : i32
    %scan3A_98 = scf.for %scan3A_249 = %scan3A_94 to %scan3A_96 step %scan3A_97 iter_args(%scan3A_250 = %scan3A_93) -> (i32)  : i32 {
      %mul3A_251 = arith.constant 16 : i32
      %mul3A_252 = arith.muli %scan3A_249, %mul3A_251 : i32
      %get3A = arith.index_cast %mul3A_252 : i32 to index
      %get3A_253 = tpu.vector_load %arg4[%get3A] {strides = array<i32>} : memref<1280xf32, #tpu.memory_space<vmem>>, vector<16xf32>,
      %get3A_254 = arith.index_cast %mul3A_252 : i32 to index
      %get3A_255 = tpu.vector_load %arg5[%get3A_254] {strides = array<i32>} : memref<1280xf32, #tpu.memory_space<vmem>>, vector<16xf32>,
      %add3A_256 = arith.addf %get3A_253, %get3A_255 : vector<16xf32>
      %swap3A = arith.index_cast %mul3A_252 : i32 to index
      %swap3A_257 = tpu.vector_load %arg4[%swap3A] {strides = array<i32>} : memref<1280xf32, #tpu.memory_space<vmem>>, vector<16xf32>,
      tpu.vector_store %arg4[%swap3A], %add3A_256 {strides = array<i32>} : memref<1280xf32, #tpu.memory_space<vmem>>, vector<16xf32>,
      %scan3A_258 = arith.constant 0 : i32
      scf.yield %scan3A_258 : i32
    }
    %scan3A_99 = arith.constant 80 : i32
    %mul3A_100 = arith.constant 16 : i32
    %mul3A_101 = arith.muli %arg0, %mul3A_100 : i32
    %add3A_102 = arith.constant 7 : i32
    %add3A_103 = arith.addi %mul3A_101, %add3A_102 : i32
    %mul3A_104 = arith.constant 20480 : i32
    %mul3A_105 = arith.muli %add3A_103, %mul3A_104 : i32
    %mul3A_106 = arith.constant 1280 : i32
    %mul3A_107 = arith.muli %arg1, %mul3A_106 : i32
    %add3A_108 = arith.addi %mul3A_105, %mul3A_107 : i32
    "tpu.region"() ({
      %run_scoped3A = tpu.sem_alloc : memref<!tpu.dma_semaphore, #tpu.memory_space<semaphore_mem>>
      %dma_start3A = tpu.memref_slice %arg2[%add3A_108] : memref<655360xf32, #tpu.memory_space<hbm>> -> memref<1280xf32, #tpu.memory_space<hbm>>
      %dma_start3A_249 = tpu.memref_slice %arg2[%add3A_108] : memref<655360xf32, #tpu.memory_space<hbm>> -> memref<1280xf32, #tpu.memory_space<hbm>>
      tpu.enqueue_dma source(%dma_start3A_249 : memref<1280xf32, #tpu.memory_space<hbm>>) target(%arg5 : memref<1280xf32, #tpu.memory_space<vmem>>) target_semaphore(%run_scoped3A : memref<!tpu.dma_semaphore, #tpu.memory_space<semaphore_mem>>)
      %dma_wait3A = tpu.memref_slice %arg2[%add3A_108] : memref<655360xf32, #tpu.memory_space<hbm>> -> memref<1280xf32, #tpu.memory_space<hbm>>
      %dma_wait3A_250 = tpu.memref_slice %arg2[%add3A_108] : memref<655360xf32, #tpu.memory_space<hbm>> -> memref<1280xf32, #tpu.memory_space<hbm>>
      tpu.wait_dma2 semaphore(%run_scoped3A : memref<!tpu.dma_semaphore, #tpu.memory_space<semaphore_mem>>) src(%dma_wait3A_250 : memref<1280xf32, #tpu.memory_space<hbm>>) dst(%arg5 : memref<1280xf32, #tpu.memory_space<vmem>>)
      tpu.yield
    }) : () -> ()
    %scan3A_109 = arith.constant 0 : i32
    %scan3A_110 = arith.constant 0 : i32
    %scan3A_111 = arith.constant 80 : i32
    %scan3A_112 = arith.addi %scan3A_110, %scan3A_111 : i32
    %scan3A_113 = arith.constant 1 : i32
    %scan3A_114 = scf.for %scan3A_249 = %scan3A_110 to %scan3A_112 step %scan3A_113 iter_args(%scan3A_250 = %scan3A_109) -> (i32)  : i32 {
      %mul3A_251 = arith.constant 16 : i32
      %mul3A_252 = arith.muli %scan3A_249, %mul3A_251 : i32
      %get3A = arith.index_cast %mul3A_252 : i32 to index
      %get3A_253 = tpu.vector_load %arg4[%get3A] {strides = array<i32>} : memref<1280xf32, #tpu.memory_space<vmem>>, vector<16xf32>,
      %get3A_254 = arith.index_cast %mul3A_252 : i32 to index
      %get3A_255 = tpu.vector_load %arg5[%get3A_254] {strides = array<i32>} : memref<1280xf32, #tpu.memory_space<vmem>>, vector<16xf32>,
      %add3A_256 = arith.addf %get3A_253, %get3A_255 : vector<16xf32>
      %swap3A = arith.index_cast %mul3A_252 : i32 to index
      %swap3A_257 = tpu.vector_load %arg4[%swap3A] {strides = array<i32>} : memref<1280xf32, #tpu.memory_space<vmem>>, vector<16xf32>,
      tpu.vector_store %arg4[%swap3A], %add3A_256 {strides = array<i32>} : memref<1280xf32, #tpu.memory_space<vmem>>, vector<16xf32>,
      %scan3A_258 = arith.constant 0 : i32
      scf.yield %scan3A_258 : i32
    }
    %scan3A_115 = arith.constant 80 : i32
    %mul3A_116 = arith.constant 16 : i32
    %mul3A_117 = arith.muli %arg0, %mul3A_116 : i32
    %add3A_118 = arith.constant 8 : i32
    %add3A_119 = arith.addi %mul3A_117, %add3A_118 : i32
    %mul3A_120 = arith.constant 20480 : i32
    %mul3A_121 = arith.muli %add3A_119, %mul3A_120 : i32
    %mul3A_122 = arith.constant 1280 : i32
    %mul3A_123 = arith.muli %arg1, %mul3A_122 : i32
    %add3A_124 = arith.addi %mul3A_121, %mul3A_123 : i32
    "tpu.region"() ({
      %run_scoped3A = tpu.sem_alloc : memref<!tpu.dma_semaphore, #tpu.memory_space<semaphore_mem>>
      %dma_start3A = tpu.memref_slice %arg2[%add3A_124] : memref<655360xf32, #tpu.memory_space<hbm>> -> memref<1280xf32, #tpu.memory_space<hbm>>
      %dma_start3A_249 = tpu.memref_slice %arg2[%add3A_124] : memref<655360xf32, #tpu.memory_space<hbm>> -> memref<1280xf32, #tpu.memory_space<hbm>>
      tpu.enqueue_dma source(%dma_start3A_249 : memref<1280xf32, #tpu.memory_space<hbm>>) target(%arg5 : memref<1280xf32, #tpu.memory_space<vmem>>) target_semaphore(%run_scoped3A : memref<!tpu.dma_semaphore, #tpu.memory_space<semaphore_mem>>)
      %dma_wait3A = tpu.memref_slice %arg2[%add3A_124] : memref<655360xf32, #tpu.memory_space<hbm>> -> memref<1280xf32, #tpu.memory_space<hbm>>
      %dma_wait3A_250 = tpu.memref_slice %arg2[%add3A_124] : memref<655360xf32, #tpu.memory_space<hbm>> -> memref<1280xf32, #tpu.memory_space<hbm>>
      tpu.wait_dma2 semaphore(%run_scoped3A : memref<!tpu.dma_semaphore, #tpu.memory_space<semaphore_mem>>) src(%dma_wait3A_250 : memref<1280xf32, #tpu.memory_space<hbm>>) dst(%arg5 : memref<1280xf32, #tpu.memory_space<vmem>>)
      tpu.yield
    }) : () -> ()
    %scan3A_125 = arith.constant 0 : i32
    %scan3A_126 = arith.constant 0 : i32
    %scan3A_127 = arith.constant 80 : i32
    %scan3A_128 = arith.addi %scan3A_126, %scan3A_127 : i32
    %scan3A_129 = arith.constant 1 : i32
    %scan3A_130 = scf.for %scan3A_249 = %scan3A_126 to %scan3A_128 step %scan3A_129 iter_args(%scan3A_250 = %scan3A_125) -> (i32)  : i32 {
      %mul3A_251 = arith.constant 16 : i32
      %mul3A_252 = arith.muli %scan3A_249, %mul3A_251 : i32
      %get3A = arith.index_cast %mul3A_252 : i32 to index
      %get3A_253 = tpu.vector_load %arg4[%get3A] {strides = array<i32>} : memref<1280xf32, #tpu.memory_space<vmem>>, vector<16xf32>,
      %get3A_254 = arith.index_cast %mul3A_252 : i32 to index
      %get3A_255 = tpu.vector_load %arg5[%get3A_254] {strides = array<i32>} : memref<1280xf32, #tpu.memory_space<vmem>>, vector<16xf32>,
      %add3A_256 = arith.addf %get3A_253, %get3A_255 : vector<16xf32>
      %swap3A = arith.index_cast %mul3A_252 : i32 to index
      %swap3A_257 = tpu.vector_load %arg4[%swap3A] {strides = array<i32>} : memref<1280xf32, #tpu.memory_space<vmem>>, vector<16xf32>,
      tpu.vector_store %arg4[%swap3A], %add3A_256 {strides = array<i32>} : memref<1280xf32, #tpu.memory_space<vmem>>, vector<16xf32>,
      %scan3A_258 = arith.constant 0 : i32
      scf.yield %scan3A_258 : i32
    }
    %scan3A_131 = arith.constant 80 : i32
    %mul3A_132 = arith.constant 16 : i32
    %mul3A_133 = arith.muli %arg0, %mul3A_132 : i32
    %add3A_134 = arith.constant 9 : i32
    %add3A_135 = arith.addi %mul3A_133, %add3A_134 : i32
    %mul3A_136 = arith.constant 20480 : i32
    %mul3A_137 = arith.muli %add3A_135, %mul3A_136 : i32
    %mul3A_138 = arith.constant 1280 : i32
    %mul3A_139 = arith.muli %arg1, %mul3A_138 : i32
    %add3A_140 = arith.addi %mul3A_137, %mul3A_139 : i32
    "tpu.region"() ({
      %run_scoped3A = tpu.sem_alloc : memref<!tpu.dma_semaphore, #tpu.memory_space<semaphore_mem>>
      %dma_start3A = tpu.memref_slice %arg2[%add3A_140] : memref<655360xf32, #tpu.memory_space<hbm>> -> memref<1280xf32, #tpu.memory_space<hbm>>
      %dma_start3A_249 = tpu.memref_slice %arg2[%add3A_140] : memref<655360xf32, #tpu.memory_space<hbm>> -> memref<1280xf32, #tpu.memory_space<hbm>>
      tpu.enqueue_dma source(%dma_start3A_249 : memref<1280xf32, #tpu.memory_space<hbm>>) target(%arg5 : memref<1280xf32, #tpu.memory_space<vmem>>) target_semaphore(%run_scoped3A : memref<!tpu.dma_semaphore, #tpu.memory_space<semaphore_mem>>)
      %dma_wait3A = tpu.memref_slice %arg2[%add3A_140] : memref<655360xf32, #tpu.memory_space<hbm>> -> memref<1280xf32, #tpu.memory_space<hbm>>
      %dma_wait3A_250 = tpu.memref_slice %arg2[%add3A_140] : memref<655360xf32, #tpu.memory_space<hbm>> -> memref<1280xf32, #tpu.memory_space<hbm>>
      tpu.wait_dma2 semaphore(%run_scoped3A : memref<!tpu.dma_semaphore, #tpu.memory_space<semaphore_mem>>) src(%dma_wait3A_250 : memref<1280xf32, #tpu.memory_space<hbm>>) dst(%arg5 : memref<1280xf32, #tpu.memory_space<vmem>>)
      tpu.yield
    }) : () -> ()
    %scan3A_141 = arith.constant 0 : i32
    %scan3A_142 = arith.constant 0 : i32
    %scan3A_143 = arith.constant 80 : i32
    %scan3A_144 = arith.addi %scan3A_142, %scan3A_143 : i32
    %scan3A_145 = arith.constant 1 : i32
    %scan3A_146 = scf.for %scan3A_249 = %scan3A_142 to %scan3A_144 step %scan3A_145 iter_args(%scan3A_250 = %scan3A_141) -> (i32)  : i32 {
      %mul3A_251 = arith.constant 16 : i32
      %mul3A_252 = arith.muli %scan3A_249, %mul3A_251 : i32
      %get3A = arith.index_cast %mul3A_252 : i32 to index
      %get3A_253 = tpu.vector_load %arg4[%get3A] {strides = array<i32>} : memref<1280xf32, #tpu.memory_space<vmem>>, vector<16xf32>,
      %get3A_254 = arith.index_cast %mul3A_252 : i32 to index
      %get3A_255 = tpu.vector_load %arg5[%get3A_254] {strides = array<i32>} : memref<1280xf32, #tpu.memory_space<vmem>>, vector<16xf32>,
      %add3A_256 = arith.addf %get3A_253, %get3A_255 : vector<16xf32>
      %swap3A = arith.index_cast %mul3A_252 : i32 to index
      %swap3A_257 = tpu.vector_load %arg4[%swap3A] {strides = array<i32>} : memref<1280xf32, #tpu.memory_space<vmem>>, vector<16xf32>,
      tpu.vector_store %arg4[%swap3A], %add3A_256 {strides = array<i32>} : memref<1280xf32, #tpu.memory_space<vmem>>, vector<16xf32>,
      %scan3A_258 = arith.constant 0 : i32
      scf.yield %scan3A_258 : i32
    }
    %scan3A_147 = arith.constant 80 : i32
    %mul3A_148 = arith.constant 16 : i32
    %mul3A_149 = arith.muli %arg0, %mul3A_148 : i32
    %add3A_150 = arith.constant 10 : i32
    %add3A_151 = arith.addi %mul3A_149, %add3A_150 : i32
    %mul3A_152 = arith.constant 20480 : i32
    %mul3A_153 = arith.muli %add3A_151, %mul3A_152 : i32
    %mul3A_154 = arith.constant 1280 : i32
    %mul3A_155 = arith.muli %arg1, %mul3A_154 : i32
    %add3A_156 = arith.addi %mul3A_153, %mul3A_155 : i32
    "tpu.region"() ({
      %run_scoped3A = tpu.sem_alloc : memref<!tpu.dma_semaphore, #tpu.memory_space<semaphore_mem>>
      %dma_start3A = tpu.memref_slice %arg2[%add3A_156] : memref<655360xf32, #tpu.memory_space<hbm>> -> memref<1280xf32, #tpu.memory_space<hbm>>
      %dma_start3A_249 = tpu.memref_slice %arg2[%add3A_156] : memref<655360xf32, #tpu.memory_space<hbm>> -> memref<1280xf32, #tpu.memory_space<hbm>>
      tpu.enqueue_dma source(%dma_start3A_249 : memref<1280xf32, #tpu.memory_space<hbm>>) target(%arg5 : memref<1280xf32, #tpu.memory_space<vmem>>) target_semaphore(%run_scoped3A : memref<!tpu.dma_semaphore, #tpu.memory_space<semaphore_mem>>)
      %dma_wait3A = tpu.memref_slice %arg2[%add3A_156] : memref<655360xf32, #tpu.memory_space<hbm>> -> memref<1280xf32, #tpu.memory_space<hbm>>
      %dma_wait3A_250 = tpu.memref_slice %arg2[%add3A_156] : memref<655360xf32, #tpu.memory_space<hbm>> -> memref<1280xf32, #tpu.memory_space<hbm>>
      tpu.wait_dma2 semaphore(%run_scoped3A : memref<!tpu.dma_semaphore, #tpu.memory_space<semaphore_mem>>) src(%dma_wait3A_250 : memref<1280xf32, #tpu.memory_space<hbm>>) dst(%arg5 : memref<1280xf32, #tpu.memory_space<vmem>>)
      tpu.yield
    }) : () -> ()
    %scan3A_157 = arith.constant 0 : i32
    %scan3A_158 = arith.constant 0 : i32
    %scan3A_159 = arith.constant 80 : i32
    %scan3A_160 = arith.addi %scan3A_158, %scan3A_159 : i32
    %scan3A_161 = arith.constant 1 : i32
    %scan3A_162 = scf.for %scan3A_249 = %scan3A_158 to %scan3A_160 step %scan3A_161 iter_args(%scan3A_250 = %scan3A_157) -> (i32)  : i32 {
      %mul3A_251 = arith.constant 16 : i32
      %mul3A_252 = arith.muli %scan3A_249, %mul3A_251 : i32
      %get3A = arith.index_cast %mul3A_252 : i32 to index
      %get3A_253 = tpu.vector_load %arg4[%get3A] {strides = array<i32>} : memref<1280xf32, #tpu.memory_space<vmem>>, vector<16xf32>,
      %get3A_254 = arith.index_cast %mul3A_252 : i32 to index
      %get3A_255 = tpu.vector_load %arg5[%get3A_254] {strides = array<i32>} : memref<1280xf32, #tpu.memory_space<vmem>>, vector<16xf32>,
      %add3A_256 = arith.addf %get3A_253, %get3A_255 : vector<16xf32>
      %swap3A = arith.index_cast %mul3A_252 : i32 to index
      %swap3A_257 = tpu.vector_load %arg4[%swap3A] {strides = array<i32>} : memref<1280xf32, #tpu.memory_space<vmem>>, vector<16xf32>,
      tpu.vector_store %arg4[%swap3A], %add3A_256 {strides = array<i32>} : memref<1280xf32, #tpu.memory_space<vmem>>, vector<16xf32>,
      %scan3A_258 = arith.constant 0 : i32
      scf.yield %scan3A_258 : i32
    }
    %scan3A_163 = arith.constant 80 : i32
    %mul3A_164 = arith.constant 16 : i32
    %mul3A_165 = arith.muli %arg0, %mul3A_164 : i32
    %add3A_166 = arith.constant 11 : i32
    %add3A_167 = arith.addi %mul3A_165, %add3A_166 : i32
    %mul3A_168 = arith.constant 20480 : i32
    %mul3A_169 = arith.muli %add3A_167, %mul3A_168 : i32
    %mul3A_170 = arith.constant 1280 : i32
    %mul3A_171 = arith.muli %arg1, %mul3A_170 : i32
    %add3A_172 = arith.addi %mul3A_169, %mul3A_171 : i32
    "tpu.region"() ({
      %run_scoped3A = tpu.sem_alloc : memref<!tpu.dma_semaphore, #tpu.memory_space<semaphore_mem>>
      %dma_start3A = tpu.memref_slice %arg2[%add3A_172] : memref<655360xf32, #tpu.memory_space<hbm>> -> memref<1280xf32, #tpu.memory_space<hbm>>
      %dma_start3A_249 = tpu.memref_slice %arg2[%add3A_172] : memref<655360xf32, #tpu.memory_space<hbm>> -> memref<1280xf32, #tpu.memory_space<hbm>>
      tpu.enqueue_dma source(%dma_start3A_249 : memref<1280xf32, #tpu.memory_space<hbm>>) target(%arg5 : memref<1280xf32, #tpu.memory_space<vmem>>) target_semaphore(%run_scoped3A : memref<!tpu.dma_semaphore, #tpu.memory_space<semaphore_mem>>)
      %dma_wait3A = tpu.memref_slice %arg2[%add3A_172] : memref<655360xf32, #tpu.memory_space<hbm>> -> memref<1280xf32, #tpu.memory_space<hbm>>
      %dma_wait3A_250 = tpu.memref_slice %arg2[%add3A_172] : memref<655360xf32, #tpu.memory_space<hbm>> -> memref<1280xf32, #tpu.memory_space<hbm>>
      tpu.wait_dma2 semaphore(%run_scoped3A : memref<!tpu.dma_semaphore, #tpu.memory_space<semaphore_mem>>) src(%dma_wait3A_250 : memref<1280xf32, #tpu.memory_space<hbm>>) dst(%arg5 : memref<1280xf32, #tpu.memory_space<vmem>>)
      tpu.yield
    }) : () -> ()
    %scan3A_173 = arith.constant 0 : i32
    %scan3A_174 = arith.constant 0 : i32
    %scan3A_175 = arith.constant 80 : i32
    %scan3A_176 = arith.addi %scan3A_174, %scan3A_175 : i32
    %scan3A_177 = arith.constant 1 : i32
    %scan3A_178 = scf.for %scan3A_249 = %scan3A_174 to %scan3A_176 step %scan3A_177 iter_args(%scan3A_250 = %scan3A_173) -> (i32)  : i32 {
      %mul3A_251 = arith.constant 16 : i32
      %mul3A_252 = arith.muli %scan3A_249, %mul3A_251 : i32
      %get3A = arith.index_cast %mul3A_252 : i32 to index
      %get3A_253 = tpu.vector_load %arg4[%get3A] {strides = array<i32>} : memref<1280xf32, #tpu.memory_space<vmem>>, vector<16xf32>,
      %get3A_254 = arith.index_cast %mul3A_252 : i32 to index
      %get3A_255 = tpu.vector_load %arg5[%get3A_254] {strides = array<i32>} : memref<1280xf32, #tpu.memory_space<vmem>>, vector<16xf32>,
      %add3A_256 = arith.addf %get3A_253, %get3A_255 : vector<16xf32>
      %swap3A = arith.index_cast %mul3A_252 : i32 to index
      %swap3A_257 = tpu.vector_load %arg4[%swap3A] {strides = array<i32>} : memref<1280xf32, #tpu.memory_space<vmem>>, vector<16xf32>,
      tpu.vector_store %arg4[%swap3A], %add3A_256 {strides = array<i32>} : memref<1280xf32, #tpu.memory_space<vmem>>, vector<16xf32>,
      %scan3A_258 = arith.constant 0 : i32
      scf.yield %scan3A_258 : i32
    }
    %scan3A_179 = arith.constant 80 : i32
    %mul3A_180 = arith.constant 16 : i32
    %mul3A_181 = arith.muli %arg0, %mul3A_180 : i32
    %add3A_182 = arith.constant 12 : i32
    %add3A_183 = arith.addi %mul3A_181, %add3A_182 : i32
    %mul3A_184 = arith.constant 20480 : i32
    %mul3A_185 = arith.muli %add3A_183, %mul3A_184 : i32
    %mul3A_186 = arith.constant 1280 : i32
    %mul3A_187 = arith.muli %arg1, %mul3A_186 : i32
    %add3A_188 = arith.addi %mul3A_185, %mul3A_187 : i32
    "tpu.region"() ({
      %run_scoped3A = tpu.sem_alloc : memref<!tpu.dma_semaphore, #tpu.memory_space<semaphore_mem>>
      %dma_start3A = tpu.memref_slice %arg2[%add3A_188] : memref<655360xf32, #tpu.memory_space<hbm>> -> memref<1280xf32, #tpu.memory_space<hbm>>
      %dma_start3A_249 = tpu.memref_slice %arg2[%add3A_188] : memref<655360xf32, #tpu.memory_space<hbm>> -> memref<1280xf32, #tpu.memory_space<hbm>>
      tpu.enqueue_dma source(%dma_start3A_249 : memref<1280xf32, #tpu.memory_space<hbm>>) target(%arg5 : memref<1280xf32, #tpu.memory_space<vmem>>) target_semaphore(%run_scoped3A : memref<!tpu.dma_semaphore, #tpu.memory_space<semaphore_mem>>)
      %dma_wait3A = tpu.memref_slice %arg2[%add3A_188] : memref<655360xf32, #tpu.memory_space<hbm>> -> memref<1280xf32, #tpu.memory_space<hbm>>
      %dma_wait3A_250 = tpu.memref_slice %arg2[%add3A_188] : memref<655360xf32, #tpu.memory_space<hbm>> -> memref<1280xf32, #tpu.memory_space<hbm>>
      tpu.wait_dma2 semaphore(%run_scoped3A : memref<!tpu.dma_semaphore, #tpu.memory_space<semaphore_mem>>) src(%dma_wait3A_250 : memref<1280xf32, #tpu.memory_space<hbm>>) dst(%arg5 : memref<1280xf32, #tpu.memory_space<vmem>>)
      tpu.yield
    }) : () -> ()
    %scan3A_189 = arith.constant 0 : i32
    %scan3A_190 = arith.constant 0 : i32
    %scan3A_191 = arith.constant 80 : i32
    %scan3A_192 = arith.addi %scan3A_190, %scan3A_191 : i32
    %scan3A_193 = arith.constant 1 : i32
    %scan3A_194 = scf.for %scan3A_249 = %scan3A_190 to %scan3A_192 step %scan3A_193 iter_args(%scan3A_250 = %scan3A_189) -> (i32)  : i32 {
      %mul3A_251 = arith.constant 16 : i32
      %mul3A_252 = arith.muli %scan3A_249, %mul3A_251 : i32
      %get3A = arith.index_cast %mul3A_252 : i32 to index
      %get3A_253 = tpu.vector_load %arg4[%get3A] {strides = array<i32>} : memref<1280xf32, #tpu.memory_space<vmem>>, vector<16xf32>,
      %get3A_254 = arith.index_cast %mul3A_252 : i32 to index
      %get3A_255 = tpu.vector_load %arg5[%get3A_254] {strides = array<i32>} : memref<1280xf32, #tpu.memory_space<vmem>>, vector<16xf32>,
      %add3A_256 = arith.addf %get3A_253, %get3A_255 : vector<16xf32>
      %swap3A = arith.index_cast %mul3A_252 : i32 to index
      %swap3A_257 = tpu.vector_load %arg4[%swap3A] {strides = array<i32>} : memref<1280xf32, #tpu.memory_space<vmem>>, vector<16xf32>,
      tpu.vector_store %arg4[%swap3A], %add3A_256 {strides = array<i32>} : memref<1280xf32, #tpu.memory_space<vmem>>, vector<16xf32>,
      %scan3A_258 = arith.constant 0 : i32
      scf.yield %scan3A_258 : i32
    }
    %scan3A_195 = arith.constant 80 : i32
    %mul3A_196 = arith.constant 16 : i32
    %mul3A_197 = arith.muli %arg0, %mul3A_196 : i32
    %add3A_198 = arith.constant 13 : i32
    %add3A_199 = arith.addi %mul3A_197, %add3A_198 : i32
    %mul3A_200 = arith.constant 20480 : i32
    %mul3A_201 = arith.muli %add3A_199, %mul3A_200 : i32
    %mul3A_202 = arith.constant 1280 : i32
    %mul3A_203 = arith.muli %arg1, %mul3A_202 : i32
    %add3A_204 = arith.addi %mul3A_201, %mul3A_203 : i32
    "tpu.region"() ({
      %run_scoped3A = tpu.sem_alloc : memref<!tpu.dma_semaphore, #tpu.memory_space<semaphore_mem>>
      %dma_start3A = tpu.memref_slice %arg2[%add3A_204] : memref<655360xf32, #tpu.memory_space<hbm>> -> memref<1280xf32, #tpu.memory_space<hbm>>
      %dma_start3A_249 = tpu.memref_slice %arg2[%add3A_204] : memref<655360xf32, #tpu.memory_space<hbm>> -> memref<1280xf32, #tpu.memory_space<hbm>>
      tpu.enqueue_dma source(%dma_start3A_249 : memref<1280xf32, #tpu.memory_space<hbm>>) target(%arg5 : memref<1280xf32, #tpu.memory_space<vmem>>) target_semaphore(%run_scoped3A : memref<!tpu.dma_semaphore, #tpu.memory_space<semaphore_mem>>)
      %dma_wait3A = tpu.memref_slice %arg2[%add3A_204] : memref<655360xf32, #tpu.memory_space<hbm>> -> memref<1280xf32, #tpu.memory_space<hbm>>
      %dma_wait3A_250 = tpu.memref_slice %arg2[%add3A_204] : memref<655360xf32, #tpu.memory_space<hbm>> -> memref<1280xf32, #tpu.memory_space<hbm>>
      tpu.wait_dma2 semaphore(%run_scoped3A : memref<!tpu.dma_semaphore, #tpu.memory_space<semaphore_mem>>) src(%dma_wait3A_250 : memref<1280xf32, #tpu.memory_space<hbm>>) dst(%arg5 : memref<1280xf32, #tpu.memory_space<vmem>>)
      tpu.yield
    }) : () -> ()
    %scan3A_205 = arith.constant 0 : i32
    %scan3A_206 = arith.constant 0 : i32
    %scan3A_207 = arith.constant 80 : i32
    %scan3A_208 = arith.addi %scan3A_206, %scan3A_207 : i32
    %scan3A_209 = arith.constant 1 : i32
    %scan3A_210 = scf.for %scan3A_249 = %scan3A_206 to %scan3A_208 step %scan3A_209 iter_args(%scan3A_250 = %scan3A_205) -> (i32)  : i32 {
      %mul3A_251 = arith.constant 16 : i32
      %mul3A_252 = arith.muli %scan3A_249, %mul3A_251 : i32
      %get3A = arith.index_cast %mul3A_252 : i32 to index
      %get3A_253 = tpu.vector_load %arg4[%get3A] {strides = array<i32>} : memref<1280xf32, #tpu.memory_space<vmem>>, vector<16xf32>,
      %get3A_254 = arith.index_cast %mul3A_252 : i32 to index
      %get3A_255 = tpu.vector_load %arg5[%get3A_254] {strides = array<i32>} : memref<1280xf32, #tpu.memory_space<vmem>>, vector<16xf32>,
      %add3A_256 = arith.addf %get3A_253, %get3A_255 : vector<16xf32>
      %swap3A = arith.index_cast %mul3A_252 : i32 to index
      %swap3A_257 = tpu.vector_load %arg4[%swap3A] {strides = array<i32>} : memref<1280xf32, #tpu.memory_space<vmem>>, vector<16xf32>,
      tpu.vector_store %arg4[%swap3A], %add3A_256 {strides = array<i32>} : memref<1280xf32, #tpu.memory_space<vmem>>, vector<16xf32>,
      %scan3A_258 = arith.constant 0 : i32
      scf.yield %scan3A_258 : i32
    }
    %scan3A_211 = arith.constant 80 : i32
    %mul3A_212 = arith.constant 16 : i32
    %mul3A_213 = arith.muli %arg0, %mul3A_212 : i32
    %add3A_214 = arith.constant 14 : i32
    %add3A_215 = arith.addi %mul3A_213, %add3A_214 : i32
    %mul3A_216 = arith.constant 20480 : i32
    %mul3A_217 = arith.muli %add3A_215, %mul3A_216 : i32
    %mul3A_218 = arith.constant 1280 : i32
    %mul3A_219 = arith.muli %arg1, %mul3A_218 : i32
    %add3A_220 = arith.addi %mul3A_217, %mul3A_219 : i32
    "tpu.region"() ({
      %run_scoped3A = tpu.sem_alloc : memref<!tpu.dma_semaphore, #tpu.memory_space<semaphore_mem>>
      %dma_start3A = tpu.memref_slice %arg2[%add3A_220] : memref<655360xf32, #tpu.memory_space<hbm>> -> memref<1280xf32, #tpu.memory_space<hbm>>
      %dma_start3A_249 = tpu.memref_slice %arg2[%add3A_220] : memref<655360xf32, #tpu.memory_space<hbm>> -> memref<1280xf32, #tpu.memory_space<hbm>>
      tpu.enqueue_dma source(%dma_start3A_249 : memref<1280xf32, #tpu.memory_space<hbm>>) target(%arg5 : memref<1280xf32, #tpu.memory_space<vmem>>) target_semaphore(%run_scoped3A : memref<!tpu.dma_semaphore, #tpu.memory_space<semaphore_mem>>)
      %dma_wait3A = tpu.memref_slice %arg2[%add3A_220] : memref<655360xf32, #tpu.memory_space<hbm>> -> memref<1280xf32, #tpu.memory_space<hbm>>
      %dma_wait3A_250 = tpu.memref_slice %arg2[%add3A_220] : memref<655360xf32, #tpu.memory_space<hbm>> -> memref<1280xf32, #tpu.memory_space<hbm>>
      tpu.wait_dma2 semaphore(%run_scoped3A : memref<!tpu.dma_semaphore, #tpu.memory_space<semaphore_mem>>) src(%dma_wait3A_250 : memref<1280xf32, #tpu.memory_space<hbm>>) dst(%arg5 : memref<1280xf32, #tpu.memory_space<vmem>>)
      tpu.yield
    }) : () -> ()
    %scan3A_221 = arith.constant 0 : i32
    %scan3A_222 = arith.constant 0 : i32
    %scan3A_223 = arith.constant 80 : i32
    %scan3A_224 = arith.addi %scan3A_222, %scan3A_223 : i32
    %scan3A_225 = arith.constant 1 : i32
    %scan3A_226 = scf.for %scan3A_249 = %scan3A_222 to %scan3A_224 step %scan3A_225 iter_args(%scan3A_250 = %scan3A_221) -> (i32)  : i32 {
      %mul3A_251 = arith.constant 16 : i32
      %mul3A_252 = arith.muli %scan3A_249, %mul3A_251 : i32
      %get3A = arith.index_cast %mul3A_252 : i32 to index
      %get3A_253 = tpu.vector_load %arg4[%get3A] {strides = array<i32>} : memref<1280xf32, #tpu.memory_space<vmem>>, vector<16xf32>,
      %get3A_254 = arith.index_cast %mul3A_252 : i32 to index
      %get3A_255 = tpu.vector_load %arg5[%get3A_254] {strides = array<i32>} : memref<1280xf32, #tpu.memory_space<vmem>>, vector<16xf32>,
      %add3A_256 = arith.addf %get3A_253, %get3A_255 : vector<16xf32>
      %swap3A = arith.index_cast %mul3A_252 : i32 to index
      %swap3A_257 = tpu.vector_load %arg4[%swap3A] {strides = array<i32>} : memref<1280xf32, #tpu.memory_space<vmem>>, vector<16xf32>,
      tpu.vector_store %arg4[%swap3A], %add3A_256 {strides = array<i32>} : memref<1280xf32, #tpu.memory_space<vmem>>, vector<16xf32>,
      %scan3A_258 = arith.constant 0 : i32
      scf.yield %scan3A_258 : i32
    }
    %scan3A_227 = arith.constant 80 : i32
    %mul3A_228 = arith.constant 16 : i32
    %mul3A_229 = arith.muli %arg0, %mul3A_228 : i32
    %add3A_230 = arith.constant 15 : i32
    %add3A_231 = arith.addi %mul3A_229, %add3A_230 : i32
    %mul3A_232 = arith.constant 20480 : i32
    %mul3A_233 = arith.muli %add3A_231, %mul3A_232 : i32
    %mul3A_234 = arith.constant 1280 : i32
    %mul3A_235 = arith.muli %arg1, %mul3A_234 : i32
    %add3A_236 = arith.addi %mul3A_233, %mul3A_235 : i32
    "tpu.region"() ({
      %run_scoped3A = tpu.sem_alloc : memref<!tpu.dma_semaphore, #tpu.memory_space<semaphore_mem>>
      %dma_start3A = tpu.memref_slice %arg2[%add3A_236] : memref<655360xf32, #tpu.memory_space<hbm>> -> memref<1280xf32, #tpu.memory_space<hbm>>
      %dma_start3A_249 = tpu.memref_slice %arg2[%add3A_236] : memref<655360xf32, #tpu.memory_space<hbm>> -> memref<1280xf32, #tpu.memory_space<hbm>>
      tpu.enqueue_dma source(%dma_start3A_249 : memref<1280xf32, #tpu.memory_space<hbm>>) target(%arg5 : memref<1280xf32, #tpu.memory_space<vmem>>) target_semaphore(%run_scoped3A : memref<!tpu.dma_semaphore, #tpu.memory_space<semaphore_mem>>)
      %dma_wait3A = tpu.memref_slice %arg2[%add3A_236] : memref<655360xf32, #tpu.memory_space<hbm>> -> memref<1280xf32, #tpu.memory_space<hbm>>
      %dma_wait3A_250 = tpu.memref_slice %arg2[%add3A_236] : memref<655360xf32, #tpu.memory_space<hbm>> -> memref<1280xf32, #tpu.memory_space<hbm>>
      tpu.wait_dma2 semaphore(%run_scoped3A : memref<!tpu.dma_semaphore, #tpu.memory_space<semaphore_mem>>) src(%dma_wait3A_250 : memref<1280xf32, #tpu.memory_space<hbm>>) dst(%arg5 : memref<1280xf32, #tpu.memory_space<vmem>>)
      tpu.yield
    }) : () -> ()
    %scan3A_237 = arith.constant 0 : i32
    %scan3A_238 = arith.constant 0 : i32
    %scan3A_239 = arith.constant 80 : i32
    %scan3A_240 = arith.addi %scan3A_238, %scan3A_239 : i32
    %scan3A_241 = arith.constant 1 : i32
    %scan3A_242 = scf.for %scan3A_249 = %scan3A_238 to %scan3A_240 step %scan3A_241 iter_args(%scan3A_250 = %scan3A_237) -> (i32)  : i32 {
      %mul3A_251 = arith.constant 16 : i32
      %mul3A_252 = arith.muli %scan3A_249, %mul3A_251 : i32
      %get3A = arith.index_cast %mul3A_252 : i32 to index
      %get3A_253 = tpu.vector_load %arg4[%get3A] {strides = array<i32>} : memref<1280xf32, #tpu.memory_space<vmem>>, vector<16xf32>,
      %get3A_254 = arith.index_cast %mul3A_252 : i32 to index
      %get3A_255 = tpu.vector_load %arg5[%get3A_254] {strides = array<i32>} : memref<1280xf32, #tpu.memory_space<vmem>>, vector<16xf32>,
      %add3A_256 = arith.addf %get3A_253, %get3A_255 : vector<16xf32>
      %swap3A = arith.index_cast %mul3A_252 : i32 to index
      %swap3A_257 = tpu.vector_load %arg4[%swap3A] {strides = array<i32>} : memref<1280xf32, #tpu.memory_space<vmem>>, vector<16xf32>,
      tpu.vector_store %arg4[%swap3A], %add3A_256 {strides = array<i32>} : memref<1280xf32, #tpu.memory_space<vmem>>, vector<16xf32>,
      %scan3A_258 = arith.constant 0 : i32
      scf.yield %scan3A_258 : i32
    }
    %scan3A_243 = arith.constant 80 : i32
    %mul3A_244 = arith.constant 20480 : i32
    %mul3A_245 = arith.muli %arg0, %mul3A_244 : i32
    %mul3A_246 = arith.constant 1280 : i32
    %mul3A_247 = arith.muli %arg1, %mul3A_246 : i32
    %add3A_248 = arith.addi %mul3A_245, %mul3A_247 : i32
    "tpu.region"() ({
      %run_scoped3A = tpu.sem_alloc : memref<!tpu.dma_semaphore, #tpu.memory_space<semaphore_mem>>
      %dma_start3A = tpu.memref_slice %arg3[%add3A_248] : memref<40960xf32, #tpu.memory_space<hbm>> -> memref<1280xf32, #tpu.memory_space<hbm>>
      %dma_start3A_249 = tpu.memref_slice %arg3[%add3A_248] : memref<40960xf32, #tpu.memory_space<hbm>> -> memref<1280xf32, #tpu.memory_space<hbm>>
      tpu.enqueue_dma source(%arg4 : memref<1280xf32, #tpu.memory_space<vmem>>) target(%dma_start3A_249 : memref<1280xf32, #tpu.memory_space<hbm>>) target_semaphore(%run_scoped3A : memref<!tpu.dma_semaphore, #tpu.memory_space<semaphore_mem>>)
      %dma_wait3A = tpu.memref_slice %arg3[%add3A_248] : memref<40960xf32, #tpu.memory_space<hbm>> -> memref<1280xf32, #tpu.memory_space<hbm>>
      %dma_wait3A_250 = tpu.memref_slice %arg3[%add3A_248] : memref<40960xf32, #tpu.memory_space<hbm>> -> memref<1280xf32, #tpu.memory_space<hbm>>
      tpu.wait_dma2 semaphore(%run_scoped3A : memref<!tpu.dma_semaphore, #tpu.memory_space<semaphore_mem>>) src(%arg4 : memref<1280xf32, #tpu.memory_space<vmem>>) dst(%dma_wait3A_250 : memref<1280xf32, #tpu.memory_space<hbm>>)
      tpu.yield
    }) : () -> ()
    return
  }
}

#map = affine_map<(d0, d1) -> (0, 0)>
#map1 = affine_map<(d0, d1) -> (0)>
module attributes {stable_mosaic.version = 14 : i64} {
  func.func @_aggregate_body(%arg0: i32, %arg1: i32, %arg2: memref<80000x64xf32, #tpu.memory_space<hbm>>, %arg3: memref<320000xi32, #tpu.memory_space<hbm>>, %arg4: memref<320000xi32, #tpu.memory_space<hbm>>, %arg5: memref<1280000xf32, #tpu.memory_space<hbm>>, %arg6: memref<40960xf32, #tpu.memory_space<hbm>>, %arg7: memref<640x64xf32, #tpu.memory_space<hbm>>, %arg8: memref<81920x64xf32, #tpu.memory_space<hbm>>, %arg9: memref<20000xf32, #tpu.memory_space<vmem>>, %arg10: memref<80xi32, #tpu.memory_space<vmem>>, %arg11: memref<80xi32, #tpu.memory_space<vmem>>, %arg12: memref<80xi32, #tpu.memory_space<vmem>>, %arg13: memref<160xf32, #tpu.memory_space<vmem>>, %arg14: memref<16xf32, #tpu.memory_space<vmem>>, %arg15: memref<80x64xf32, #tpu.memory_space<vmem>>, %arg16: memref<10240x64xf32, #tpu.memory_space<vmem_shared>>, %arg17: memref<!tpu.dma_semaphore, #tpu.memory_space<semaphore_mem>>) attributes {dimension_semantics = [#tpu.dimension_semantics<core_parallel>, #tpu.dimension_semantics<subcore_parallel>], iteration_bounds = array<i64: 2, 16>, scalar_prefetch = 0 : i64, scratch_operands = 9 : i64, tpu.core_type = #tpu.core_type<sc_vector_subcore>, window_params = [{transform_indices = #map}, {transform_indices = #map1}, {transform_indices = #map1}, {transform_indices = #map1}, {transform_indices = #map1}, {transform_indices = #map}, {transform_indices = #map}]} {
    %mul3A = arith.constant 20000 : i32
    %mul3A_0 = arith.muli %arg1, %mul3A : i32
    %mul3A_1 = arith.constant 20480 : i32
    %mul3A_2 = arith.muli %arg0, %mul3A_1 : i32
    "tpu.region"() ({
      %run_scoped3A = tpu.sem_alloc : memref<!tpu.dma_semaphore, #tpu.memory_space<semaphore_mem>>
      %dma_start3A = tpu.memref_slice %arg6[%mul3A_2] : memref<40960xf32, #tpu.memory_space<hbm>> -> memref<20000xf32, #tpu.memory_space<hbm>>
      %dma_start3A_9 = tpu.memref_slice %arg6[%mul3A_2] : memref<40960xf32, #tpu.memory_space<hbm>> -> memref<20000xf32, #tpu.memory_space<hbm>>
      tpu.enqueue_dma source(%dma_start3A_9 : memref<20000xf32, #tpu.memory_space<hbm>>) target(%arg9 : memref<20000xf32, #tpu.memory_space<vmem>>) target_semaphore(%run_scoped3A : memref<!tpu.dma_semaphore, #tpu.memory_space<semaphore_mem>>)
      %dma_wait3A = tpu.memref_slice %arg6[%mul3A_2] : memref<40960xf32, #tpu.memory_space<hbm>> -> memref<20000xf32, #tpu.memory_space<hbm>>
      %dma_wait3A_10 = tpu.memref_slice %arg6[%mul3A_2] : memref<40960xf32, #tpu.memory_space<hbm>> -> memref<20000xf32, #tpu.memory_space<hbm>>
      tpu.wait_dma2 semaphore(%run_scoped3A : memref<!tpu.dma_semaphore, #tpu.memory_space<semaphore_mem>>) src(%dma_wait3A_10 : memref<20000xf32, #tpu.memory_space<hbm>>) dst(%arg9 : memref<20000xf32, #tpu.memory_space<vmem>>)
      tpu.yield
    }) : () -> ()
    %iota3A = tpu.iota {dimensions = array<i32: 0>} : vector<16xi32>
    %scan3A = arith.constant 0 : i32
    %scan3A_3 = arith.constant 0 : i32
    %scan3A_4 = arith.constant 4 : i32
    %scan3A_5 = arith.addi %scan3A_3, %scan3A_4 : i32
    %scan3A_6 = arith.constant 1 : i32
    %scan3A_7 = scf.for %scan3A_9 = %scan3A_3 to %scan3A_5 step %scan3A_6 iter_args(%scan3A_10 = %scan3A) -> (i32)  : i32 {
      %mul3A_11 = arith.constant 4 : i32
      %mul3A_12 = arith.muli %mul3A_11, %arg0 : i32
      %add3A = arith.addi %mul3A_12, %scan3A_9 : i32
      %jit3A = arith.constant 2 : i32
      %div3A = arith.divsi %scan3A_9, %jit3A : i32
      %sign3A = arith.constant 0 : i32
      %sign3A_13 = arith.cmpi sgt, %scan3A_9, %sign3A : i32
      %sign3A_14 = arith.extui %sign3A_13 : i1 to i32
      %sign3A_15 = arith.constant 0 : i32
      %sign3A_16 = arith.cmpi slt, %scan3A_9, %sign3A_15 : i32
      %sign3A_17 = arith.extui %sign3A_16 : i1 to i32
      %sign3A_18 = arith.subi %sign3A_14, %sign3A_17 : i32
      %sign3A_19 = arith.constant 0 : i32
      %sign3A_20 = arith.cmpi sgt, %jit3A, %sign3A_19 : i32
      %sign3A_21 = arith.extui %sign3A_20 : i1 to i32
      %sign3A_22 = arith.constant 0 : i32
      %sign3A_23 = arith.cmpi slt, %jit3A, %sign3A_22 : i32
      %sign3A_24 = arith.extui %sign3A_23 : i1 to i32
      %sign3A_25 = arith.subi %sign3A_21, %sign3A_24 : i32
      %ne3A = arith.cmpi ne, %sign3A_18, %sign3A_25 : i32
      %rem3A = arith.remsi %scan3A_9, %jit3A : i32
      %ne3A_26 = arith.constant 0 : i32
      %ne3A_27 = arith.cmpi ne, %rem3A, %ne3A_26 : i32
      %and3A = arith.andi %ne3A, %ne3A_27 : i1
      %sub3A = arith.constant 1 : i32
      %sub3A_28 = arith.subi %div3A, %sub3A : i32
      %select_n3A = arith.select %and3A, %sub3A_28, %div3A : i32
      %mul3A_29 = arith.constant 640 : i32
      %mul3A_30 = arith.muli %arg1, %mul3A_29 : i32
      "tpu.region"() ({
        %run_scoped3A = tpu.sem_alloc : memref<!tpu.dma_semaphore, #tpu.memory_space<semaphore_mem>>
        %dma_start3A = arith.constant 0 : i32
        %dma_start3A_48 = tpu.memref_slice %arg16[%mul3A_30, %dma_start3A] : memref<10240x64xf32, #tpu.memory_space<vmem_shared>> -> memref<640x64xf32, #tpu.memory_space<vmem_shared>>
        tpu.enqueue_dma source(%arg7 : memref<640x64xf32, #tpu.memory_space<hbm>>) target(%dma_start3A_48 : memref<640x64xf32, #tpu.memory_space<vmem_shared>>) target_semaphore(%run_scoped3A : memref<!tpu.dma_semaphore, #tpu.memory_space<semaphore_mem>>)
        %dma_wait3A = arith.constant 0 : i32
        %dma_wait3A_49 = tpu.memref_slice %arg16[%mul3A_30, %dma_wait3A] : memref<10240x64xf32, #tpu.memory_space<vmem_shared>> -> memref<640x64xf32, #tpu.memory_space<vmem_shared>>
        tpu.wait_dma2 semaphore(%run_scoped3A : memref<!tpu.dma_semaphore, #tpu.memory_space<semaphore_mem>>) src(%arg7 : memref<640x64xf32, #tpu.memory_space<hbm>>) dst(%dma_wait3A_49 : memref<640x64xf32, #tpu.memory_space<vmem_shared>>)
        tpu.yield
      }) : () -> ()
      %barrier3A = arith.constant 0 : index
      tpu.barrier barrier_id(%barrier3A)
      %scan3A_31 = arith.constant 0 : i32
      %scan3A_32 = arith.constant 0 : i32
      %scan3A_33 = arith.constant 250 : i32
      %scan3A_34 = arith.addi %scan3A_32, %scan3A_33 : i32
      %scan3A_35 = arith.constant 1 : i32
      %scan3A_36 = scf.for %scan3A_48 = %scan3A_32 to %scan3A_34 step %scan3A_35 iter_args(%scan3A_49 = %scan3A_31) -> (i32)  : i32 {
        %mul3A_50 = arith.constant 80 : i32
        %mul3A_51 = arith.muli %scan3A_48, %mul3A_50 : i32
        %add3A_52 = arith.addi %mul3A_0, %mul3A_51 : i32
        "tpu.region"() ({
          %run_scoped3A = tpu.sem_alloc : memref<!tpu.dma_semaphore, #tpu.memory_space<semaphore_mem>>
          %dma_start3A_77 = tpu.memref_slice %arg3[%add3A_52] : memref<320000xi32, #tpu.memory_space<hbm>> -> memref<80xi32, #tpu.memory_space<hbm>>
          %dma_start3A_78 = tpu.memref_slice %arg3[%add3A_52] : memref<320000xi32, #tpu.memory_space<hbm>> -> memref<80xi32, #tpu.memory_space<hbm>>
          tpu.enqueue_dma source(%dma_start3A_78 : memref<80xi32, #tpu.memory_space<hbm>>) target(%arg10 : memref<80xi32, #tpu.memory_space<vmem>>) target_semaphore(%run_scoped3A : memref<!tpu.dma_semaphore, #tpu.memory_space<semaphore_mem>>)
          %dma_wait3A_79 = tpu.memref_slice %arg3[%add3A_52] : memref<320000xi32, #tpu.memory_space<hbm>> -> memref<80xi32, #tpu.memory_space<hbm>>
          %dma_wait3A_80 = tpu.memref_slice %arg3[%add3A_52] : memref<320000xi32, #tpu.memory_space<hbm>> -> memref<80xi32, #tpu.memory_space<hbm>>
          tpu.wait_dma2 semaphore(%run_scoped3A : memref<!tpu.dma_semaphore, #tpu.memory_space<semaphore_mem>>) src(%dma_wait3A_80 : memref<80xi32, #tpu.memory_space<hbm>>) dst(%arg10 : memref<80xi32, #tpu.memory_space<vmem>>)
          tpu.yield
        }) : () -> ()
        "tpu.region"() ({
          %run_scoped3A = tpu.sem_alloc : memref<!tpu.dma_semaphore, #tpu.memory_space<semaphore_mem>>
          %dma_start3A_77 = tpu.memref_slice %arg4[%add3A_52] : memref<320000xi32, #tpu.memory_space<hbm>> -> memref<80xi32, #tpu.memory_space<hbm>>
          %dma_start3A_78 = tpu.memref_slice %arg4[%add3A_52] : memref<320000xi32, #tpu.memory_space<hbm>> -> memref<80xi32, #tpu.memory_space<hbm>>
          tpu.enqueue_dma source(%dma_start3A_78 : memref<80xi32, #tpu.memory_space<hbm>>) target(%arg11 : memref<80xi32, #tpu.memory_space<vmem>>) target_semaphore(%run_scoped3A : memref<!tpu.dma_semaphore, #tpu.memory_space<semaphore_mem>>)
          %dma_wait3A_79 = tpu.memref_slice %arg4[%add3A_52] : memref<320000xi32, #tpu.memory_space<hbm>> -> memref<80xi32, #tpu.memory_space<hbm>>
          %dma_wait3A_80 = tpu.memref_slice %arg4[%add3A_52] : memref<320000xi32, #tpu.memory_space<hbm>> -> memref<80xi32, #tpu.memory_space<hbm>>
          tpu.wait_dma2 semaphore(%run_scoped3A : memref<!tpu.dma_semaphore, #tpu.memory_space<semaphore_mem>>) src(%dma_wait3A_80 : memref<80xi32, #tpu.memory_space<hbm>>) dst(%arg11 : memref<80xi32, #tpu.memory_space<vmem>>)
          tpu.yield
        }) : () -> ()
        %mul3A_53 = arith.constant 320000 : i32
        %mul3A_54 = arith.muli %arg0, %mul3A_53 : i32
        %add3A_55 = arith.addi %mul3A_54, %add3A_52 : i32
        %mul3A_56 = arith.constant 2 : i32
        %mul3A_57 = arith.muli %mul3A_56, %add3A_55 : i32
        "tpu.region"() ({
          %run_scoped3A = tpu.sem_alloc : memref<!tpu.dma_semaphore, #tpu.memory_space<semaphore_mem>>
          %dma_start3A_77 = tpu.memref_slice %arg5[%mul3A_57] : memref<1280000xf32, #tpu.memory_space<hbm>> -> memref<160xf32, #tpu.memory_space<hbm>>
          %dma_start3A_78 = tpu.memref_slice %arg5[%mul3A_57] : memref<1280000xf32, #tpu.memory_space<hbm>> -> memref<160xf32, #tpu.memory_space<hbm>>
          tpu.enqueue_dma source(%dma_start3A_78 : memref<160xf32, #tpu.memory_space<hbm>>) target(%arg13 : memref<160xf32, #tpu.memory_space<vmem>>) target_semaphore(%run_scoped3A : memref<!tpu.dma_semaphore, #tpu.memory_space<semaphore_mem>>)
          %dma_wait3A_79 = tpu.memref_slice %arg5[%mul3A_57] : memref<1280000xf32, #tpu.memory_space<hbm>> -> memref<160xf32, #tpu.memory_space<hbm>>
          %dma_wait3A_80 = tpu.memref_slice %arg5[%mul3A_57] : memref<1280000xf32, #tpu.memory_space<hbm>> -> memref<160xf32, #tpu.memory_space<hbm>>
          tpu.wait_dma2 semaphore(%run_scoped3A : memref<!tpu.dma_semaphore, #tpu.memory_space<semaphore_mem>>) src(%dma_wait3A_80 : memref<160xf32, #tpu.memory_space<hbm>>) dst(%arg13 : memref<160xf32, #tpu.memory_space<vmem>>)
          tpu.yield
        }) : () -> ()
        %scan3A_58 = arith.constant 0 : i32
        %scan3A_59 = arith.constant 0 : i32
        %scan3A_60 = arith.constant 5 : i32
        %scan3A_61 = arith.addi %scan3A_59, %scan3A_60 : i32
        %scan3A_62 = arith.constant 1 : i32
        %scan3A_63 = scf.for %scan3A_77 = %scan3A_59 to %scan3A_61 step %scan3A_62 iter_args(%scan3A_78 = %scan3A_58) -> (i32)  : i32 {
          %mul3A_79 = arith.constant 16 : i32
          %mul3A_80 = arith.muli %scan3A_77, %mul3A_79 : i32
          %get3A = arith.index_cast %mul3A_80 : i32 to index
          %get3A_81 = tpu.vector_load %arg10[%get3A] {strides = array<i32>} : memref<80xi32, #tpu.memory_space<vmem>>, vector<16xi32>,
          %mul3A_82 = arith.constant 10000 : i32
          %mul3A_83 = arith.muli %add3A, %mul3A_82 : i32
          %add3A_84 = vector.broadcast %mul3A_83 : i32 to vector<16xi32>
          %add3A_85 = arith.addi %get3A_81, %add3A_84 : vector<16xi32>
          %swap3A = arith.index_cast %mul3A_80 : i32 to index
          %swap3A_86 = tpu.vector_load %arg12[%swap3A] {strides = array<i32>} : memref<80xi32, #tpu.memory_space<vmem>>, vector<16xi32>,
          tpu.vector_store %arg12[%swap3A], %add3A_85 {strides = array<i32>} : memref<80xi32, #tpu.memory_space<vmem>>, vector<16xi32>,
          %scan3A_87 = arith.constant 0 : i32
          scf.yield %scan3A_87 : i32
        }
        %scan3A_64 = arith.constant 5 : i32
        %dma_start3A = arith.constant 0 : i32
        %dma_start3A_65 = arith.constant 0 : i32
        %dma_start3A_66 = tpu.memref_slice %arg2[%dma_start3A, %dma_start3A_65] : memref<80000x64xf32, #tpu.memory_space<hbm>> -> memref<80000x64xf32, #tpu.memory_space<hbm>>
        tpu.enqueue_indirect_dma source(%dma_start3A_66 : memref<80000x64xf32, #tpu.memory_space<hbm>>) target(%arg15 : memref<80x64xf32, #tpu.memory_space<vmem>>) offsets(%arg12 : memref<80xi32, #tpu.memory_space<vmem>>) semaphore(%arg17 : memref<!tpu.dma_semaphore, #tpu.memory_space<semaphore_mem>>)
        %dma_wait3A = arith.constant 0 : i32
        %dma_wait3A_67 = arith.constant 0 : i32
        %dma_wait3A_68 = tpu.memref_slice %arg2[%dma_wait3A, %dma_wait3A_67] : memref<80000x64xf32, #tpu.memory_space<hbm>> -> memref<80000x64xf32, #tpu.memory_space<hbm>>
        tpu.wait_indirect_dma semaphore(%arg17 : memref<!tpu.dma_semaphore, #tpu.memory_space<semaphore_mem>>) src(%dma_wait3A_68 : memref<80000x64xf32, #tpu.memory_space<hbm>>) dst(%arg15 : memref<80x64xf32, #tpu.memory_space<vmem>>)
        %scan3A_69 = arith.constant 0 : i32
        %scan3A_70 = arith.constant 0 : i32
        %scan3A_71 = arith.constant 5 : i32
        %scan3A_72 = arith.addi %scan3A_70, %scan3A_71 : i32
        %scan3A_73 = arith.constant 1 : i32
        %scan3A_74 = scf.for %scan3A_77 = %scan3A_70 to %scan3A_72 step %scan3A_73 iter_args(%scan3A_78 = %scan3A_69) -> (i32)  : i32 {
          %mul3A_79 = arith.constant 16 : i32
          %mul3A_80 = arith.muli %scan3A_77, %mul3A_79 : i32
          %add3A_81 = vector.broadcast %mul3A_80 : i32 to vector<16xi32>
          %add3A_82 = arith.addi %iota3A, %add3A_81 : vector<16xi32>
          %mul3A_83 = arith.constant 16 : i32
          %mul3A_84 = arith.muli %scan3A_77, %mul3A_83 : i32
          %get3A = arith.index_cast %mul3A_84 : i32 to index
          %get3A_85 = tpu.vector_load %arg11[%get3A] {strides = array<i32>} : memref<80xi32, #tpu.memory_space<vmem>>, vector<16xi32>,
          %mul3A_86 = arith.constant 2 : i32
          %mul3A_87 = vector.broadcast %mul3A_86 : i32 to vector<16xi32>
          %mul3A_88 = arith.muli %add3A_82, %mul3A_87 : vector<16xi32>
          %add3A_89 = vector.broadcast %select_n3A : i32 to vector<16xi32>
          %add3A_90 = arith.addi %mul3A_88, %add3A_89 : vector<16xi32>
          %gather3A = tpu.vector_load_idx %arg13[%add3A_90] : memref<160xf32, #tpu.memory_space<vmem>>[vector<16xi32>], vector<16xf32>,
          %mul3A_91 = arith.constant 2 : i32
          %mul3A_92 = vector.broadcast %mul3A_91 : i32 to vector<16xi32>
          %mul3A_93 = arith.muli %get3A_85, %mul3A_92 : vector<16xi32>
          %add3A_94 = vector.broadcast %select_n3A : i32 to vector<16xi32>
          %add3A_95 = arith.addi %mul3A_93, %add3A_94 : vector<16xi32>
          %gather3A_96 = tpu.vector_load_idx %arg9[%add3A_95] : memref<20000xf32, #tpu.memory_space<vmem>>[vector<16xi32>], vector<16xf32>,
          %div3A_97 = arith.divf %gather3A, %gather3A_96 : vector<16xf32>
          %broadcast_in_dim3A = arith.constant 0 : i32
          %broadcast_in_dim3A_98 = vector.broadcast %broadcast_in_dim3A : i32 to vector<16xi32>
          %gather3A_99 = tpu.vector_load_idx %arg15[%add3A_82, %broadcast_in_dim3A_98] : memref<80x64xf32, #tpu.memory_space<vmem>>[vector<16xi32>, vector<16xi32>], vector<16xf32>,
          %mul3A_100 = arith.mulf %gather3A_99, %div3A_97 : vector<16xf32>
          tpu.vector_store_idx %arg15[%add3A_82, %broadcast_in_dim3A_98], %mul3A_100 : memref<80x64xf32, #tpu.memory_space<vmem>>[vector<16xi32>, vector<16xi32>], vector<16xf32>,
          %broadcast_in_dim3A_101 = arith.constant 1 : i32
          %broadcast_in_dim3A_102 = vector.broadcast %broadcast_in_dim3A_101 : i32 to vector<16xi32>
          %gather3A_103 = tpu.vector_load_idx %arg15[%add3A_82, %broadcast_in_dim3A_102] : memref<80x64xf32, #tpu.memory_space<vmem>>[vector<16xi32>, vector<16xi32>], vector<16xf32>,
          %mul3A_104 = arith.mulf %gather3A_103, %div3A_97 : vector<16xf32>
          tpu.vector_store_idx %arg15[%add3A_82, %broadcast_in_dim3A_102], %mul3A_104 : memref<80x64xf32, #tpu.memory_space<vmem>>[vector<16xi32>, vector<16xi32>], vector<16xf32>,
          %broadcast_in_dim3A_105 = arith.constant 2 : i32
          %broadcast_in_dim3A_106 = vector.broadcast %broadcast_in_dim3A_105 : i32 to vector<16xi32>
          %gather3A_107 = tpu.vector_load_idx %arg15[%add3A_82, %broadcast_in_dim3A_106] : memref<80x64xf32, #tpu.memory_space<vmem>>[vector<16xi32>, vector<16xi32>], vector<16xf32>,
          %mul3A_108 = arith.mulf %gather3A_107, %div3A_97 : vector<16xf32>
          tpu.vector_store_idx %arg15[%add3A_82, %broadcast_in_dim3A_106], %mul3A_108 : memref<80x64xf32, #tpu.memory_space<vmem>>[vector<16xi32>, vector<16xi32>], vector<16xf32>,
          %broadcast_in_dim3A_109 = arith.constant 3 : i32
          %broadcast_in_dim3A_110 = vector.broadcast %broadcast_in_dim3A_109 : i32 to vector<16xi32>
          %gather3A_111 = tpu.vector_load_idx %arg15[%add3A_82, %broadcast_in_dim3A_110] : memref<80x64xf32, #tpu.memory_space<vmem>>[vector<16xi32>, vector<16xi32>], vector<16xf32>,
          %mul3A_112 = arith.mulf %gather3A_111, %div3A_97 : vector<16xf32>
          tpu.vector_store_idx %arg15[%add3A_82, %broadcast_in_dim3A_110], %mul3A_112 : memref<80x64xf32, #tpu.memory_space<vmem>>[vector<16xi32>, vector<16xi32>], vector<16xf32>,
          %broadcast_in_dim3A_113 = arith.constant 4 : i32
          %broadcast_in_dim3A_114 = vector.broadcast %broadcast_in_dim3A_113 : i32 to vector<16xi32>
          %gather3A_115 = tpu.vector_load_idx %arg15[%add3A_82, %broadcast_in_dim3A_114] : memref<80x64xf32, #tpu.memory_space<vmem>>[vector<16xi32>, vector<16xi32>], vector<16xf32>,
          %mul3A_116 = arith.mulf %gather3A_115, %div3A_97 : vector<16xf32>
          tpu.vector_store_idx %arg15[%add3A_82, %broadcast_in_dim3A_114], %mul3A_116 : memref<80x64xf32, #tpu.memory_space<vmem>>[vector<16xi32>, vector<16xi32>], vector<16xf32>,
          %broadcast_in_dim3A_117 = arith.constant 5 : i32
          %broadcast_in_dim3A_118 = vector.broadcast %broadcast_in_dim3A_117 : i32 to vector<16xi32>
          %gather3A_119 = tpu.vector_load_idx %arg15[%add3A_82, %broadcast_in_dim3A_118] : memref<80x64xf32, #tpu.memory_space<vmem>>[vector<16xi32>, vector<16xi32>], vector<16xf32>,
          %mul3A_120 = arith.mulf %gather3A_119, %div3A_97 : vector<16xf32>
          tpu.vector_store_idx %arg15[%add3A_82, %broadcast_in_dim3A_118], %mul3A_120 : memref<80x64xf32, #tpu.memory_space<vmem>>[vector<16xi32>, vector<16xi32>], vector<16xf32>,
          %broadcast_in_dim3A_121 = arith.constant 6 : i32
          %broadcast_in_dim3A_122 = vector.broadcast %broadcast_in_dim3A_121 : i32 to vector<16xi32>
          %gather3A_123 = tpu.vector_load_idx %arg15[%add3A_82, %broadcast_in_dim3A_122] : memref<80x64xf32, #tpu.memory_space<vmem>>[vector<16xi32>, vector<16xi32>], vector<16xf32>,
          %mul3A_124 = arith.mulf %gather3A_123, %div3A_97 : vector<16xf32>
          tpu.vector_store_idx %arg15[%add3A_82, %broadcast_in_dim3A_122], %mul3A_124 : memref<80x64xf32, #tpu.memory_space<vmem>>[vector<16xi32>, vector<16xi32>], vector<16xf32>,
          %broadcast_in_dim3A_125 = arith.constant 7 : i32
          %broadcast_in_dim3A_126 = vector.broadcast %broadcast_in_dim3A_125 : i32 to vector<16xi32>
          %gather3A_127 = tpu.vector_load_idx %arg15[%add3A_82, %broadcast_in_dim3A_126] : memref<80x64xf32, #tpu.memory_space<vmem>>[vector<16xi32>, vector<16xi32>], vector<16xf32>,
          %mul3A_128 = arith.mulf %gather3A_127, %div3A_97 : vector<16xf32>
          tpu.vector_store_idx %arg15[%add3A_82, %broadcast_in_dim3A_126], %mul3A_128 : memref<80x64xf32, #tpu.memory_space<vmem>>[vector<16xi32>, vector<16xi32>], vector<16xf32>,
          %broadcast_in_dim3A_129 = arith.constant 8 : i32
          %broadcast_in_dim3A_130 = vector.broadcast %broadcast_in_dim3A_129 : i32 to vector<16xi32>
          %gather3A_131 = tpu.vector_load_idx %arg15[%add3A_82, %broadcast_in_dim3A_130] : memref<80x64xf32, #tpu.memory_space<vmem>>[vector<16xi32>, vector<16xi32>], vector<16xf32>,
          %mul3A_132 = arith.mulf %gather3A_131, %div3A_97 : vector<16xf32>
          tpu.vector_store_idx %arg15[%add3A_82, %broadcast_in_dim3A_130], %mul3A_132 : memref<80x64xf32, #tpu.memory_space<vmem>>[vector<16xi32>, vector<16xi32>], vector<16xf32>,
          %broadcast_in_dim3A_133 = arith.constant 9 : i32
          %broadcast_in_dim3A_134 = vector.broadcast %broadcast_in_dim3A_133 : i32 to vector<16xi32>
          %gather3A_135 = tpu.vector_load_idx %arg15[%add3A_82, %broadcast_in_dim3A_134] : memref<80x64xf32, #tpu.memory_space<vmem>>[vector<16xi32>, vector<16xi32>], vector<16xf32>,
          %mul3A_136 = arith.mulf %gather3A_135, %div3A_97 : vector<16xf32>
          tpu.vector_store_idx %arg15[%add3A_82, %broadcast_in_dim3A_134], %mul3A_136 : memref<80x64xf32, #tpu.memory_space<vmem>>[vector<16xi32>, vector<16xi32>], vector<16xf32>,
          %broadcast_in_dim3A_137 = arith.constant 10 : i32
          %broadcast_in_dim3A_138 = vector.broadcast %broadcast_in_dim3A_137 : i32 to vector<16xi32>
          %gather3A_139 = tpu.vector_load_idx %arg15[%add3A_82, %broadcast_in_dim3A_138] : memref<80x64xf32, #tpu.memory_space<vmem>>[vector<16xi32>, vector<16xi32>], vector<16xf32>,
          %mul3A_140 = arith.mulf %gather3A_139, %div3A_97 : vector<16xf32>
          tpu.vector_store_idx %arg15[%add3A_82, %broadcast_in_dim3A_138], %mul3A_140 : memref<80x64xf32, #tpu.memory_space<vmem>>[vector<16xi32>, vector<16xi32>], vector<16xf32>,
          %broadcast_in_dim3A_141 = arith.constant 11 : i32
          %broadcast_in_dim3A_142 = vector.broadcast %broadcast_in_dim3A_141 : i32 to vector<16xi32>
          %gather3A_143 = tpu.vector_load_idx %arg15[%add3A_82, %broadcast_in_dim3A_142] : memref<80x64xf32, #tpu.memory_space<vmem>>[vector<16xi32>, vector<16xi32>], vector<16xf32>,
          %mul3A_144 = arith.mulf %gather3A_143, %div3A_97 : vector<16xf32>
          tpu.vector_store_idx %arg15[%add3A_82, %broadcast_in_dim3A_142], %mul3A_144 : memref<80x64xf32, #tpu.memory_space<vmem>>[vector<16xi32>, vector<16xi32>], vector<16xf32>,
          %broadcast_in_dim3A_145 = arith.constant 12 : i32
          %broadcast_in_dim3A_146 = vector.broadcast %broadcast_in_dim3A_145 : i32 to vector<16xi32>
          %gather3A_147 = tpu.vector_load_idx %arg15[%add3A_82, %broadcast_in_dim3A_146] : memref<80x64xf32, #tpu.memory_space<vmem>>[vector<16xi32>, vector<16xi32>], vector<16xf32>,
          %mul3A_148 = arith.mulf %gather3A_147, %div3A_97 : vector<16xf32>
          tpu.vector_store_idx %arg15[%add3A_82, %broadcast_in_dim3A_146], %mul3A_148 : memref<80x64xf32, #tpu.memory_space<vmem>>[vector<16xi32>, vector<16xi32>], vector<16xf32>,
          %broadcast_in_dim3A_149 = arith.constant 13 : i32
          %broadcast_in_dim3A_150 = vector.broadcast %broadcast_in_dim3A_149 : i32 to vector<16xi32>
          %gather3A_151 = tpu.vector_load_idx %arg15[%add3A_82, %broadcast_in_dim3A_150] : memref<80x64xf32, #tpu.memory_space<vmem>>[vector<16xi32>, vector<16xi32>], vector<16xf32>,
          %mul3A_152 = arith.mulf %gather3A_151, %div3A_97 : vector<16xf32>
          tpu.vector_store_idx %arg15[%add3A_82, %broadcast_in_dim3A_150], %mul3A_152 : memref<80x64xf32, #tpu.memory_space<vmem>>[vector<16xi32>, vector<16xi32>], vector<16xf32>,
          %broadcast_in_dim3A_153 = arith.constant 14 : i32
          %broadcast_in_dim3A_154 = vector.broadcast %broadcast_in_dim3A_153 : i32 to vector<16xi32>
          %gather3A_155 = tpu.vector_load_idx %arg15[%add3A_82, %broadcast_in_dim3A_154] : memref<80x64xf32, #tpu.memory_space<vmem>>[vector<16xi32>, vector<16xi32>], vector<16xf32>,
          %mul3A_156 = arith.mulf %gather3A_155, %div3A_97 : vector<16xf32>
          tpu.vector_store_idx %arg15[%add3A_82, %broadcast_in_dim3A_154], %mul3A_156 : memref<80x64xf32, #tpu.memory_space<vmem>>[vector<16xi32>, vector<16xi32>], vector<16xf32>,
          %broadcast_in_dim3A_157 = arith.constant 15 : i32
          %broadcast_in_dim3A_158 = vector.broadcast %broadcast_in_dim3A_157 : i32 to vector<16xi32>
          %gather3A_159 = tpu.vector_load_idx %arg15[%add3A_82, %broadcast_in_dim3A_158] : memref<80x64xf32, #tpu.memory_space<vmem>>[vector<16xi32>, vector<16xi32>], vector<16xf32>,
          %mul3A_160 = arith.mulf %gather3A_159, %div3A_97 : vector<16xf32>
          tpu.vector_store_idx %arg15[%add3A_82, %broadcast_in_dim3A_158], %mul3A_160 : memref<80x64xf32, #tpu.memory_space<vmem>>[vector<16xi32>, vector<16xi32>], vector<16xf32>,
          %broadcast_in_dim3A_161 = arith.constant 16 : i32
          %broadcast_in_dim3A_162 = vector.broadcast %broadcast_in_dim3A_161 : i32 to vector<16xi32>
          %gather3A_163 = tpu.vector_load_idx %arg15[%add3A_82, %broadcast_in_dim3A_162] : memref<80x64xf32, #tpu.memory_space<vmem>>[vector<16xi32>, vector<16xi32>], vector<16xf32>,
          %mul3A_164 = arith.mulf %gather3A_163, %div3A_97 : vector<16xf32>
          tpu.vector_store_idx %arg15[%add3A_82, %broadcast_in_dim3A_162], %mul3A_164 : memref<80x64xf32, #tpu.memory_space<vmem>>[vector<16xi32>, vector<16xi32>], vector<16xf32>,
          %broadcast_in_dim3A_165 = arith.constant 17 : i32
          %broadcast_in_dim3A_166 = vector.broadcast %broadcast_in_dim3A_165 : i32 to vector<16xi32>
          %gather3A_167 = tpu.vector_load_idx %arg15[%add3A_82, %broadcast_in_dim3A_166] : memref<80x64xf32, #tpu.memory_space<vmem>>[vector<16xi32>, vector<16xi32>], vector<16xf32>,
          %mul3A_168 = arith.mulf %gather3A_167, %div3A_97 : vector<16xf32>
          tpu.vector_store_idx %arg15[%add3A_82, %broadcast_in_dim3A_166], %mul3A_168 : memref<80x64xf32, #tpu.memory_space<vmem>>[vector<16xi32>, vector<16xi32>], vector<16xf32>,
          %broadcast_in_dim3A_169 = arith.constant 18 : i32
          %broadcast_in_dim3A_170 = vector.broadcast %broadcast_in_dim3A_169 : i32 to vector<16xi32>
          %gather3A_171 = tpu.vector_load_idx %arg15[%add3A_82, %broadcast_in_dim3A_170] : memref<80x64xf32, #tpu.memory_space<vmem>>[vector<16xi32>, vector<16xi32>], vector<16xf32>,
          %mul3A_172 = arith.mulf %gather3A_171, %div3A_97 : vector<16xf32>
          tpu.vector_store_idx %arg15[%add3A_82, %broadcast_in_dim3A_170], %mul3A_172 : memref<80x64xf32, #tpu.memory_space<vmem>>[vector<16xi32>, vector<16xi32>], vector<16xf32>,
          %broadcast_in_dim3A_173 = arith.constant 19 : i32
          %broadcast_in_dim3A_174 = vector.broadcast %broadcast_in_dim3A_173 : i32 to vector<16xi32>
          %gather3A_175 = tpu.vector_load_idx %arg15[%add3A_82, %broadcast_in_dim3A_174] : memref<80x64xf32, #tpu.memory_space<vmem>>[vector<16xi32>, vector<16xi32>], vector<16xf32>,
          %mul3A_176 = arith.mulf %gather3A_175, %div3A_97 : vector<16xf32>
          tpu.vector_store_idx %arg15[%add3A_82, %broadcast_in_dim3A_174], %mul3A_176 : memref<80x64xf32, #tpu.memory_space<vmem>>[vector<16xi32>, vector<16xi32>], vector<16xf32>,
          %broadcast_in_dim3A_177 = arith.constant 20 : i32
          %broadcast_in_dim3A_178 = vector.broadcast %broadcast_in_dim3A_177 : i32 to vector<16xi32>
          %gather3A_179 = tpu.vector_load_idx %arg15[%add3A_82, %broadcast_in_dim3A_178] : memref<80x64xf32, #tpu.memory_space<vmem>>[vector<16xi32>, vector<16xi32>], vector<16xf32>,
          %mul3A_180 = arith.mulf %gather3A_179, %div3A_97 : vector<16xf32>
          tpu.vector_store_idx %arg15[%add3A_82, %broadcast_in_dim3A_178], %mul3A_180 : memref<80x64xf32, #tpu.memory_space<vmem>>[vector<16xi32>, vector<16xi32>], vector<16xf32>,
          %broadcast_in_dim3A_181 = arith.constant 21 : i32
          %broadcast_in_dim3A_182 = vector.broadcast %broadcast_in_dim3A_181 : i32 to vector<16xi32>
          %gather3A_183 = tpu.vector_load_idx %arg15[%add3A_82, %broadcast_in_dim3A_182] : memref<80x64xf32, #tpu.memory_space<vmem>>[vector<16xi32>, vector<16xi32>], vector<16xf32>,
          %mul3A_184 = arith.mulf %gather3A_183, %div3A_97 : vector<16xf32>
          tpu.vector_store_idx %arg15[%add3A_82, %broadcast_in_dim3A_182], %mul3A_184 : memref<80x64xf32, #tpu.memory_space<vmem>>[vector<16xi32>, vector<16xi32>], vector<16xf32>,
          %broadcast_in_dim3A_185 = arith.constant 22 : i32
          %broadcast_in_dim3A_186 = vector.broadcast %broadcast_in_dim3A_185 : i32 to vector<16xi32>
          %gather3A_187 = tpu.vector_load_idx %arg15[%add3A_82, %broadcast_in_dim3A_186] : memref<80x64xf32, #tpu.memory_space<vmem>>[vector<16xi32>, vector<16xi32>], vector<16xf32>,
          %mul3A_188 = arith.mulf %gather3A_187, %div3A_97 : vector<16xf32>
          tpu.vector_store_idx %arg15[%add3A_82, %broadcast_in_dim3A_186], %mul3A_188 : memref<80x64xf32, #tpu.memory_space<vmem>>[vector<16xi32>, vector<16xi32>], vector<16xf32>,
          %broadcast_in_dim3A_189 = arith.constant 23 : i32
          %broadcast_in_dim3A_190 = vector.broadcast %broadcast_in_dim3A_189 : i32 to vector<16xi32>
          %gather3A_191 = tpu.vector_load_idx %arg15[%add3A_82, %broadcast_in_dim3A_190] : memref<80x64xf32, #tpu.memory_space<vmem>>[vector<16xi32>, vector<16xi32>], vector<16xf32>,
          %mul3A_192 = arith.mulf %gather3A_191, %div3A_97 : vector<16xf32>
          tpu.vector_store_idx %arg15[%add3A_82, %broadcast_in_dim3A_190], %mul3A_192 : memref<80x64xf32, #tpu.memory_space<vmem>>[vector<16xi32>, vector<16xi32>], vector<16xf32>,
          %broadcast_in_dim3A_193 = arith.constant 24 : i32
          %broadcast_in_dim3A_194 = vector.broadcast %broadcast_in_dim3A_193 : i32 to vector<16xi32>
          %gather3A_195 = tpu.vector_load_idx %arg15[%add3A_82, %broadcast_in_dim3A_194] : memref<80x64xf32, #tpu.memory_space<vmem>>[vector<16xi32>, vector<16xi32>], vector<16xf32>,
          %mul3A_196 = arith.mulf %gather3A_195, %div3A_97 : vector<16xf32>
          tpu.vector_store_idx %arg15[%add3A_82, %broadcast_in_dim3A_194], %mul3A_196 : memref<80x64xf32, #tpu.memory_space<vmem>>[vector<16xi32>, vector<16xi32>], vector<16xf32>,
          %broadcast_in_dim3A_197 = arith.constant 25 : i32
          %broadcast_in_dim3A_198 = vector.broadcast %broadcast_in_dim3A_197 : i32 to vector<16xi32>
          %gather3A_199 = tpu.vector_load_idx %arg15[%add3A_82, %broadcast_in_dim3A_198] : memref<80x64xf32, #tpu.memory_space<vmem>>[vector<16xi32>, vector<16xi32>], vector<16xf32>,
          %mul3A_200 = arith.mulf %gather3A_199, %div3A_97 : vector<16xf32>
          tpu.vector_store_idx %arg15[%add3A_82, %broadcast_in_dim3A_198], %mul3A_200 : memref<80x64xf32, #tpu.memory_space<vmem>>[vector<16xi32>, vector<16xi32>], vector<16xf32>,
          %broadcast_in_dim3A_201 = arith.constant 26 : i32
          %broadcast_in_dim3A_202 = vector.broadcast %broadcast_in_dim3A_201 : i32 to vector<16xi32>
          %gather3A_203 = tpu.vector_load_idx %arg15[%add3A_82, %broadcast_in_dim3A_202] : memref<80x64xf32, #tpu.memory_space<vmem>>[vector<16xi32>, vector<16xi32>], vector<16xf32>,
          %mul3A_204 = arith.mulf %gather3A_203, %div3A_97 : vector<16xf32>
          tpu.vector_store_idx %arg15[%add3A_82, %broadcast_in_dim3A_202], %mul3A_204 : memref<80x64xf32, #tpu.memory_space<vmem>>[vector<16xi32>, vector<16xi32>], vector<16xf32>,
          %broadcast_in_dim3A_205 = arith.constant 27 : i32
          %broadcast_in_dim3A_206 = vector.broadcast %broadcast_in_dim3A_205 : i32 to vector<16xi32>
          %gather3A_207 = tpu.vector_load_idx %arg15[%add3A_82, %broadcast_in_dim3A_206] : memref<80x64xf32, #tpu.memory_space<vmem>>[vector<16xi32>, vector<16xi32>], vector<16xf32>,
          %mul3A_208 = arith.mulf %gather3A_207, %div3A_97 : vector<16xf32>
          tpu.vector_store_idx %arg15[%add3A_82, %broadcast_in_dim3A_206], %mul3A_208 : memref<80x64xf32, #tpu.memory_space<vmem>>[vector<16xi32>, vector<16xi32>], vector<16xf32>,
          %broadcast_in_dim3A_209 = arith.constant 28 : i32
          %broadcast_in_dim3A_210 = vector.broadcast %broadcast_in_dim3A_209 : i32 to vector<16xi32>
          %gather3A_211 = tpu.vector_load_idx %arg15[%add3A_82, %broadcast_in_dim3A_210] : memref<80x64xf32, #tpu.memory_space<vmem>>[vector<16xi32>, vector<16xi32>], vector<16xf32>,
          %mul3A_212 = arith.mulf %gather3A_211, %div3A_97 : vector<16xf32>
          tpu.vector_store_idx %arg15[%add3A_82, %broadcast_in_dim3A_210], %mul3A_212 : memref<80x64xf32, #tpu.memory_space<vmem>>[vector<16xi32>, vector<16xi32>], vector<16xf32>,
          %broadcast_in_dim3A_213 = arith.constant 29 : i32
          %broadcast_in_dim3A_214 = vector.broadcast %broadcast_in_dim3A_213 : i32 to vector<16xi32>
          %gather3A_215 = tpu.vector_load_idx %arg15[%add3A_82, %broadcast_in_dim3A_214] : memref<80x64xf32, #tpu.memory_space<vmem>>[vector<16xi32>, vector<16xi32>], vector<16xf32>,
          %mul3A_216 = arith.mulf %gather3A_215, %div3A_97 : vector<16xf32>
          tpu.vector_store_idx %arg15[%add3A_82, %broadcast_in_dim3A_214], %mul3A_216 : memref<80x64xf32, #tpu.memory_space<vmem>>[vector<16xi32>, vector<16xi32>], vector<16xf32>,
          %broadcast_in_dim3A_217 = arith.constant 30 : i32
          %broadcast_in_dim3A_218 = vector.broadcast %broadcast_in_dim3A_217 : i32 to vector<16xi32>
          %gather3A_219 = tpu.vector_load_idx %arg15[%add3A_82, %broadcast_in_dim3A_218] : memref<80x64xf32, #tpu.memory_space<vmem>>[vector<16xi32>, vector<16xi32>], vector<16xf32>,
          %mul3A_220 = arith.mulf %gather3A_219, %div3A_97 : vector<16xf32>
          tpu.vector_store_idx %arg15[%add3A_82, %broadcast_in_dim3A_218], %mul3A_220 : memref<80x64xf32, #tpu.memory_space<vmem>>[vector<16xi32>, vector<16xi32>], vector<16xf32>,
          %broadcast_in_dim3A_221 = arith.constant 31 : i32
          %broadcast_in_dim3A_222 = vector.broadcast %broadcast_in_dim3A_221 : i32 to vector<16xi32>
          %gather3A_223 = tpu.vector_load_idx %arg15[%add3A_82, %broadcast_in_dim3A_222] : memref<80x64xf32, #tpu.memory_space<vmem>>[vector<16xi32>, vector<16xi32>], vector<16xf32>,
          %mul3A_224 = arith.mulf %gather3A_223, %div3A_97 : vector<16xf32>
          tpu.vector_store_idx %arg15[%add3A_82, %broadcast_in_dim3A_222], %mul3A_224 : memref<80x64xf32, #tpu.memory_space<vmem>>[vector<16xi32>, vector<16xi32>], vector<16xf32>,
          %broadcast_in_dim3A_225 = arith.constant 32 : i32
          %broadcast_in_dim3A_226 = vector.broadcast %broadcast_in_dim3A_225 : i32 to vector<16xi32>
          %gather3A_227 = tpu.vector_load_idx %arg15[%add3A_82, %broadcast_in_dim3A_226] : memref<80x64xf32, #tpu.memory_space<vmem>>[vector<16xi32>, vector<16xi32>], vector<16xf32>,
          %mul3A_228 = arith.mulf %gather3A_227, %div3A_97 : vector<16xf32>
          tpu.vector_store_idx %arg15[%add3A_82, %broadcast_in_dim3A_226], %mul3A_228 : memref<80x64xf32, #tpu.memory_space<vmem>>[vector<16xi32>, vector<16xi32>], vector<16xf32>,
          %broadcast_in_dim3A_229 = arith.constant 33 : i32
          %broadcast_in_dim3A_230 = vector.broadcast %broadcast_in_dim3A_229 : i32 to vector<16xi32>
          %gather3A_231 = tpu.vector_load_idx %arg15[%add3A_82, %broadcast_in_dim3A_230] : memref<80x64xf32, #tpu.memory_space<vmem>>[vector<16xi32>, vector<16xi32>], vector<16xf32>,
          %mul3A_232 = arith.mulf %gather3A_231, %div3A_97 : vector<16xf32>
          tpu.vector_store_idx %arg15[%add3A_82, %broadcast_in_dim3A_230], %mul3A_232 : memref<80x64xf32, #tpu.memory_space<vmem>>[vector<16xi32>, vector<16xi32>], vector<16xf32>,
          %broadcast_in_dim3A_233 = arith.constant 34 : i32
          %broadcast_in_dim3A_234 = vector.broadcast %broadcast_in_dim3A_233 : i32 to vector<16xi32>
          %gather3A_235 = tpu.vector_load_idx %arg15[%add3A_82, %broadcast_in_dim3A_234] : memref<80x64xf32, #tpu.memory_space<vmem>>[vector<16xi32>, vector<16xi32>], vector<16xf32>,
          %mul3A_236 = arith.mulf %gather3A_235, %div3A_97 : vector<16xf32>
          tpu.vector_store_idx %arg15[%add3A_82, %broadcast_in_dim3A_234], %mul3A_236 : memref<80x64xf32, #tpu.memory_space<vmem>>[vector<16xi32>, vector<16xi32>], vector<16xf32>,
          %broadcast_in_dim3A_237 = arith.constant 35 : i32
          %broadcast_in_dim3A_238 = vector.broadcast %broadcast_in_dim3A_237 : i32 to vector<16xi32>
          %gather3A_239 = tpu.vector_load_idx %arg15[%add3A_82, %broadcast_in_dim3A_238] : memref<80x64xf32, #tpu.memory_space<vmem>>[vector<16xi32>, vector<16xi32>], vector<16xf32>,
          %mul3A_240 = arith.mulf %gather3A_239, %div3A_97 : vector<16xf32>
          tpu.vector_store_idx %arg15[%add3A_82, %broadcast_in_dim3A_238], %mul3A_240 : memref<80x64xf32, #tpu.memory_space<vmem>>[vector<16xi32>, vector<16xi32>], vector<16xf32>,
          %broadcast_in_dim3A_241 = arith.constant 36 : i32
          %broadcast_in_dim3A_242 = vector.broadcast %broadcast_in_dim3A_241 : i32 to vector<16xi32>
          %gather3A_243 = tpu.vector_load_idx %arg15[%add3A_82, %broadcast_in_dim3A_242] : memref<80x64xf32, #tpu.memory_space<vmem>>[vector<16xi32>, vector<16xi32>], vector<16xf32>,
          %mul3A_244 = arith.mulf %gather3A_243, %div3A_97 : vector<16xf32>
          tpu.vector_store_idx %arg15[%add3A_82, %broadcast_in_dim3A_242], %mul3A_244 : memref<80x64xf32, #tpu.memory_space<vmem>>[vector<16xi32>, vector<16xi32>], vector<16xf32>,
          %broadcast_in_dim3A_245 = arith.constant 37 : i32
          %broadcast_in_dim3A_246 = vector.broadcast %broadcast_in_dim3A_245 : i32 to vector<16xi32>
          %gather3A_247 = tpu.vector_load_idx %arg15[%add3A_82, %broadcast_in_dim3A_246] : memref<80x64xf32, #tpu.memory_space<vmem>>[vector<16xi32>, vector<16xi32>], vector<16xf32>,
          %mul3A_248 = arith.mulf %gather3A_247, %div3A_97 : vector<16xf32>
          tpu.vector_store_idx %arg15[%add3A_82, %broadcast_in_dim3A_246], %mul3A_248 : memref<80x64xf32, #tpu.memory_space<vmem>>[vector<16xi32>, vector<16xi32>], vector<16xf32>,
          %broadcast_in_dim3A_249 = arith.constant 38 : i32
          %broadcast_in_dim3A_250 = vector.broadcast %broadcast_in_dim3A_249 : i32 to vector<16xi32>
          %gather3A_251 = tpu.vector_load_idx %arg15[%add3A_82, %broadcast_in_dim3A_250] : memref<80x64xf32, #tpu.memory_space<vmem>>[vector<16xi32>, vector<16xi32>], vector<16xf32>,
          %mul3A_252 = arith.mulf %gather3A_251, %div3A_97 : vector<16xf32>
          tpu.vector_store_idx %arg15[%add3A_82, %broadcast_in_dim3A_250], %mul3A_252 : memref<80x64xf32, #tpu.memory_space<vmem>>[vector<16xi32>, vector<16xi32>], vector<16xf32>,
          %broadcast_in_dim3A_253 = arith.constant 39 : i32
          %broadcast_in_dim3A_254 = vector.broadcast %broadcast_in_dim3A_253 : i32 to vector<16xi32>
          %gather3A_255 = tpu.vector_load_idx %arg15[%add3A_82, %broadcast_in_dim3A_254] : memref<80x64xf32, #tpu.memory_space<vmem>>[vector<16xi32>, vector<16xi32>], vector<16xf32>,
          %mul3A_256 = arith.mulf %gather3A_255, %div3A_97 : vector<16xf32>
          tpu.vector_store_idx %arg15[%add3A_82, %broadcast_in_dim3A_254], %mul3A_256 : memref<80x64xf32, #tpu.memory_space<vmem>>[vector<16xi32>, vector<16xi32>], vector<16xf32>,
          %broadcast_in_dim3A_257 = arith.constant 40 : i32
          %broadcast_in_dim3A_258 = vector.broadcast %broadcast_in_dim3A_257 : i32 to vector<16xi32>
          %gather3A_259 = tpu.vector_load_idx %arg15[%add3A_82, %broadcast_in_dim3A_258] : memref<80x64xf32, #tpu.memory_space<vmem>>[vector<16xi32>, vector<16xi32>], vector<16xf32>,
          %mul3A_260 = arith.mulf %gather3A_259, %div3A_97 : vector<16xf32>
          tpu.vector_store_idx %arg15[%add3A_82, %broadcast_in_dim3A_258], %mul3A_260 : memref<80x64xf32, #tpu.memory_space<vmem>>[vector<16xi32>, vector<16xi32>], vector<16xf32>,
          %broadcast_in_dim3A_261 = arith.constant 41 : i32
          %broadcast_in_dim3A_262 = vector.broadcast %broadcast_in_dim3A_261 : i32 to vector<16xi32>
          %gather3A_263 = tpu.vector_load_idx %arg15[%add3A_82, %broadcast_in_dim3A_262] : memref<80x64xf32, #tpu.memory_space<vmem>>[vector<16xi32>, vector<16xi32>], vector<16xf32>,
          %mul3A_264 = arith.mulf %gather3A_263, %div3A_97 : vector<16xf32>
          tpu.vector_store_idx %arg15[%add3A_82, %broadcast_in_dim3A_262], %mul3A_264 : memref<80x64xf32, #tpu.memory_space<vmem>>[vector<16xi32>, vector<16xi32>], vector<16xf32>,
          %broadcast_in_dim3A_265 = arith.constant 42 : i32
          %broadcast_in_dim3A_266 = vector.broadcast %broadcast_in_dim3A_265 : i32 to vector<16xi32>
          %gather3A_267 = tpu.vector_load_idx %arg15[%add3A_82, %broadcast_in_dim3A_266] : memref<80x64xf32, #tpu.memory_space<vmem>>[vector<16xi32>, vector<16xi32>], vector<16xf32>,
          %mul3A_268 = arith.mulf %gather3A_267, %div3A_97 : vector<16xf32>
          tpu.vector_store_idx %arg15[%add3A_82, %broadcast_in_dim3A_266], %mul3A_268 : memref<80x64xf32, #tpu.memory_space<vmem>>[vector<16xi32>, vector<16xi32>], vector<16xf32>,
          %broadcast_in_dim3A_269 = arith.constant 43 : i32
          %broadcast_in_dim3A_270 = vector.broadcast %broadcast_in_dim3A_269 : i32 to vector<16xi32>
          %gather3A_271 = tpu.vector_load_idx %arg15[%add3A_82, %broadcast_in_dim3A_270] : memref<80x64xf32, #tpu.memory_space<vmem>>[vector<16xi32>, vector<16xi32>], vector<16xf32>,
          %mul3A_272 = arith.mulf %gather3A_271, %div3A_97 : vector<16xf32>
          tpu.vector_store_idx %arg15[%add3A_82, %broadcast_in_dim3A_270], %mul3A_272 : memref<80x64xf32, #tpu.memory_space<vmem>>[vector<16xi32>, vector<16xi32>], vector<16xf32>,
          %broadcast_in_dim3A_273 = arith.constant 44 : i32
          %broadcast_in_dim3A_274 = vector.broadcast %broadcast_in_dim3A_273 : i32 to vector<16xi32>
          %gather3A_275 = tpu.vector_load_idx %arg15[%add3A_82, %broadcast_in_dim3A_274] : memref<80x64xf32, #tpu.memory_space<vmem>>[vector<16xi32>, vector<16xi32>], vector<16xf32>,
          %mul3A_276 = arith.mulf %gather3A_275, %div3A_97 : vector<16xf32>
          tpu.vector_store_idx %arg15[%add3A_82, %broadcast_in_dim3A_274], %mul3A_276 : memref<80x64xf32, #tpu.memory_space<vmem>>[vector<16xi32>, vector<16xi32>], vector<16xf32>,
          %broadcast_in_dim3A_277 = arith.constant 45 : i32
          %broadcast_in_dim3A_278 = vector.broadcast %broadcast_in_dim3A_277 : i32 to vector<16xi32>
          %gather3A_279 = tpu.vector_load_idx %arg15[%add3A_82, %broadcast_in_dim3A_278] : memref<80x64xf32, #tpu.memory_space<vmem>>[vector<16xi32>, vector<16xi32>], vector<16xf32>,
          %mul3A_280 = arith.mulf %gather3A_279, %div3A_97 : vector<16xf32>
          tpu.vector_store_idx %arg15[%add3A_82, %broadcast_in_dim3A_278], %mul3A_280 : memref<80x64xf32, #tpu.memory_space<vmem>>[vector<16xi32>, vector<16xi32>], vector<16xf32>,
          %broadcast_in_dim3A_281 = arith.constant 46 : i32
          %broadcast_in_dim3A_282 = vector.broadcast %broadcast_in_dim3A_281 : i32 to vector<16xi32>
          %gather3A_283 = tpu.vector_load_idx %arg15[%add3A_82, %broadcast_in_dim3A_282] : memref<80x64xf32, #tpu.memory_space<vmem>>[vector<16xi32>, vector<16xi32>], vector<16xf32>,
          %mul3A_284 = arith.mulf %gather3A_283, %div3A_97 : vector<16xf32>
          tpu.vector_store_idx %arg15[%add3A_82, %broadcast_in_dim3A_282], %mul3A_284 : memref<80x64xf32, #tpu.memory_space<vmem>>[vector<16xi32>, vector<16xi32>], vector<16xf32>,
          %broadcast_in_dim3A_285 = arith.constant 47 : i32
          %broadcast_in_dim3A_286 = vector.broadcast %broadcast_in_dim3A_285 : i32 to vector<16xi32>
          %gather3A_287 = tpu.vector_load_idx %arg15[%add3A_82, %broadcast_in_dim3A_286] : memref<80x64xf32, #tpu.memory_space<vmem>>[vector<16xi32>, vector<16xi32>], vector<16xf32>,
          %mul3A_288 = arith.mulf %gather3A_287, %div3A_97 : vector<16xf32>
          tpu.vector_store_idx %arg15[%add3A_82, %broadcast_in_dim3A_286], %mul3A_288 : memref<80x64xf32, #tpu.memory_space<vmem>>[vector<16xi32>, vector<16xi32>], vector<16xf32>,
          %broadcast_in_dim3A_289 = arith.constant 48 : i32
          %broadcast_in_dim3A_290 = vector.broadcast %broadcast_in_dim3A_289 : i32 to vector<16xi32>
          %gather3A_291 = tpu.vector_load_idx %arg15[%add3A_82, %broadcast_in_dim3A_290] : memref<80x64xf32, #tpu.memory_space<vmem>>[vector<16xi32>, vector<16xi32>], vector<16xf32>,
          %mul3A_292 = arith.mulf %gather3A_291, %div3A_97 : vector<16xf32>
          tpu.vector_store_idx %arg15[%add3A_82, %broadcast_in_dim3A_290], %mul3A_292 : memref<80x64xf32, #tpu.memory_space<vmem>>[vector<16xi32>, vector<16xi32>], vector<16xf32>,
          %broadcast_in_dim3A_293 = arith.constant 49 : i32
          %broadcast_in_dim3A_294 = vector.broadcast %broadcast_in_dim3A_293 : i32 to vector<16xi32>
          %gather3A_295 = tpu.vector_load_idx %arg15[%add3A_82, %broadcast_in_dim3A_294] : memref<80x64xf32, #tpu.memory_space<vmem>>[vector<16xi32>, vector<16xi32>], vector<16xf32>,
          %mul3A_296 = arith.mulf %gather3A_295, %div3A_97 : vector<16xf32>
          tpu.vector_store_idx %arg15[%add3A_82, %broadcast_in_dim3A_294], %mul3A_296 : memref<80x64xf32, #tpu.memory_space<vmem>>[vector<16xi32>, vector<16xi32>], vector<16xf32>,
          %broadcast_in_dim3A_297 = arith.constant 50 : i32
          %broadcast_in_dim3A_298 = vector.broadcast %broadcast_in_dim3A_297 : i32 to vector<16xi32>
          %gather3A_299 = tpu.vector_load_idx %arg15[%add3A_82, %broadcast_in_dim3A_298] : memref<80x64xf32, #tpu.memory_space<vmem>>[vector<16xi32>, vector<16xi32>], vector<16xf32>,
          %mul3A_300 = arith.mulf %gather3A_299, %div3A_97 : vector<16xf32>
          tpu.vector_store_idx %arg15[%add3A_82, %broadcast_in_dim3A_298], %mul3A_300 : memref<80x64xf32, #tpu.memory_space<vmem>>[vector<16xi32>, vector<16xi32>], vector<16xf32>,
          %broadcast_in_dim3A_301 = arith.constant 51 : i32
          %broadcast_in_dim3A_302 = vector.broadcast %broadcast_in_dim3A_301 : i32 to vector<16xi32>
          %gather3A_303 = tpu.vector_load_idx %arg15[%add3A_82, %broadcast_in_dim3A_302] : memref<80x64xf32, #tpu.memory_space<vmem>>[vector<16xi32>, vector<16xi32>], vector<16xf32>,
          %mul3A_304 = arith.mulf %gather3A_303, %div3A_97 : vector<16xf32>
          tpu.vector_store_idx %arg15[%add3A_82, %broadcast_in_dim3A_302], %mul3A_304 : memref<80x64xf32, #tpu.memory_space<vmem>>[vector<16xi32>, vector<16xi32>], vector<16xf32>,
          %broadcast_in_dim3A_305 = arith.constant 52 : i32
          %broadcast_in_dim3A_306 = vector.broadcast %broadcast_in_dim3A_305 : i32 to vector<16xi32>
          %gather3A_307 = tpu.vector_load_idx %arg15[%add3A_82, %broadcast_in_dim3A_306] : memref<80x64xf32, #tpu.memory_space<vmem>>[vector<16xi32>, vector<16xi32>], vector<16xf32>,
          %mul3A_308 = arith.mulf %gather3A_307, %div3A_97 : vector<16xf32>
          tpu.vector_store_idx %arg15[%add3A_82, %broadcast_in_dim3A_306], %mul3A_308 : memref<80x64xf32, #tpu.memory_space<vmem>>[vector<16xi32>, vector<16xi32>], vector<16xf32>,
          %broadcast_in_dim3A_309 = arith.constant 53 : i32
          %broadcast_in_dim3A_310 = vector.broadcast %broadcast_in_dim3A_309 : i32 to vector<16xi32>
          %gather3A_311 = tpu.vector_load_idx %arg15[%add3A_82, %broadcast_in_dim3A_310] : memref<80x64xf32, #tpu.memory_space<vmem>>[vector<16xi32>, vector<16xi32>], vector<16xf32>,
          %mul3A_312 = arith.mulf %gather3A_311, %div3A_97 : vector<16xf32>
          tpu.vector_store_idx %arg15[%add3A_82, %broadcast_in_dim3A_310], %mul3A_312 : memref<80x64xf32, #tpu.memory_space<vmem>>[vector<16xi32>, vector<16xi32>], vector<16xf32>,
          %broadcast_in_dim3A_313 = arith.constant 54 : i32
          %broadcast_in_dim3A_314 = vector.broadcast %broadcast_in_dim3A_313 : i32 to vector<16xi32>
          %gather3A_315 = tpu.vector_load_idx %arg15[%add3A_82, %broadcast_in_dim3A_314] : memref<80x64xf32, #tpu.memory_space<vmem>>[vector<16xi32>, vector<16xi32>], vector<16xf32>,
          %mul3A_316 = arith.mulf %gather3A_315, %div3A_97 : vector<16xf32>
          tpu.vector_store_idx %arg15[%add3A_82, %broadcast_in_dim3A_314], %mul3A_316 : memref<80x64xf32, #tpu.memory_space<vmem>>[vector<16xi32>, vector<16xi32>], vector<16xf32>,
          %broadcast_in_dim3A_317 = arith.constant 55 : i32
          %broadcast_in_dim3A_318 = vector.broadcast %broadcast_in_dim3A_317 : i32 to vector<16xi32>
          %gather3A_319 = tpu.vector_load_idx %arg15[%add3A_82, %broadcast_in_dim3A_318] : memref<80x64xf32, #tpu.memory_space<vmem>>[vector<16xi32>, vector<16xi32>], vector<16xf32>,
          %mul3A_320 = arith.mulf %gather3A_319, %div3A_97 : vector<16xf32>
          tpu.vector_store_idx %arg15[%add3A_82, %broadcast_in_dim3A_318], %mul3A_320 : memref<80x64xf32, #tpu.memory_space<vmem>>[vector<16xi32>, vector<16xi32>], vector<16xf32>,
          %broadcast_in_dim3A_321 = arith.constant 56 : i32
          %broadcast_in_dim3A_322 = vector.broadcast %broadcast_in_dim3A_321 : i32 to vector<16xi32>
          %gather3A_323 = tpu.vector_load_idx %arg15[%add3A_82, %broadcast_in_dim3A_322] : memref<80x64xf32, #tpu.memory_space<vmem>>[vector<16xi32>, vector<16xi32>], vector<16xf32>,
          %mul3A_324 = arith.mulf %gather3A_323, %div3A_97 : vector<16xf32>
          tpu.vector_store_idx %arg15[%add3A_82, %broadcast_in_dim3A_322], %mul3A_324 : memref<80x64xf32, #tpu.memory_space<vmem>>[vector<16xi32>, vector<16xi32>], vector<16xf32>,
          %broadcast_in_dim3A_325 = arith.constant 57 : i32
          %broadcast_in_dim3A_326 = vector.broadcast %broadcast_in_dim3A_325 : i32 to vector<16xi32>
          %gather3A_327 = tpu.vector_load_idx %arg15[%add3A_82, %broadcast_in_dim3A_326] : memref<80x64xf32, #tpu.memory_space<vmem>>[vector<16xi32>, vector<16xi32>], vector<16xf32>,
          %mul3A_328 = arith.mulf %gather3A_327, %div3A_97 : vector<16xf32>
          tpu.vector_store_idx %arg15[%add3A_82, %broadcast_in_dim3A_326], %mul3A_328 : memref<80x64xf32, #tpu.memory_space<vmem>>[vector<16xi32>, vector<16xi32>], vector<16xf32>,
          %broadcast_in_dim3A_329 = arith.constant 58 : i32
          %broadcast_in_dim3A_330 = vector.broadcast %broadcast_in_dim3A_329 : i32 to vector<16xi32>
          %gather3A_331 = tpu.vector_load_idx %arg15[%add3A_82, %broadcast_in_dim3A_330] : memref<80x64xf32, #tpu.memory_space<vmem>>[vector<16xi32>, vector<16xi32>], vector<16xf32>,
          %mul3A_332 = arith.mulf %gather3A_331, %div3A_97 : vector<16xf32>
          tpu.vector_store_idx %arg15[%add3A_82, %broadcast_in_dim3A_330], %mul3A_332 : memref<80x64xf32, #tpu.memory_space<vmem>>[vector<16xi32>, vector<16xi32>], vector<16xf32>,
          %broadcast_in_dim3A_333 = arith.constant 59 : i32
          %broadcast_in_dim3A_334 = vector.broadcast %broadcast_in_dim3A_333 : i32 to vector<16xi32>
          %gather3A_335 = tpu.vector_load_idx %arg15[%add3A_82, %broadcast_in_dim3A_334] : memref<80x64xf32, #tpu.memory_space<vmem>>[vector<16xi32>, vector<16xi32>], vector<16xf32>,
          %mul3A_336 = arith.mulf %gather3A_335, %div3A_97 : vector<16xf32>
          tpu.vector_store_idx %arg15[%add3A_82, %broadcast_in_dim3A_334], %mul3A_336 : memref<80x64xf32, #tpu.memory_space<vmem>>[vector<16xi32>, vector<16xi32>], vector<16xf32>,
          %broadcast_in_dim3A_337 = arith.constant 60 : i32
          %broadcast_in_dim3A_338 = vector.broadcast %broadcast_in_dim3A_337 : i32 to vector<16xi32>
          %gather3A_339 = tpu.vector_load_idx %arg15[%add3A_82, %broadcast_in_dim3A_338] : memref<80x64xf32, #tpu.memory_space<vmem>>[vector<16xi32>, vector<16xi32>], vector<16xf32>,
          %mul3A_340 = arith.mulf %gather3A_339, %div3A_97 : vector<16xf32>
          tpu.vector_store_idx %arg15[%add3A_82, %broadcast_in_dim3A_338], %mul3A_340 : memref<80x64xf32, #tpu.memory_space<vmem>>[vector<16xi32>, vector<16xi32>], vector<16xf32>,
          %broadcast_in_dim3A_341 = arith.constant 61 : i32
          %broadcast_in_dim3A_342 = vector.broadcast %broadcast_in_dim3A_341 : i32 to vector<16xi32>
          %gather3A_343 = tpu.vector_load_idx %arg15[%add3A_82, %broadcast_in_dim3A_342] : memref<80x64xf32, #tpu.memory_space<vmem>>[vector<16xi32>, vector<16xi32>], vector<16xf32>,
          %mul3A_344 = arith.mulf %gather3A_343, %div3A_97 : vector<16xf32>
          tpu.vector_store_idx %arg15[%add3A_82, %broadcast_in_dim3A_342], %mul3A_344 : memref<80x64xf32, #tpu.memory_space<vmem>>[vector<16xi32>, vector<16xi32>], vector<16xf32>,
          %broadcast_in_dim3A_345 = arith.constant 62 : i32
          %broadcast_in_dim3A_346 = vector.broadcast %broadcast_in_dim3A_345 : i32 to vector<16xi32>
          %gather3A_347 = tpu.vector_load_idx %arg15[%add3A_82, %broadcast_in_dim3A_346] : memref<80x64xf32, #tpu.memory_space<vmem>>[vector<16xi32>, vector<16xi32>], vector<16xf32>,
          %mul3A_348 = arith.mulf %gather3A_347, %div3A_97 : vector<16xf32>
          tpu.vector_store_idx %arg15[%add3A_82, %broadcast_in_dim3A_346], %mul3A_348 : memref<80x64xf32, #tpu.memory_space<vmem>>[vector<16xi32>, vector<16xi32>], vector<16xf32>,
          %broadcast_in_dim3A_349 = arith.constant 63 : i32
          %broadcast_in_dim3A_350 = vector.broadcast %broadcast_in_dim3A_349 : i32 to vector<16xi32>
          %gather3A_351 = tpu.vector_load_idx %arg15[%add3A_82, %broadcast_in_dim3A_350] : memref<80x64xf32, #tpu.memory_space<vmem>>[vector<16xi32>, vector<16xi32>], vector<16xf32>,
          %mul3A_352 = arith.mulf %gather3A_351, %div3A_97 : vector<16xf32>
          tpu.vector_store_idx %arg15[%add3A_82, %broadcast_in_dim3A_350], %mul3A_352 : memref<80x64xf32, #tpu.memory_space<vmem>>[vector<16xi32>, vector<16xi32>], vector<16xf32>,
          %scan3A_353 = arith.constant 0 : i32
          scf.yield %scan3A_353 : i32
        }
        %scan3A_75 = arith.constant 5 : i32
        "tpu.region"() ({
          %run_scoped3A = tpu.sem_alloc : memref<!tpu.dma_semaphore, #tpu.memory_space<semaphore_mem>>
          %dma_start3A_77 = arith.constant 0 : i32
          %dma_start3A_78 = arith.constant 0 : i32
          %dma_start3A_79 = tpu.memref_slice %arg16[%dma_start3A_77, %dma_start3A_78] : memref<10240x64xf32, #tpu.memory_space<vmem_shared>> -> memref<10240x64xf32, #tpu.memory_space<vmem_shared>>
          tpu.enqueue_indirect_dma source(%arg15 : memref<80x64xf32, #tpu.memory_space<vmem>>) target(%dma_start3A_79 : memref<10240x64xf32, #tpu.memory_space<vmem_shared>>) offsets(%arg11 : memref<80xi32, #tpu.memory_space<vmem>>) semaphore(%run_scoped3A : memref<!tpu.dma_semaphore, #tpu.memory_space<semaphore_mem>>) {add = true}
          %dma_wait3A_80 = arith.constant 0 : i32
          %dma_wait3A_81 = arith.constant 0 : i32
          %dma_wait3A_82 = tpu.memref_slice %arg16[%dma_wait3A_80, %dma_wait3A_81] : memref<10240x64xf32, #tpu.memory_space<vmem_shared>> -> memref<10240x64xf32, #tpu.memory_space<vmem_shared>>
          tpu.wait_indirect_dma semaphore(%run_scoped3A : memref<!tpu.dma_semaphore, #tpu.memory_space<semaphore_mem>>) src(%arg15 : memref<80x64xf32, #tpu.memory_space<vmem>>) dst(%dma_wait3A_82 : memref<10240x64xf32, #tpu.memory_space<vmem_shared>>)
          tpu.yield
        }) : () -> ()
        %scan3A_76 = arith.constant 0 : i32
        scf.yield %scan3A_76 : i32
      }
      %scan3A_37 = arith.constant 250 : i32
      %barrier3A_38 = arith.constant 0 : index
      tpu.barrier barrier_id(%barrier3A_38)
      %mul3A_39 = arith.constant 640 : i32
      %mul3A_40 = arith.muli %arg1, %mul3A_39 : i32
      %mul3A_41 = arith.constant 10240 : i32
      %mul3A_42 = arith.muli %add3A, %mul3A_41 : i32
      %mul3A_43 = arith.constant 640 : i32
      %mul3A_44 = arith.muli %arg1, %mul3A_43 : i32
      %add3A_45 = arith.addi %mul3A_42, %mul3A_44 : i32
      "tpu.region"() ({
        %run_scoped3A = tpu.sem_alloc : memref<!tpu.dma_semaphore, #tpu.memory_space<semaphore_mem>>
        %dma_start3A = arith.constant 0 : i32
        %dma_start3A_48 = tpu.memref_slice %arg8[%add3A_45, %dma_start3A] : memref<81920x64xf32, #tpu.memory_space<hbm>> -> memref<640x64xf32, #tpu.memory_space<hbm>>
        %dma_start3A_49 = arith.constant 0 : i32
        %dma_start3A_50 = tpu.memref_slice %arg16[%mul3A_40, %dma_start3A_49] : memref<10240x64xf32, #tpu.memory_space<vmem_shared>> -> memref<640x64xf32, #tpu.memory_space<vmem_shared>>
        tpu.enqueue_dma source(%dma_start3A_50 : memref<640x64xf32, #tpu.memory_space<vmem_shared>>) target(%dma_start3A_48 : memref<640x64xf32, #tpu.memory_space<hbm>>) target_semaphore(%run_scoped3A : memref<!tpu.dma_semaphore, #tpu.memory_space<semaphore_mem>>)
        %dma_wait3A = arith.constant 0 : i32
        %dma_wait3A_51 = tpu.memref_slice %arg8[%add3A_45, %dma_wait3A] : memref<81920x64xf32, #tpu.memory_space<hbm>> -> memref<640x64xf32, #tpu.memory_space<hbm>>
        %dma_wait3A_52 = arith.constant 0 : i32
        %dma_wait3A_53 = tpu.memref_slice %arg16[%mul3A_40, %dma_wait3A_52] : memref<10240x64xf32, #tpu.memory_space<vmem_shared>> -> memref<640x64xf32, #tpu.memory_space<vmem_shared>>
        tpu.wait_dma2 semaphore(%run_scoped3A : memref<!tpu.dma_semaphore, #tpu.memory_space<semaphore_mem>>) src(%dma_wait3A_53 : memref<640x64xf32, #tpu.memory_space<vmem_shared>>) dst(%dma_wait3A_51 : memref<640x64xf32, #tpu.memory_space<hbm>>)
        tpu.yield
      }) : () -> ()
      %barrier3A_46 = arith.constant 0 : index
      tpu.barrier barrier_id(%barrier3A_46)
      %scan3A_47 = arith.constant 0 : i32
      scf.yield %scan3A_47 : i32
    }
    %scan3A_8 = arith.constant 4 : i32
    return
  }
}

module attributes {stable_mosaic.version = 14 : i64} {
  func.func @_proj_body(%arg0: i32, %arg1: memref<1000x128xf32, #tpu.memory_space<vmem>>, %arg2: memref<128x512xf32, #tpu.memory_space<vmem>>, %arg3: memref<4x128xf32, #tpu.memory_space<vmem>>, %arg4: memref<4x128xf32, #tpu.memory_space<vmem>>, %arg5: memref<8x1000x64xf32, #tpu.memory_space<vmem>>, %arg6: memref<1000x4xf32, #tpu.memory_space<vmem>>, %arg7: memref<1000x4xf32, #tpu.memory_space<vmem>>, %arg8: memref<1x1xf32, #tpu.memory_space<smem>>, %arg9: memref<1x1xf32, #tpu.memory_space<smem>>) attributes {dimension_semantics = [#tpu.dimension_semantics<arbitrary>], iteration_bounds = array<i64: 10>, scalar_prefetch = 0 : i64, scratch_operands = 0 : i64, tpu.core_type = #tpu.core_type<tc>, window_params = [{transform_indices = @transform_0, window_bounds = array<i64: 1000, 128>}, {pipeline_mode = #tpu.pipeline_mode<synchronous>, transform_indices = @transform_1, window_bounds = array<i64: 128, 512>}, {pipeline_mode = #tpu.pipeline_mode<synchronous>, transform_indices = @transform_2, window_bounds = array<i64: 4, 128>}, {pipeline_mode = #tpu.pipeline_mode<synchronous>, transform_indices = @transform_3, window_bounds = array<i64: 4, 128>}, {transform_indices = @transform_4, window_bounds = array<i64: 8, 1000, 64>}, {transform_indices = @transform_5, window_bounds = array<i64: 1000, 4>}, {transform_indices = @transform_6, window_bounds = array<i64: 1000, 4>}, {transform_indices = @transform_7, window_bounds = array<i64: 1, 1>}, {transform_indices = @transform_8, window_bounds = array<i64: 1, 1>}]} {
    %get3A = arith.constant 0 : index
    %get3A_0 = arith.constant 0 : index
    %get3A_1 = vector.load %arg1[%get3A, %get3A_0] : memref<1000x128xf32, #tpu.memory_space<vmem>>, vector<1000x128xf32>
    %get3A_2 = arith.constant 0 : index
    %get3A_3 = arith.constant 0 : index
    %get3A_4 = vector.load %arg2[%get3A_2, %get3A_3] : memref<128x512xf32, #tpu.memory_space<vmem>>, vector<128x512xf32>
    %dot_general3A = arith.constant dense<0.000000e+00> : vector<1000x512xf32>
    %dot_general3A_5 = tpu.matmul %get3A_1, %get3A_4, %dot_general3A {dimension_numbers = #tpu.dot_dimension_numbers<[1], [0], [0], [1], [0, 0, 1, 1], [], []>, transpose_lhs_hint = false} : vector<1000x128xf32>, vector<128x512xf32>, vector<1000x512xf32> -> vector<1000x512xf32>
    %slice3A = vector.extract_strided_slice %dot_general3A_5 {offsets = [0, 0], sizes = [1000, 128], strides = [1, 1]} : vector<1000x512xf32> to vector<1000x128xf32>
    %slice3A_6 = vector.extract_strided_slice %slice3A {offsets = [0, 0], sizes = [1000, 64], strides = [1, 1]} : vector<1000x128xf32> to vector<1000x64xf32>
    %swap3A = arith.constant 0 : index
    %swap3A_7 = arith.constant 0 : index
    %swap3A_8 = arith.constant 0 : index
    %swap3A_9 = vector.load %arg5[%swap3A, %swap3A_7, %swap3A_8] : memref<8x1000x64xf32, #tpu.memory_space<vmem>>, vector<1x1000x64xf32>
    %swap3A_10 = vector.shape_cast %swap3A_9 : vector<1x1000x64xf32> to vector<1000x64xf32>
    %swap3A_11 = vector.shape_cast %slice3A_6 : vector<1000x64xf32> to vector<1x1000x64xf32>
    tpu.vector_store %arg5[%swap3A, %swap3A_7, %swap3A_8], %swap3A_11 {strides = array<i32>} : memref<8x1000x64xf32, #tpu.memory_space<vmem>>, vector<1x1000x64xf32>,
    %slice3A_12 = vector.extract_strided_slice %slice3A {offsets = [0, 64], sizes = [1000, 64], strides = [1, 1]} : vector<1000x128xf32> to vector<1000x64xf32>
    %swap3A_13 = arith.constant 1 : index
    %swap3A_14 = arith.constant 0 : index
    %swap3A_15 = arith.constant 0 : index
    %swap3A_16 = vector.load %arg5[%swap3A_13, %swap3A_14, %swap3A_15] : memref<8x1000x64xf32, #tpu.memory_space<vmem>>, vector<1x1000x64xf32>
    %swap3A_17 = vector.shape_cast %swap3A_16 : vector<1x1000x64xf32> to vector<1000x64xf32>
    %swap3A_18 = vector.shape_cast %slice3A_12 : vector<1000x64xf32> to vector<1x1000x64xf32>
    tpu.vector_store %arg5[%swap3A_13, %swap3A_14, %swap3A_15], %swap3A_18 {strides = array<i32>} : memref<8x1000x64xf32, #tpu.memory_space<vmem>>, vector<1x1000x64xf32>,
    %get3A_19 = arith.constant 0 : index
    %get3A_20 = arith.constant 0 : index
    %get3A_21 = vector.load %arg3[%get3A_19, %get3A_20] : memref<4x128xf32, #tpu.memory_space<vmem>>, vector<1x128xf32>
    %get3A_22 = vector.shape_cast %get3A_21 : vector<1x128xf32> to vector<128xf32>
    %reshape3A = vector.shape_cast %get3A_22 : vector<128xf32> to vector<128x1xf32>
    %dot_general3A_23 = arith.constant dense<0.000000e+00> : vector<1000x1xf32>
    %dot_general3A_24 = tpu.matmul %slice3A, %reshape3A, %dot_general3A_23 {dimension_numbers = #tpu.dot_dimension_numbers<[1], [0], [0], [1], [0, 0, 1, 1], [], []>, transpose_lhs_hint = false} : vector<1000x128xf32>, vector<128x1xf32>, vector<1000x1xf32> -> vector<1000x1xf32>
    %swap3A_25 = arith.constant 0 : index
    %swap3A_26 = arith.constant 0 : index
    %swap3A_27 = vector.load %arg6[%swap3A_25, %swap3A_26] : memref<1000x4xf32, #tpu.memory_space<vmem>>, vector<1000x1xf32>
    tpu.vector_store %arg6[%swap3A_25, %swap3A_26], %dot_general3A_24 {strides = array<i32>} : memref<1000x4xf32, #tpu.memory_space<vmem>>, vector<1000x1xf32>,
    %get3A_28 = arith.constant 0 : index
    %get3A_29 = arith.constant 0 : index
    %get3A_30 = vector.load %arg4[%get3A_28, %get3A_29] : memref<4x128xf32, #tpu.memory_space<vmem>>, vector<1x128xf32>
    %get3A_31 = vector.shape_cast %get3A_30 : vector<1x128xf32> to vector<128xf32>
    %reshape3A_32 = vector.shape_cast %get3A_31 : vector<128xf32> to vector<128x1xf32>
    %dot_general3A_33 = arith.constant dense<0.000000e+00> : vector<1000x1xf32>
    %dot_general3A_34 = tpu.matmul %slice3A, %reshape3A_32, %dot_general3A_33 {dimension_numbers = #tpu.dot_dimension_numbers<[1], [0], [0], [1], [0, 0, 1, 1], [], []>, transpose_lhs_hint = false} : vector<1000x128xf32>, vector<128x1xf32>, vector<1000x1xf32> -> vector<1000x1xf32>
    %swap3A_35 = arith.constant 0 : index
    %swap3A_36 = arith.constant 0 : index
    %swap3A_37 = vector.load %arg7[%swap3A_35, %swap3A_36] : memref<1000x4xf32, #tpu.memory_space<vmem>>, vector<1000x1xf32>
    tpu.vector_store %arg7[%swap3A_35, %swap3A_36], %dot_general3A_34 {strides = array<i32>} : memref<1000x4xf32, #tpu.memory_space<vmem>>, vector<1000x1xf32>,
    %slice3A_38 = vector.extract_strided_slice %dot_general3A_5 {offsets = [0, 128], sizes = [1000, 128], strides = [1, 1]} : vector<1000x512xf32> to vector<1000x128xf32>
    %slice3A_39 = vector.extract_strided_slice %slice3A_38 {offsets = [0, 0], sizes = [1000, 64], strides = [1, 1]} : vector<1000x128xf32> to vector<1000x64xf32>
    %swap3A_40 = arith.constant 2 : index
    %swap3A_41 = arith.constant 0 : index
    %swap3A_42 = arith.constant 0 : index
    %swap3A_43 = vector.load %arg5[%swap3A_40, %swap3A_41, %swap3A_42] : memref<8x1000x64xf32, #tpu.memory_space<vmem>>, vector<1x1000x64xf32>
    %swap3A_44 = vector.shape_cast %swap3A_43 : vector<1x1000x64xf32> to vector<1000x64xf32>
    %swap3A_45 = vector.shape_cast %slice3A_39 : vector<1000x64xf32> to vector<1x1000x64xf32>
    tpu.vector_store %arg5[%swap3A_40, %swap3A_41, %swap3A_42], %swap3A_45 {strides = array<i32>} : memref<8x1000x64xf32, #tpu.memory_space<vmem>>, vector<1x1000x64xf32>,
    %slice3A_46 = vector.extract_strided_slice %slice3A_38 {offsets = [0, 64], sizes = [1000, 64], strides = [1, 1]} : vector<1000x128xf32> to vector<1000x64xf32>
    %swap3A_47 = arith.constant 3 : index
    %swap3A_48 = arith.constant 0 : index
    %swap3A_49 = arith.constant 0 : index
    %swap3A_50 = vector.load %arg5[%swap3A_47, %swap3A_48, %swap3A_49] : memref<8x1000x64xf32, #tpu.memory_space<vmem>>, vector<1x1000x64xf32>
    %swap3A_51 = vector.shape_cast %swap3A_50 : vector<1x1000x64xf32> to vector<1000x64xf32>
    %swap3A_52 = vector.shape_cast %slice3A_46 : vector<1000x64xf32> to vector<1x1000x64xf32>
    tpu.vector_store %arg5[%swap3A_47, %swap3A_48, %swap3A_49], %swap3A_52 {strides = array<i32>} : memref<8x1000x64xf32, #tpu.memory_space<vmem>>, vector<1x1000x64xf32>,
    %get3A_53 = arith.constant 1 : index
    %get3A_54 = arith.constant 0 : index
    %get3A_55 = vector.load %arg3[%get3A_53, %get3A_54] : memref<4x128xf32, #tpu.memory_space<vmem>>, vector<1x128xf32>
    %get3A_56 = vector.shape_cast %get3A_55 : vector<1x128xf32> to vector<128xf32>
    %reshape3A_57 = vector.shape_cast %get3A_56 : vector<128xf32> to vector<128x1xf32>
    %dot_general3A_58 = arith.constant dense<0.000000e+00> : vector<1000x1xf32>
    %dot_general3A_59 = tpu.matmul %slice3A_38, %reshape3A_57, %dot_general3A_58 {dimension_numbers = #tpu.dot_dimension_numbers<[1], [0], [0], [1], [0, 0, 1, 1], [], []>, transpose_lhs_hint = false} : vector<1000x128xf32>, vector<128x1xf32>, vector<1000x1xf32> -> vector<1000x1xf32>
    %swap3A_60 = arith.constant 0 : index
    %swap3A_61 = arith.constant 1 : index
    %swap3A_62 = vector.load %arg6[%swap3A_60, %swap3A_61] : memref<1000x4xf32, #tpu.memory_space<vmem>>, vector<1000x1xf32>
    tpu.vector_store %arg6[%swap3A_60, %swap3A_61], %dot_general3A_59 {strides = array<i32>} : memref<1000x4xf32, #tpu.memory_space<vmem>>, vector<1000x1xf32>,
    %get3A_63 = arith.constant 1 : index
    %get3A_64 = arith.constant 0 : index
    %get3A_65 = vector.load %arg4[%get3A_63, %get3A_64] : memref<4x128xf32, #tpu.memory_space<vmem>>, vector<1x128xf32>
    %get3A_66 = vector.shape_cast %get3A_65 : vector<1x128xf32> to vector<128xf32>
    %reshape3A_67 = vector.shape_cast %get3A_66 : vector<128xf32> to vector<128x1xf32>
    %dot_general3A_68 = arith.constant dense<0.000000e+00> : vector<1000x1xf32>
    %dot_general3A_69 = tpu.matmul %slice3A_38, %reshape3A_67, %dot_general3A_68 {dimension_numbers = #tpu.dot_dimension_numbers<[1], [0], [0], [1], [0, 0, 1, 1], [], []>, transpose_lhs_hint = false} : vector<1000x128xf32>, vector<128x1xf32>, vector<1000x1xf32> -> vector<1000x1xf32>
    %swap3A_70 = arith.constant 0 : index
    %swap3A_71 = arith.constant 1 : index
    %swap3A_72 = vector.load %arg7[%swap3A_70, %swap3A_71] : memref<1000x4xf32, #tpu.memory_space<vmem>>, vector<1000x1xf32>
    tpu.vector_store %arg7[%swap3A_70, %swap3A_71], %dot_general3A_69 {strides = array<i32>} : memref<1000x4xf32, #tpu.memory_space<vmem>>, vector<1000x1xf32>,
    %slice3A_73 = vector.extract_strided_slice %dot_general3A_5 {offsets = [0, 256], sizes = [1000, 128], strides = [1, 1]} : vector<1000x512xf32> to vector<1000x128xf32>
    %slice3A_74 = vector.extract_strided_slice %slice3A_73 {offsets = [0, 0], sizes = [1000, 64], strides = [1, 1]} : vector<1000x128xf32> to vector<1000x64xf32>
    %swap3A_75 = arith.constant 4 : index
    %swap3A_76 = arith.constant 0 : index
    %swap3A_77 = arith.constant 0 : index
    %swap3A_78 = vector.load %arg5[%swap3A_75, %swap3A_76, %swap3A_77] : memref<8x1000x64xf32, #tpu.memory_space<vmem>>, vector<1x1000x64xf32>
    %swap3A_79 = vector.shape_cast %swap3A_78 : vector<1x1000x64xf32> to vector<1000x64xf32>
    %swap3A_80 = vector.shape_cast %slice3A_74 : vector<1000x64xf32> to vector<1x1000x64xf32>
    tpu.vector_store %arg5[%swap3A_75, %swap3A_76, %swap3A_77], %swap3A_80 {strides = array<i32>} : memref<8x1000x64xf32, #tpu.memory_space<vmem>>, vector<1x1000x64xf32>,
    %slice3A_81 = vector.extract_strided_slice %slice3A_73 {offsets = [0, 64], sizes = [1000, 64], strides = [1, 1]} : vector<1000x128xf32> to vector<1000x64xf32>
    %swap3A_82 = arith.constant 5 : index
    %swap3A_83 = arith.constant 0 : index
    %swap3A_84 = arith.constant 0 : index
    %swap3A_85 = vector.load %arg5[%swap3A_82, %swap3A_83, %swap3A_84] : memref<8x1000x64xf32, #tpu.memory_space<vmem>>, vector<1x1000x64xf32>
    %swap3A_86 = vector.shape_cast %swap3A_85 : vector<1x1000x64xf32> to vector<1000x64xf32>
    %swap3A_87 = vector.shape_cast %slice3A_81 : vector<1000x64xf32> to vector<1x1000x64xf32>
    tpu.vector_store %arg5[%swap3A_82, %swap3A_83, %swap3A_84], %swap3A_87 {strides = array<i32>} : memref<8x1000x64xf32, #tpu.memory_space<vmem>>, vector<1x1000x64xf32>,
    %get3A_88 = arith.constant 2 : index
    %get3A_89 = arith.constant 0 : index
    %get3A_90 = vector.load %arg3[%get3A_88, %get3A_89] : memref<4x128xf32, #tpu.memory_space<vmem>>, vector<1x128xf32>
    %get3A_91 = vector.shape_cast %get3A_90 : vector<1x128xf32> to vector<128xf32>
    %reshape3A_92 = vector.shape_cast %get3A_91 : vector<128xf32> to vector<128x1xf32>
    %dot_general3A_93 = arith.constant dense<0.000000e+00> : vector<1000x1xf32>
    %dot_general3A_94 = tpu.matmul %slice3A_73, %reshape3A_92, %dot_general3A_93 {dimension_numbers = #tpu.dot_dimension_numbers<[1], [0], [0], [1], [0, 0, 1, 1], [], []>, transpose_lhs_hint = false} : vector<1000x128xf32>, vector<128x1xf32>, vector<1000x1xf32> -> vector<1000x1xf32>
    %swap3A_95 = arith.constant 0 : index
    %swap3A_96 = arith.constant 2 : index
    %swap3A_97 = vector.load %arg6[%swap3A_95, %swap3A_96] : memref<1000x4xf32, #tpu.memory_space<vmem>>, vector<1000x1xf32>
    tpu.vector_store %arg6[%swap3A_95, %swap3A_96], %dot_general3A_94 {strides = array<i32>} : memref<1000x4xf32, #tpu.memory_space<vmem>>, vector<1000x1xf32>,
    %get3A_98 = arith.constant 2 : index
    %get3A_99 = arith.constant 0 : index
    %get3A_100 = vector.load %arg4[%get3A_98, %get3A_99] : memref<4x128xf32, #tpu.memory_space<vmem>>, vector<1x128xf32>
    %get3A_101 = vector.shape_cast %get3A_100 : vector<1x128xf32> to vector<128xf32>
    %reshape3A_102 = vector.shape_cast %get3A_101 : vector<128xf32> to vector<128x1xf32>
    %dot_general3A_103 = arith.constant dense<0.000000e+00> : vector<1000x1xf32>
    %dot_general3A_104 = tpu.matmul %slice3A_73, %reshape3A_102, %dot_general3A_103 {dimension_numbers = #tpu.dot_dimension_numbers<[1], [0], [0], [1], [0, 0, 1, 1], [], []>, transpose_lhs_hint = false} : vector<1000x128xf32>, vector<128x1xf32>, vector<1000x1xf32> -> vector<1000x1xf32>
    %swap3A_105 = arith.constant 0 : index
    %swap3A_106 = arith.constant 2 : index
    %swap3A_107 = vector.load %arg7[%swap3A_105, %swap3A_106] : memref<1000x4xf32, #tpu.memory_space<vmem>>, vector<1000x1xf32>
    tpu.vector_store %arg7[%swap3A_105, %swap3A_106], %dot_general3A_104 {strides = array<i32>} : memref<1000x4xf32, #tpu.memory_space<vmem>>, vector<1000x1xf32>,
    %slice3A_108 = vector.extract_strided_slice %dot_general3A_5 {offsets = [0, 384], sizes = [1000, 128], strides = [1, 1]} : vector<1000x512xf32> to vector<1000x128xf32>
    %slice3A_109 = vector.extract_strided_slice %slice3A_108 {offsets = [0, 0], sizes = [1000, 64], strides = [1, 1]} : vector<1000x128xf32> to vector<1000x64xf32>
    %swap3A_110 = arith.constant 6 : index
    %swap3A_111 = arith.constant 0 : index
    %swap3A_112 = arith.constant 0 : index
    %swap3A_113 = vector.load %arg5[%swap3A_110, %swap3A_111, %swap3A_112] : memref<8x1000x64xf32, #tpu.memory_space<vmem>>, vector<1x1000x64xf32>
    %swap3A_114 = vector.shape_cast %swap3A_113 : vector<1x1000x64xf32> to vector<1000x64xf32>
    %swap3A_115 = vector.shape_cast %slice3A_109 : vector<1000x64xf32> to vector<1x1000x64xf32>
    tpu.vector_store %arg5[%swap3A_110, %swap3A_111, %swap3A_112], %swap3A_115 {strides = array<i32>} : memref<8x1000x64xf32, #tpu.memory_space<vmem>>, vector<1x1000x64xf32>,
    %slice3A_116 = vector.extract_strided_slice %slice3A_108 {offsets = [0, 64], sizes = [1000, 64], strides = [1, 1]} : vector<1000x128xf32> to vector<1000x64xf32>
    %swap3A_117 = arith.constant 7 : index
    %swap3A_118 = arith.constant 0 : index
    %swap3A_119 = arith.constant 0 : index
    %swap3A_120 = vector.load %arg5[%swap3A_117, %swap3A_118, %swap3A_119] : memref<8x1000x64xf32, #tpu.memory_space<vmem>>, vector<1x1000x64xf32>
    %swap3A_121 = vector.shape_cast %swap3A_120 : vector<1x1000x64xf32> to vector<1000x64xf32>
    %swap3A_122 = vector.shape_cast %slice3A_116 : vector<1000x64xf32> to vector<1x1000x64xf32>
    tpu.vector_store %arg5[%swap3A_117, %swap3A_118, %swap3A_119], %swap3A_122 {strides = array<i32>} : memref<8x1000x64xf32, #tpu.memory_space<vmem>>, vector<1x1000x64xf32>,
    %get3A_123 = arith.constant 3 : index
    %get3A_124 = arith.constant 0 : index
    %get3A_125 = vector.load %arg3[%get3A_123, %get3A_124] : memref<4x128xf32, #tpu.memory_space<vmem>>, vector<1x128xf32>
    %get3A_126 = vector.shape_cast %get3A_125 : vector<1x128xf32> to vector<128xf32>
    %reshape3A_127 = vector.shape_cast %get3A_126 : vector<128xf32> to vector<128x1xf32>
    %dot_general3A_128 = arith.constant dense<0.000000e+00> : vector<1000x1xf32>
    %dot_general3A_129 = tpu.matmul %slice3A_108, %reshape3A_127, %dot_general3A_128 {dimension_numbers = #tpu.dot_dimension_numbers<[1], [0], [0], [1], [0, 0, 1, 1], [], []>, transpose_lhs_hint = false} : vector<1000x128xf32>, vector<128x1xf32>, vector<1000x1xf32> -> vector<1000x1xf32>
    %swap3A_130 = arith.constant 0 : index
    %swap3A_131 = arith.constant 3 : index
    %swap3A_132 = vector.load %arg6[%swap3A_130, %swap3A_131] : memref<1000x4xf32, #tpu.memory_space<vmem>>, vector<1000x1xf32>
    tpu.vector_store %arg6[%swap3A_130, %swap3A_131], %dot_general3A_129 {strides = array<i32>} : memref<1000x4xf32, #tpu.memory_space<vmem>>, vector<1000x1xf32>,
    %get3A_133 = arith.constant 3 : index
    %get3A_134 = arith.constant 0 : index
    %get3A_135 = vector.load %arg4[%get3A_133, %get3A_134] : memref<4x128xf32, #tpu.memory_space<vmem>>, vector<1x128xf32>
    %get3A_136 = vector.shape_cast %get3A_135 : vector<1x128xf32> to vector<128xf32>
    %reshape3A_137 = vector.shape_cast %get3A_136 : vector<128xf32> to vector<128x1xf32>
    %dot_general3A_138 = arith.constant dense<0.000000e+00> : vector<1000x1xf32>
    %dot_general3A_139 = tpu.matmul %slice3A_108, %reshape3A_137, %dot_general3A_138 {dimension_numbers = #tpu.dot_dimension_numbers<[1], [0], [0], [1], [0, 0, 1, 1], [], []>, transpose_lhs_hint = false} : vector<1000x128xf32>, vector<128x1xf32>, vector<1000x1xf32> -> vector<1000x1xf32>
    %swap3A_140 = arith.constant 0 : index
    %swap3A_141 = arith.constant 3 : index
    %swap3A_142 = vector.load %arg7[%swap3A_140, %swap3A_141] : memref<1000x4xf32, #tpu.memory_space<vmem>>, vector<1000x1xf32>
    tpu.vector_store %arg7[%swap3A_140, %swap3A_141], %dot_general3A_139 {strides = array<i32>} : memref<1000x4xf32, #tpu.memory_space<vmem>>, vector<1000x1xf32>,
    %get3A_143 = arith.constant 0 : index
    %get3A_144 = arith.constant 0 : index
    %get3A_145 = vector.load %arg6[%get3A_143, %get3A_144] : memref<1000x4xf32, #tpu.memory_space<vmem>>, vector<1000x4xf32>
    %reduce_max3A = vector.shape_cast %get3A_145 : vector<1000x4xf32> to vector<1x1000x4xf32>
    %reduce_max3A_146 = arith.constant dense<0xFF800000> : vector<1xf32>
    %reduce_max3A_147 = vector.multi_reduction <maximumf>, %reduce_max3A, %reduce_max3A_146 [1, 2] : vector<1x1000x4xf32> to vector<1xf32>
    %reduce_max3A_148 = vector.shape_cast %reduce_max3A_147 : vector<1xf32> to vector<1x1x1xf32>
    %reduce_max3A_149 = vector.extract %reduce_max3A_148[0, 0, 0] : f32 from vector<1x1x1xf32>
    %get3A_150 = arith.constant 0 : index
    %get3A_151 = arith.constant 0 : index
    %get3A_152 = vector.load %arg7[%get3A_150, %get3A_151] : memref<1000x4xf32, #tpu.memory_space<vmem>>, vector<1000x4xf32>
    %reduce_max3A_153 = vector.shape_cast %get3A_152 : vector<1000x4xf32> to vector<1x1000x4xf32>
    %reduce_max3A_154 = arith.constant dense<0xFF800000> : vector<1xf32>
    %reduce_max3A_155 = vector.multi_reduction <maximumf>, %reduce_max3A_153, %reduce_max3A_154 [1, 2] : vector<1x1000x4xf32> to vector<1xf32>
    %reduce_max3A_156 = vector.shape_cast %reduce_max3A_155 : vector<1xf32> to vector<1x1x1xf32>
    %reduce_max3A_157 = vector.extract %reduce_max3A_156[0, 0, 0] : f32 from vector<1x1x1xf32>
    %eq3A = arith.constant 0 : i32
    %eq3A_158 = arith.cmpi eq, %arg0, %eq3A : i32
    %convert_element_type3A = arith.extui %eq3A_158 : i1 to i32
    %cond3A = arith.constant 0 : i32
    %cond3A_159 = arith.cmpi ne, %convert_element_type3A, %cond3A : i32
    scf.if %cond3A_159 {
      %swap3A_164 = arith.constant 0 : index
      %swap3A_165 = arith.constant 0 : index
      %swap3A_166 = memref.load %arg8[%swap3A_164, %swap3A_165] : memref<1x1xf32, #tpu.memory_space<smem>>
      memref.store %reduce_max3A_149, %arg8[%swap3A_164, %swap3A_165] : memref<1x1xf32, #tpu.memory_space<smem>>
      %swap3A_167 = arith.constant 0 : index
      %swap3A_168 = arith.constant 0 : index
      %swap3A_169 = memref.load %arg9[%swap3A_167, %swap3A_168] : memref<1x1xf32, #tpu.memory_space<smem>>
      memref.store %reduce_max3A_157, %arg9[%swap3A_167, %swap3A_168] : memref<1x1xf32, #tpu.memory_space<smem>>
    } else {
    }
    %gt3A = arith.constant 0 : i32
    %gt3A_160 = arith.cmpi sgt, %arg0, %gt3A : i32
    %convert_element_type3A_161 = arith.extui %gt3A_160 : i1 to i32
    %cond3A_162 = arith.constant 0 : i32
    %cond3A_163 = arith.cmpi ne, %convert_element_type3A_161, %cond3A_162 : i32
    scf.if %cond3A_163 {
      %get3A_164 = arith.constant 0 : index
      %get3A_165 = arith.constant 0 : index
      %get3A_166 = memref.load %arg8[%get3A_164, %get3A_165] : memref<1x1xf32, #tpu.memory_space<smem>>
      %max3A = arith.maximumf %get3A_166, %reduce_max3A_149 : f32
      %swap3A_167 = arith.constant 0 : index
      %swap3A_168 = arith.constant 0 : index
      %swap3A_169 = memref.load %arg8[%swap3A_167, %swap3A_168] : memref<1x1xf32, #tpu.memory_space<smem>>
      memref.store %max3A, %arg8[%swap3A_167, %swap3A_168] : memref<1x1xf32, #tpu.memory_space<smem>>
      %get3A_170 = arith.constant 0 : index
      %get3A_171 = arith.constant 0 : index
      %get3A_172 = memref.load %arg9[%get3A_170, %get3A_171] : memref<1x1xf32, #tpu.memory_space<smem>>
      %max3A_173 = arith.maximumf %get3A_172, %reduce_max3A_157 : f32
      %swap3A_174 = arith.constant 0 : index
      %swap3A_175 = arith.constant 0 : index
      %swap3A_176 = memref.load %arg9[%swap3A_174, %swap3A_175] : memref<1x1xf32, #tpu.memory_space<smem>>
      memref.store %max3A_173, %arg9[%swap3A_174, %swap3A_175] : memref<1x1xf32, #tpu.memory_space<smem>>
    } else {
    }
    return
  }
  func.func @transform_0(%arg0: i32) -> (i32, i32) {
    %c0_i32 = arith.constant 0 : i32
    %c0_i32_0 = arith.constant 0 : i32
    return %arg0, %c0_i32 : i32, i32
  }
  func.func @transform_1(%arg0: i32) -> (i32, i32) {
    %c0_i32 = arith.constant 0 : i32
    %c0_i32_0 = arith.constant 0 : i32
    %c0_i32_1 = arith.constant 0 : i32
    return %c0_i32, %c0_i32_0 : i32, i32
  }
  func.func @transform_2(%arg0: i32) -> (i32, i32) {
    %c0_i32 = arith.constant 0 : i32
    %c0_i32_0 = arith.constant 0 : i32
    %c0_i32_1 = arith.constant 0 : i32
    return %c0_i32, %c0_i32_0 : i32, i32
  }
  func.func @transform_3(%arg0: i32) -> (i32, i32) {
    %c0_i32 = arith.constant 0 : i32
    %c0_i32_0 = arith.constant 0 : i32
    %c0_i32_1 = arith.constant 0 : i32
    return %c0_i32, %c0_i32_0 : i32, i32
  }
  func.func @transform_4(%arg0: i32) -> (i32, i32, i32) {
    %c0_i32 = arith.constant 0 : i32
    %c0_i32_0 = arith.constant 0 : i32
    %c0_i32_1 = arith.constant 0 : i32
    return %c0_i32, %arg0, %c0_i32_0 : i32, i32, i32
  }
  func.func @transform_5(%arg0: i32) -> (i32, i32) {
    %c0_i32 = arith.constant 0 : i32
    %c0_i32_0 = arith.constant 0 : i32
    return %arg0, %c0_i32 : i32, i32
  }
  func.func @transform_6(%arg0: i32) -> (i32, i32) {
    %c0_i32 = arith.constant 0 : i32
    %c0_i32_0 = arith.constant 0 : i32
    return %arg0, %c0_i32 : i32, i32
  }
  func.func @transform_7(%arg0: i32) -> (i32, i32) {
    %c0_i32 = arith.constant 0 : i32
    %c0_i32_0 = arith.constant 0 : i32
    %c0_i32_1 = arith.constant 0 : i32
    return %c0_i32, %c0_i32_0 : i32, i32
  }
  func.func @transform_8(%arg0: i32) -> (i32, i32) {
    %c0_i32 = arith.constant 0 : i32
    %c0_i32_0 = arith.constant 0 : i32
    %c0_i32_1 = arith.constant 0 : i32
    return %c0_i32, %c0_i32_0 : i32, i32
  }
}

module attributes {stable_mosaic.version = 14 : i64} {
  func.func @_final_body(%arg0: i32, %arg1: memref<8x1000x64xf32, #tpu.memory_space<vmem>>, %arg2: memref<1000x128xf32, #tpu.memory_space<vmem>>, %arg3: memref<4x128xf32, #tpu.memory_space<vmem>>, %arg4: memref<1x1xf32, #tpu.memory_space<smem>>, %arg5: memref<1000x128xf32, #tpu.memory_space<vmem>>) attributes {dimension_semantics = [#tpu.dimension_semantics<arbitrary>], iteration_bounds = array<i64: 10>, scalar_prefetch = 0 : i64, scratch_operands = 0 : i64, tpu.core_type = #tpu.core_type<tc>, window_params = [{transform_indices = @transform_0, window_bounds = array<i64: 8, 1000, 64>}, {transform_indices = @transform_1, window_bounds = array<i64: 1000, 128>}, {pipeline_mode = #tpu.pipeline_mode<synchronous>, transform_indices = @transform_2, window_bounds = array<i64: 4, 128>}, {transform_indices = @transform_3, window_bounds = array<i64: 1, 1>}, {transform_indices = @transform_4, window_bounds = array<i64: 1000, 128>}]} {
    %get3A = arith.constant 0 : index
    %get3A_0 = arith.constant 0 : index
    %get3A_1 = arith.constant 0 : index
    %get3A_2 = vector.load %arg1[%get3A, %get3A_0, %get3A_1] : memref<8x1000x64xf32, #tpu.memory_space<vmem>>, vector<1x1000x64xf32>
    %get3A_3 = vector.shape_cast %get3A_2 : vector<1x1000x64xf32> to vector<1000x64xf32>
    %get3A_4 = arith.constant 2 : index
    %get3A_5 = arith.constant 0 : index
    %get3A_6 = arith.constant 0 : index
    %get3A_7 = vector.load %arg1[%get3A_4, %get3A_5, %get3A_6] : memref<8x1000x64xf32, #tpu.memory_space<vmem>>, vector<1x1000x64xf32>
    %get3A_8 = vector.shape_cast %get3A_7 : vector<1x1000x64xf32> to vector<1000x64xf32>
    %add3A = arith.addf %get3A_3, %get3A_8 : vector<1000x64xf32>
    %get3A_9 = arith.constant 4 : index
    %get3A_10 = arith.constant 0 : index
    %get3A_11 = arith.constant 0 : index
    %get3A_12 = vector.load %arg1[%get3A_9, %get3A_10, %get3A_11] : memref<8x1000x64xf32, #tpu.memory_space<vmem>>, vector<1x1000x64xf32>
    %get3A_13 = vector.shape_cast %get3A_12 : vector<1x1000x64xf32> to vector<1000x64xf32>
    %add3A_14 = arith.addf %add3A, %get3A_13 : vector<1000x64xf32>
    %get3A_15 = arith.constant 6 : index
    %get3A_16 = arith.constant 0 : index
    %get3A_17 = arith.constant 0 : index
    %get3A_18 = vector.load %arg1[%get3A_15, %get3A_16, %get3A_17] : memref<8x1000x64xf32, #tpu.memory_space<vmem>>, vector<1x1000x64xf32>
    %get3A_19 = vector.shape_cast %get3A_18 : vector<1x1000x64xf32> to vector<1000x64xf32>
    %add3A_20 = arith.addf %add3A_14, %get3A_19 : vector<1000x64xf32>
    %mul3A = arith.constant 2.500000e-01 : f32
    %mul3A_21 = vector.broadcast %mul3A : f32 to vector<1000x64xf32>
    %mul3A_22 = arith.mulf %add3A_20, %mul3A_21 : vector<1000x64xf32>
    %get3A_23 = arith.constant 1 : index
    %get3A_24 = arith.constant 0 : index
    %get3A_25 = arith.constant 0 : index
    %get3A_26 = vector.load %arg1[%get3A_23, %get3A_24, %get3A_25] : memref<8x1000x64xf32, #tpu.memory_space<vmem>>, vector<1x1000x64xf32>
    %get3A_27 = vector.shape_cast %get3A_26 : vector<1x1000x64xf32> to vector<1000x64xf32>
    %get3A_28 = arith.constant 3 : index
    %get3A_29 = arith.constant 0 : index
    %get3A_30 = arith.constant 0 : index
    %get3A_31 = vector.load %arg1[%get3A_28, %get3A_29, %get3A_30] : memref<8x1000x64xf32, #tpu.memory_space<vmem>>, vector<1x1000x64xf32>
    %get3A_32 = vector.shape_cast %get3A_31 : vector<1x1000x64xf32> to vector<1000x64xf32>
    %add3A_33 = arith.addf %get3A_27, %get3A_32 : vector<1000x64xf32>
    %get3A_34 = arith.constant 5 : index
    %get3A_35 = arith.constant 0 : index
    %get3A_36 = arith.constant 0 : index
    %get3A_37 = vector.load %arg1[%get3A_34, %get3A_35, %get3A_36] : memref<8x1000x64xf32, #tpu.memory_space<vmem>>, vector<1x1000x64xf32>
    %get3A_38 = vector.shape_cast %get3A_37 : vector<1x1000x64xf32> to vector<1000x64xf32>
    %add3A_39 = arith.addf %add3A_33, %get3A_38 : vector<1000x64xf32>
    %get3A_40 = arith.constant 7 : index
    %get3A_41 = arith.constant 0 : index
    %get3A_42 = arith.constant 0 : index
    %get3A_43 = vector.load %arg1[%get3A_40, %get3A_41, %get3A_42] : memref<8x1000x64xf32, #tpu.memory_space<vmem>>, vector<1x1000x64xf32>
    %get3A_44 = vector.shape_cast %get3A_43 : vector<1x1000x64xf32> to vector<1000x64xf32>
    %add3A_45 = arith.addf %add3A_39, %get3A_44 : vector<1000x64xf32>
    %mul3A_46 = arith.constant 2.500000e-01 : f32
    %mul3A_47 = vector.broadcast %mul3A_46 : f32 to vector<1000x64xf32>
    %mul3A_48 = arith.mulf %add3A_45, %mul3A_47 : vector<1000x64xf32>
    %get3A_49 = arith.constant 0 : index
    %get3A_50 = arith.constant 0 : index
    %get3A_51 = vector.load %arg3[%get3A_49, %get3A_50] : memref<4x128xf32, #tpu.memory_space<vmem>>, vector<4x128xf32>
    %reduce_sum3A = arith.constant dense<0.000000e+00> : vector<128xf32>
    %reduce_sum3A_52 = vector.multi_reduction <add>, %get3A_51, %reduce_sum3A [0] : vector<4x128xf32> to vector<128xf32>
    %broadcast_in_dim3A = vector.shape_cast %reduce_sum3A_52 : vector<128xf32> to vector<1x128xf32>
    %div3A = arith.constant 4.000000e+00 : f32
    %div3A_53 = vector.broadcast %div3A : f32 to vector<1x128xf32>
    %div3A_54 = arith.divf %broadcast_in_dim3A, %div3A_53 : vector<1x128xf32>
    %get3A_55 = arith.constant 0 : index
    %get3A_56 = arith.constant 0 : index
    %get3A_57 = memref.load %arg4[%get3A_55, %get3A_56] : memref<1x1xf32, #tpu.memory_space<smem>>
    %sub3A = arith.constant 1.000000e+00 : f32
    %sub3A_58 = arith.subf %sub3A, %get3A_57 : f32
    %slice3A = vector.extract_strided_slice %div3A_54 {offsets = [0, 0], sizes = [1, 64], strides = [1, 1]} : vector<1x128xf32> to vector<1x64xf32>
    %add3A_59 = vector.broadcast %slice3A : vector<1x64xf32> to vector<1000x64xf32>
    %add3A_60 = arith.addf %mul3A_22, %add3A_59 : vector<1000x64xf32>
    %mul3A_61 = vector.broadcast %sub3A_58 : f32 to vector<1000x64xf32>
    %mul3A_62 = arith.mulf %mul3A_61, %add3A_60 : vector<1000x64xf32>
    %get3A_63 = arith.constant 0 : index
    %get3A_64 = arith.constant 0 : index
    %get3A_65 = vector.load %arg2[%get3A_63, %get3A_64] : memref<1000x128xf32, #tpu.memory_space<vmem>>, vector<1000x64xf32>
    %mul3A_66 = vector.broadcast %get3A_57 : f32 to vector<1000x64xf32>
    %mul3A_67 = arith.mulf %mul3A_66, %get3A_65 : vector<1000x64xf32>
    %add3A_68 = arith.addf %mul3A_62, %mul3A_67 : vector<1000x64xf32>
    %swap3A = arith.constant 0 : index
    %swap3A_69 = arith.constant 0 : index
    %swap3A_70 = vector.load %arg5[%swap3A, %swap3A_69] : memref<1000x128xf32, #tpu.memory_space<vmem>>, vector<1000x64xf32>
    tpu.vector_store %arg5[%swap3A, %swap3A_69], %add3A_68 {strides = array<i32>} : memref<1000x128xf32, #tpu.memory_space<vmem>>, vector<1000x64xf32>,
    %sub3A_71 = arith.constant 1.000000e+00 : f32
    %sub3A_72 = arith.subf %sub3A_71, %get3A_57 : f32
    %slice3A_73 = vector.extract_strided_slice %div3A_54 {offsets = [0, 64], sizes = [1, 64], strides = [1, 1]} : vector<1x128xf32> to vector<1x64xf32>
    %add3A_74 = vector.broadcast %slice3A_73 : vector<1x64xf32> to vector<1000x64xf32>
    %add3A_75 = arith.addf %mul3A_48, %add3A_74 : vector<1000x64xf32>
    %mul3A_76 = vector.broadcast %sub3A_72 : f32 to vector<1000x64xf32>
    %mul3A_77 = arith.mulf %mul3A_76, %add3A_75 : vector<1000x64xf32>
    %get3A_78 = arith.constant 0 : index
    %get3A_79 = arith.constant 64 : index
    %get3A_80 = vector.load %arg2[%get3A_78, %get3A_79] : memref<1000x128xf32, #tpu.memory_space<vmem>>, vector<1000x64xf32>
    %mul3A_81 = vector.broadcast %get3A_57 : f32 to vector<1000x64xf32>
    %mul3A_82 = arith.mulf %mul3A_81, %get3A_80 : vector<1000x64xf32>
    %add3A_83 = arith.addf %mul3A_77, %mul3A_82 : vector<1000x64xf32>
    %swap3A_84 = arith.constant 0 : index
    %swap3A_85 = arith.constant 64 : index
    %swap3A_86 = vector.load %arg5[%swap3A_84, %swap3A_85] : memref<1000x128xf32, #tpu.memory_space<vmem>>, vector<1000x64xf32>
    tpu.vector_store %arg5[%swap3A_84, %swap3A_85], %add3A_83 {strides = array<i32>} : memref<1000x128xf32, #tpu.memory_space<vmem>>, vector<1000x64xf32>,
    return
  }
  func.func @transform_0(%arg0: i32) -> (i32, i32, i32) {
    %c0_i32 = arith.constant 0 : i32
    %c0_i32_0 = arith.constant 0 : i32
    %c0_i32_1 = arith.constant 0 : i32
    return %c0_i32, %arg0, %c0_i32_0 : i32, i32, i32
  }
  func.func @transform_1(%arg0: i32) -> (i32, i32) {
    %c0_i32 = arith.constant 0 : i32
    %c0_i32_0 = arith.constant 0 : i32
    return %arg0, %c0_i32 : i32, i32
  }
  func.func @transform_2(%arg0: i32) -> (i32, i32) {
    %c0_i32 = arith.constant 0 : i32
    %c0_i32_0 = arith.constant 0 : i32
    %c0_i32_1 = arith.constant 0 : i32
    return %c0_i32, %c0_i32_0 : i32, i32
  }
  func.func @transform_3(%arg0: i32) -> (i32, i32) {
    %c0_i32 = arith.constant 0 : i32
    %c0_i32_0 = arith.constant 0 : i32
    %c0_i32_1 = arith.constant 0 : i32
    return %c0_i32, %c0_i32_0 : i32, i32
  }
  func.func @transform_4(%arg0: i32) -> (i32, i32) {
    %c0_i32 = arith.constant 0 : i32
    %c0_i32_0 = arith.constant 0 : i32
    return %arg0, %c0_i32 : i32, i32
  }
}

</mosaic_0001>

<sc_bundles>
// kernel: _run.10.cloned.1.call-start
scs
__scs_entry_jumppad:
0x0: {  	(pc) =	sbr.rel $0x88, $3  }
0x1: {  	(tag) =	ssettag $0x0;
	lr =	simm.s32 $0x1  }
0x2: {  	[smem:$0x3F99] =	sst lr;
	_ =	strace $0xD0000000  }
0x3: {  	_ = 	snop  }
0x4: {  	_ = 	snop  }
0x5: {  	_ = 	snop  }
0x6: {  	_ = 	snop  }
0x7: {  	_ = 	snop  }
__scs_overlays_trampoline_lowered:
0x8: {  	[smem:$0x3FA8] =	sst s0  }
0x9: {  	[smem:$0x3FA9] =	sst s1  }
0xa: {  	[smem:$0x3FAA] =	sst s2  }
0xb: {  	[smem:$0x3FAB] =	sst s3  }
0xc: {  	[smem:$0x3FAC] =	sst s4  }
0xd: {  	[smem:$0x3FAD] =	sst s5  }
0xe: {  	[smem:$0x3FAE] =	sst s6  }
0xf: {  	[smem:$0x3FAF] =	sst s7  }
0x10: {  	[smem:$0x3FB0] =	sst s8  }
0x11: {  	[smem:$0x3FB1] =	sst s9;
	s0 =	simm.s32 @!p0 $0x0  }
0x12: {  	s1 =	sld [smem:$0x3F97];
	s0 =	simm.s32 @p0 $0x1  }
0x13: {  	[smem:$0x3FB2] =	sst s0;
	s0 =	simm.s32 @!p1 $0x0  }
0x14: {  	s2 =	sld [smem:$0x3F96];
	s0 =	simm.s32 @p1 $0x1  }
0x15: {  	[smem:$0x3FB3] =	sst s0;
	s0 =	simm.s32 @!p2 $0x0  }
0x16: {  	s3 =	sld [smem:$0x3FDB];
	s0 =	simm.s32 @p2 $0x1  }
0x17: {  	s4 =	simm.s32 $0x1BF5;
	[smem:$0x3FB5] =	sst s0  }
0x18: {  	s0 =	sld [smem:$0x3F98];
	_ =	swait.ge [sflag:s4], $0x0  }
0x19: {  	s7 =	sld [smem:$0x3F99]  }
0x1a: {  	s8 =	sadd.s32 $0xFFFFE003, lr  }
0x1b: {  	s9 =	sadd.s32 $0xFFFFFEF7, lr;
	s5 =	simm.s32 $0xFFFFFFFF;
	p2 =	slt.u32 s8, $0xFFFFF086  }
0x1c: {  	p1 =	slt.u32 s9, $0xF7A;
	s5 =	simm.s32 @!p2 $0x0  }
0x1d: {  	s5 =	simm.s32 @p1 $0x1;
	p0 =	seq.s32 s7, s2  }
0x1e: {  	s7 =	smul.u32 @!p0 $0xF7A, s2;
	p2 =	seq.s32 @!p0 s5, $0x0  }
0x1f: {  	s9 =	smul.u32 $0xF7A, s1;
	s8 =	simm.s32 @!p0 $0x1BF5;
	p2 =	por !p2, p0  }
0x20: {  	[sflag:s8] =	ssyncset.s32 @!p0 $0xFFFFF086;
	s6 =	sadd.s32 @!p0 s3, s7;
	s7 =	simm.s32 @!p0 $0x108  }
0x21: {  	s3 =	sadd.s32 s3, s9;
	s6 =	sadd.s32 @!p0 $0x88, s6;
	s7 =	simm.s32 @p2 $0x1082  }
0x22: {  	[simem:s7], [sflag:s8] =	dma.local @!p0 [hbm:s6], $0xF7A  }
0x23: {  	s9 =	sor.u32 $0xD0000000, s2;
	s6 =	simm.s32 $0x108;
	_ =	swait.ge @!p0 [sflag:s8], $0x0  }
0x24: {  	s3 =	sadd.s32 $0x88, s3;
	s6 =	simm.s32 @!p1 $0x1082;
	[sflag:s4] =	ssyncset.s32 $0xFFFFF086  }
0x25: {  	[simem:s6], [sflag:s4] =	dma.local [hbm:s3], $0xF7A  }
0x26: {  	[smem:$0x3F99] =	sst s1;
	(tag) =	ssettag s2;
	_ =	strace s9  }
0x27: {  	s1 =	sld [smem:$0x3FA9]  }
0x28: {  	s2 =	sld [smem:$0x3FAA]  }
0x29: {  	s4 =	sld [smem:$0x3FAC]  }
0x2a: {  	p0 =	seq.s32 s5, $0x0;
	s5 =	sld [smem:$0x3FAD]  }
0x2b: {  	s6 =	sld [smem:$0x3FAE]  }
0x2c: {  	s7 =	sld [smem:$0x3FAF]  }
0x2d: {  	s3 =	simm.s32 $0x108;
	s8 =	sld [smem:$0x3FB0]  }
0x2e: {  	s3 =	simm.s32 @!p0 $0x1082;
	s9 =	sld [smem:$0x3FB1]  }
0x2f: {  	lr =	sadd.s32 s0, s3;
	s0 =	sld [smem:$0x3FA8]  }
0x30: {  	s3 =	sld [smem:$0x3FAB]  }
0x31: {  	[smem:$0x3FB4] =	sst s10  }
0x32: {  	s10 =	sld [smem:$0x3FB2];
	_ =	sdelay $0x3  }
0x33: {  	p0 =	seq.s32 s10, $0x1;
	s10 =	sld [smem:$0x3FB4];
	_ =	sdelay $0x3  }
0x34: {  	[smem:$0x3FB4] =	sst s10  }
0x35: {  	s10 =	sld [smem:$0x3FB3];
	_ =	sdelay $0x3  }
0x36: {  	p1 =	seq.s32 s10, $0x1;
	s10 =	sld [smem:$0x3FB4];
	_ =	sdelay $0x3  }
0x37: {  	[smem:$0x3FB4] =	sst s10  }
0x38: {  	s10 =	sld [smem:$0x3FB5]  }
0x39: {  	_ = 	snop;
	(pc) =	sbr.ind lr, $3  }
0x3a: {  	_ = 	snop  }
0x3b: {  	_ = 	snop  }
0x3c: {  	p2 =	seq.s32 s10, $0x1;
	s10 =	sld [smem:$0x3FB4]  }
0x3d: {  	_ =	shalt  }
0x3e: {  	_ =	shalt  }
0x3f: {  	_ =	shalt  }
0x40: {  	_ =	shalt  }
0x41: {  	_ =	shalt  }
0x42: {  	_ =	shalt  }
0x43: {  	_ =	shalt  }
0x44: {  	_ =	shalt  }
0x45: {  	_ =	shalt  }
0x46: {  	_ =	shalt  }
0x47: {  	_ =	shalt  }
0x48: {  	_ =	shalt  }
0x49: {  	_ =	shalt  }
0x4a: {  	_ =	shalt  }
0x4b: {  	_ =	shalt  }
0x4c: {  	_ =	shalt  }
0x4d: {  	_ =	shalt  }
0x4e: {  	_ =	shalt  }
0x4f: {  	_ =	shalt  }
0x50: {  	_ =	shalt  }
0x51: {  	_ =	shalt  }
0x52: {  	_ =	shalt  }
0x53: {  	_ =	shalt  }
0x54: {  	_ =	shalt  }
0x55: {  	_ =	shalt  }
0x56: {  	_ =	shalt  }
0x57: {  	_ =	shalt  }
0x58: {  	_ =	shalt  }
0x59: {  	_ =	shalt  }
0x5a: {  	_ =	shalt  }
0x5b: {  	_ =	shalt  }
0x5c: {  	_ =	shalt  }
0x5d: {  	_ =	shalt  }
0x5e: {  	_ =	shalt  }
0x5f: {  	_ =	shalt  }
0x60: {  	_ =	shalt  }
0x61: {  	_ =	shalt  }
0x62: {  	_ =	shalt  }
0x63: {  	_ =	shalt  }
0x64: {  	_ =	shalt  }
0x65: {  	_ =	shalt  }
0x66: {  	_ =	shalt  }
0x67: {  	_ =	shalt  }
0x68: {  	_ =	shalt  }
0x69: {  	_ =	shalt  }
0x6a: {  	_ =	shalt  }
0x6b: {  	_ =	shalt  }
0x6c: {  	_ =	shalt  }
0x6d: {  	_ =	shalt  }
0x6e: {  	_ =	shalt  }
0x6f: {  	_ =	shalt  }
0x70: {  	_ =	shalt  }
0x71: {  	_ =	shalt  }
0x72: {  	_ =	shalt  }
0x73: {  	_ =	shalt  }
0x74: {  	_ =	shalt  }
0x75: {  	_ =	shalt  }
0x76: {  	_ =	shalt  }
0x77: {  	_ =	shalt  }
0x78: {  	_ =	shalt  }
0x79: {  	_ =	shalt  }
0x7a: {  	_ =	shalt  }
0x7b: {  	_ =	shalt  }
0x7c: {  	_ =	shalt  }
0x7d: {  	_ =	shalt  }
0x7e: {  	_ =	shalt  }
0x7f: {  	_ =	shalt  }
0x80: {  	_ =	shalt  }
0x81: {  	_ =	shalt  }
0x82: {  	_ =	shalt  }
0x83: {  	_ =	shalt  }
0x84: {  	_ =	shalt  }
0x85: {  	_ =	shalt  }
0x86: {  	_ =	shalt  }
0x87: {  	_ =	shalt  }
.Lfunc_end0:
.L_simem_size_0:
called_computation.1_lowered:
.L_overlay_start_0:
0x88: {  	s2 =	sld [smem:$0x3FD9]  }
0x89: {  	s3 =	sld [smem:$0x3FFE];
	_ =	sdelay $0x1  }
0x8a: {  	s1 =	srdreg.scid  }
0x8b: {  	s0 =	sand.u32 $0x1, s1  }
0x8c: {  	s16 =	sshll.u32 s0, $0xA;
	s2 =	sadd.s32 s3, s2  }
0x8d: {  	s2 =	sadd.s32 s2, s16  }
0x8e: {  	[smem:$0x3FC0] =	sst s2  }
0x8f: {  	_ = 	snop  }
0x90: {  	(tm) =	ssettm $0x1  }
0x91: {  	s17 =	sld [smem:$0x3FFB];
	_ =	sdelay $0x3  }
0x92: {  	_ =	strace s17  }
0x93: {  	s2 =	sld [smem:$0x3FFC];
	_ =	sdelay $0x3  }
0x94: {  	_ =	strace s2  }
0x95: {  	s2 =	sld [smem:$0x3FFD];
	_ =	sdelay $0x3  }
0x96: {  	_ =	strace s2  }
0x97: {  	_ =	strace $0x8FFFFFFF  }
0x98: {  	s18 =	sld [smem:$0x3FDB];
	_ =	sdelay $0x1  }
0x99: {  	s19 =	simm.s32 $_scs_section_size  }
0x9a: {  	s4 =	simm.s32 $_size__tile_overlayer_lowered;
	s5 =	simm.s32 $_tile_overlayer_lowered  }
0x9b: {  	s22 =	simm.s32 $0x1BFF;
	s21 =	sshll.u32 s5, $0x1;
	s2 =	sadd.s32 s19, s18  }
0x9c: {  	s6 =	simm.s32 $0x0;
	s20 =	sshll.u32 s4, $0x1;
	s4 =	sadd.s32 s21, s2  }
0x9d: {  	[timem:s6], [sflag:s22] =	dma.local [hbm:s4], s20  }
0x9e: {  	_ =	swait.ge [sflag:s22], s20  }
0x9f: {  	s3 =	ssub.s32 $0x0, s20;
	[sflag:s22] =	ssyncset.done $0x0  }
0xa0: {  	[sflag:s22] =	ssyncadd.s32 s3;
	_ =	sdelay $0x1  }
0xa1: {  	s23 =	simm.s32 $0x1B8B  }
0xa2: {  	_ =	swait.ge [sflag:s23], $0x1  }
0xa3: {  	[sflag:s23] =	ssyncset.done $0x0  }
0xa4: {  	s25 =	simm.s32 $0x1B8E;
	s24 =	sld [smem:$0x3FFE];
	[sflag:s23] =	ssyncadd.s32 $0xFFFFFFFF  }
0xa5: {  	s26 =	simm.s32 $execute0_lowered;
	[smem:$0x3FD2] =	sst s25  }
0xa6: {  	s4 =	sshll.u32 s26, $0x1;
	_ =	strace $0x80000049;
	[dreg:$0x1] =	wrdreg $0xFFFFFFFF  }
0xa7: {  	s28 =	simm.s32 $_size_execute0_lowered;
	s2 =	sadd.s32 s2, s4;
	[dreg:$0x0] =	wrdreg $0x0  }
0xa8: {  	s4 =	sshll.u32 s28, $0x1;
	[dreg:$0x2] =	wrdreg s2  }
0xa9: {  	[dreg:$0x3] =	wrdreg s4  }
0xaa: {  	[dreg:$0x4] =	wrdreg $0xC0  }
0xab: {  	_ =	task [dreg:s6], $0x5FFFF  }
0xac: {  	[dreg:$0x1] =	wrdreg $0xFFFFFFFF  }
0xad: {  	[dreg:$0x0] =	wrdreg $0x60  }
0xae: {  	[dreg:$0x2] =	wrdreg s24  }
0xaf: {  	[dreg:$0x3] =	wrdreg $0x9  }
0xb0: {  	_ =	task.clear_ibuf [dreg:s6], $0x4FFFF;
	_ =	strace $0x90000049  }
0xb1: {  	s29 =	simm.s32 $0x9;
	_ =	strace $0x8000004B  }
0xb2: {  	_ =	swait.ge [sflag:s29], $0x1  }
0xb3: {  	[sflag:s29] =	ssyncadd.s32 $0xFFFFFFFF  }
0xb4: {  	_ =	strace $0x9000004B  }
0xb5: {  	_ =	sfence  }
0xb6: {  	s30 =	sld [smem:$0x0];
	_ =	sdelay $0x2  }
0xb7: {  	s31 =	sshll.u32 s1, $0xD;
	s1 =	sshrl.u32 s1, $0x2  }
0xb8: {  	s3 =	sand.u32 $0x4000, s31;
	s1 =	sadd.s32 s1, s30  }
0xb9: {  	s0 =	sor.u32 s3, s0;
	s1 =	sshll.u32 s1, $0x11  }
0xba: {  	s0 =	sor.u32 s1, s0  }
0xbb: {  	s0 =	sadd.s32 $0x8F2B, s0  }
0xbc: {  	[sflag:s0] =	ssyncadd.remote.s32 $0x1  }
0xbd: {  	_ =	sfence.sel $0xFFFF  }
0xbe: {  	[dreg:$0x0] =	wrdreg $0xFFFFFFFF;
	(pc) =	sbr.abs _section_cstart, $3  }
0xbf: {  	[dreg:$0x1] =	wrdreg $0xFFFFFFFF  }
0xc0: {  	_ =	task.clear_ibuf [dreg:s6], $0x2FFFF;
	_ =	strace $0x9FFFFFFF  }
0xc1: {  	(tm) =	ssettm $0x7FFFFFFF  }
tec
execute0_lowered:
.L_overlay_start_1:
0x0: {  	(tag) =	ssettag $0x1  }
0x1: {  	s1 =	srdreg.scid  }
0x2: {  	s0 =	stileid.u32;
	s4 =	rddreg [dreg:$0x0];
	s2 =	simm.s32 $0x0  }
0x3: {  	s21 =	simm.s32 $0x1;
	s3 =	sand.u32 $0x1, s1;
	s5 =	smul.u32 $0x500, s0  }
0x4: {  	s22 =	simm.s32 $0x500;
	s1 =	rddreg [dreg:$0x1];
	s6 =	smul.u32 $0x50000, s3  }
0x5: {  	s23 =	simm.s32 $0x0;
	[smem:$0x7FF] =	sst s2;
	s7 =	smul.u32 $0x5000, s3  }
0x6: {  	s11 =	sadd.s32 $0x1EB800, s4;
	_ =	strace $0x8000004A;
	s29 =	ssub.s32 $0x2, s3  }
0x7: {  	s31 =	sshrl.u32 s29, $0x1;
	s8 =	sor.u32 s5, s6;
	s5 =	sadd.s32 s5, s7  }
0x8: {  	s20 =	ssub.s32 s29, s31;
	s30 =	sshrl.u32 s8, $0x3;
	s5 =	sshrl.u32 s5, $0x3  }
0x9: {  	s9 =	sadd.s32 $0x28000, s8;
	s20 =	smax.u32 s20, $0x1;
	s3 =	sadd.s32 s11, s30  }
0xa: {  	s19 =	sadd.s32 s5, s4;
	s12 =	sshrl.u32 s9, $0x3;
	s4 =	sadd.s32 $0xA00, s3  }
0xb: {  	s5 =	sadd.s32 $0x1400, s3;
	s6 =	sadd.s32 $0x1E00, s3;
	s7 =	sadd.s32 $0x2800, s3  }
0xc: {  	s8 =	sadd.s32 $0x3200, s3;
	s9 =	sadd.s32 $0x3C00, s3;
	s10 =	sadd.s32 $0x4600, s3  }
0xd: {  	s11 =	sadd.s32 s11, s12;
	s12 =	sadd.s32 $0x5A00, s3;
	s13 =	sadd.s32 $0x6400, s3  }
0xe: {  	s14 =	sadd.s32 $0x6E00, s3;
	s15 =	sadd.s32 $0x7800, s3;
	s16 =	sadd.s32 $0x8200, s3  }
0xf: {  	s17 =	sadd.s32 $0x8C00, s3;
	s18 =	sadd.s32 $0x9600, s3;
	s19 =	sadd.s32 $0x14E000, s19  }
.LBB2_1:
0x10: {  	[tilespmem:s2], [sflag:$0x1] =	stream.linear.gather [hbm4b:s3+s2], $0x500, $0x38;
	[tilespmem:$0xA00] =	vst v63  }
0x11: {  	_ =	swait.ge [sflag:s21], $0x500  }
0x12: {  	[sflag:s21] =	ssyncset.done $0x0  }
0x13: {  	[sflag:s21] =	ssyncadd.s32 $0xFFFFFB00  }
0x14: {  	[tilespmem:s22], [sflag:$0x1] =	stream.linear.gather [hbm4b:s4+s2], $0x500, $0x38;
	[tilespmem:$0xA00] =	vst v63  }
0x15: {  	_ =	swait.ge [sflag:s21], $0x500  }
0x16: {  	[sflag:s21] =	ssyncset.done $0x0  }
0x17: {  	s24 =	simm.s32 $0x0;
	[sflag:s21] =	ssyncadd.s32 $0xFFFFFB00  }
0x18: {  	s25 =	simm.s32 $0x40;
	v0 =	vld [tilespmem:s24+$0x500]  }
.LBB2_2:
0x19: {  	p0 =	sne.s32 s25, $0x13C0;
	v1 =	vld [tilespmem:s24+$0x0];
	_ =	sdelay $0x2  }
.Ltmp0:
0x1a: {  	(pc) =	sbr.rel @p0 .LBB2_2-.Ltmp0, $4  }
0x1b: {  	_ = 	snop  }
0x1c: {  	v1 =	vadd.f32 v0, v1  }
0x1d: {  	s26 =	sshra.s32 s25, $0x2  }
0x1e: {  	s25 =	sadd.s32 $0x40, s25;
	v0 =	vld [tilespmem:s26+$0x500];
	[tilespmem:s24+$0x0] =	vst v1;
	s24 =	smov.u32 s26  }
0x1f: {  	v1 =	vld [tilespmem:s24+$0x0];
	_ =	sdelay $0x4  }
0x20: {  	v0 =	vadd.f32 v0, v1;
	_ =	sdelay $0x1  }
0x21: {  	s31 =	simm.s32 $0x0;
	[tilespmem:s24+$0x0] =	vst v0  }
0x22: {  	[tilespmem:s22], [sflag:$0x1] =	stream.linear.gather [hbm4b:s5+s31], $0x500, $0x38;
	[tilespmem:$0xA00] =	vst v63  }
0x23: {  	_ =	swait.ge [sflag:s21], $0x500  }
0x24: {  	[sflag:s21] =	ssyncset.done $0x0  }
0x25: {  	s24 =	simm.s32 $0x0;
	[sflag:s21] =	ssyncadd.s32 $0xFFFFFB00  }
0x26: {  	s25 =	simm.s32 $0x40;
	v0 =	vld [tilespmem:s24+$0x500]  }
.LBB2_4:
0x27: {  	p0 =	sne.s32 s25, $0x13C0;
	v1 =	vld [tilespmem:s24+$0x0];
	_ =	sdelay $0x2  }
.Ltmp1:
0x28: {  	(pc) =	sbr.rel @p0 .LBB2_4-.Ltmp1, $4  }
0x29: {  	_ = 	snop  }
0x2a: {  	v1 =	vadd.f32 v0, v1  }
0x2b: {  	s26 =	sshra.s32 s25, $0x2  }
0x2c: {  	s25 =	sadd.s32 $0x40, s25;
	v0 =	vld [tilespmem:s26+$0x500];
	[tilespmem:s24+$0x0] =	vst v1;
	s24 =	smov.u32 s26  }
0x2d: {  	v1 =	vld [tilespmem:s24+$0x0];
	_ =	sdelay $0x4  }
0x2e: {  	v0 =	vadd.f32 v0, v1;
	_ =	sdelay $0x1  }
0x2f: {  	s31 =	simm.s32 $0x0;
	[tilespmem:s24+$0x0] =	vst v0  }
0x30: {  	[tilespmem:s22], [sflag:$0x1] =	stream.linear.gather [hbm4b:s6+s31], $0x500, $0x38;
	[tilespmem:$0xA00] =	vst v63  }
0x31: {  	_ =	swait.ge [sflag:s21], $0x500  }
0x32: {  	[sflag:s21] =	ssyncset.done $0x0  }
0x33: {  	s24 =	simm.s32 $0x0;
	[sflag:s21] =	ssyncadd.s32 $0xFFFFFB00  }
0x34: {  	s25 =	simm.s32 $0x40;
	v0 =	vld [tilespmem:s24+$0x500]  }
.LBB2_6:
0x35: {  	p0 =	sne.s32 s25, $0x13C0;
	v1 =	vld [tilespmem:s24+$0x0];
	_ =	sdelay $0x2  }
.Ltmp2:
0x36: {  	(pc) =	sbr.rel @p0 .LBB2_6-.Ltmp2, $4  }
0x37: {  	_ = 	snop  }
0x38: {  	v1 =	vadd.f32 v0, v1  }
0x39: {  	s26 =	sshra.s32 s25, $0x2  }
0x3a: {  	s25 =	sadd.s32 $0x40, s25;
	v0 =	vld [tilespmem:s26+$0x500];
	[tilespmem:s24+$0x0] =	vst v1;
	s24 =	smov.u32 s26  }
0x3b: {  	v1 =	vld [tilespmem:s24+$0x0];
	_ =	sdelay $0x4  }
0x3c: {  	v0 =	vadd.f32 v0, v1;
	_ =	sdelay $0x1  }
0x3d: {  	s31 =	simm.s32 $0x0;
	[tilespmem:s24+$0x0] =	vst v0  }
0x3e: {  	[tilespmem:s22], [sflag:$0x1] =	stream.linear.gather [hbm4b:s7+s31], $0x500, $0x38;
	[tilespmem:$0xA00] =	vst v63  }
0x3f: {  	_ =	swait.ge [sflag:s21], $0x500  }
0x40: {  	[sflag:s21] =	ssyncset.done $0x0  }
0x41: {  	s24 =	simm.s32 $0x0;
	[sflag:s21] =	ssyncadd.s32 $0xFFFFFB00  }
0x42: {  	s25 =	simm.s32 $0x40;
	v0 =	vld [tilespmem:s24+$0x500]  }
.LBB2_8:
0x43: {  	p0 =	sne.s32 s25, $0x13C0;
	v1 =	vld [tilespmem:s24+$0x0];
	_ =	sdelay $0x2  }
.Ltmp3:
0x44: {  	(pc) =	sbr.rel @p0 .LBB2_8-.Ltmp3, $4  }
0x45: {  	_ = 	snop  }
0x46: {  	v1 =	vadd.f32 v0, v1  }
0x47: {  	s26 =	sshra.s32 s25, $0x2  }
0x48: {  	s25 =	sadd.s32 $0x40, s25;
	v0 =	vld [tilespmem:s26+$0x500];
	[tilespmem:s24+$0x0] =	vst v1;
	s24 =	smov.u32 s26  }
0x49: {  	v1 =	vld [tilespmem:s24+$0x0];
	_ =	sdelay $0x4  }
0x4a: {  	v0 =	vadd.f32 v0, v1;
	_ =	sdelay $0x1  }
0x4b: {  	s31 =	simm.s32 $0x0;
	[tilespmem:s24+$0x0] =	vst v0  }
0x4c: {  	[tilespmem:s22], [sflag:$0x1] =	stream.linear.gather [hbm4b:s8+s31], $0x500, $0x38;
	[tilespmem:$0xA00] =	vst v63  }
0x4d: {  	_ =	swait.ge [sflag:s21], $0x500  }
0x4e: {  	[sflag:s21] =	ssyncset.done $0x0  }
0x4f: {  	s24 =	simm.s32 $0x0;
	[sflag:s21] =	ssyncadd.s32 $0xFFFFFB00  }
0x50: {  	s25 =	simm.s32 $0x40;
	v0 =	vld [tilespmem:s24+$0x500]  }
.LBB2_10:
0x51: {  	p0 =	sne.s32 s25, $0x13C0;
	v1 =	vld [tilespmem:s24+$0x0];
	_ =	sdelay $0x2  }
.Ltmp4:
0x52: {  	(pc) =	sbr.rel @p0 .LBB2_10-.Ltmp4, $4  }
0x53: {  	_ = 	snop  }
0x54: {  	v1 =	vadd.f32 v0, v1  }
0x55: {  	s26 =	sshra.s32 s25, $0x2  }
0x56: {  	s25 =	sadd.s32 $0x40, s25;
	v0 =	vld [tilespmem:s26+$0x500];
	[tilespmem:s24+$0x0] =	vst v1;
	s24 =	smov.u32 s26  }
0x57: {  	v1 =	vld [tilespmem:s24+$0x0];
	_ =	sdelay $0x4  }
0x58: {  	v0 =	vadd.f32 v0, v1;
	_ =	sdelay $0x1  }
0x59: {  	s31 =	simm.s32 $0x0;
	[tilespmem:s24+$0x0] =	vst v0  }
0x5a: {  	[tilespmem:s22], [sflag:$0x1] =	stream.linear.gather [hbm4b:s9+s31], $0x500, $0x38;
	[tilespmem:$0xA00] =	vst v63  }
0x5b: {  	_ =	swait.ge [sflag:s21], $0x500  }
0x5c: {  	[sflag:s21] =	ssyncset.done $0x0  }
0x5d: {  	s24 =	simm.s32 $0x0;
	[sflag:s21] =	ssyncadd.s32 $0xFFFFFB00  }
0x5e: {  	s25 =	simm.s32 $0x40;
	v0 =	vld [tilespmem:s24+$0x500]  }
.LBB2_12:
0x5f: {  	p0 =	sne.s32 s25, $0x13C0;
	v1 =	vld [tilespmem:s24+$0x0];
	_ =	sdelay $0x2  }
.Ltmp5:
0x60: {  	(pc) =	sbr.rel @p0 .LBB2_12-.Ltmp5, $4  }
0x61: {  	_ = 	snop  }
0x62: {  	v1 =	vadd.f32 v0, v1  }
0x63: {  	s26 =	sshra.s32 s25, $0x2  }
0x64: {  	s25 =	sadd.s32 $0x40, s25;
	v0 =	vld [tilespmem:s26+$0x500];
	[tilespmem:s24+$0x0] =	vst v1;
	s24 =	smov.u32 s26  }
0x65: {  	v1 =	vld [tilespmem:s24+$0x0];
	_ =	sdelay $0x4  }
0x66: {  	v0 =	vadd.f32 v0, v1;
	_ =	sdelay $0x1  }
0x67: {  	s31 =	simm.s32 $0x0;
	[tilespmem:s24+$0x0] =	vst v0  }
0x68: {  	[tilespmem:s22], [sflag:$0x1] =	stream.linear.gather [hbm4b:s10+s31], $0x500, $0x38;
	[tilespmem:$0xA00] =	vst v63  }
0x69: {  	_ =	swait.ge [sflag:s21], $0x500  }
0x6a: {  	[sflag:s21] =	ssyncset.done $0x0  }
0x6b: {  	s24 =	simm.s32 $0x0;
	[sflag:s21] =	ssyncadd.s32 $0xFFFFFB00  }
0x6c: {  	s25 =	simm.s32 $0x40;
	v0 =	vld [tilespmem:s24+$0x500]  }
.LBB2_14:
0x6d: {  	p0 =	sne.s32 s25, $0x13C0;
	v1 =	vld [tilespmem:s24+$0x0];
	_ =	sdelay $0x2  }
.Ltmp6:
0x6e: {  	(pc) =	sbr.rel @p0 .LBB2_14-.Ltmp6, $4  }
0x6f: {  	_ = 	snop  }
0x70: {  	v1 =	vadd.f32 v0, v1  }
0x71: {  	s26 =	sshra.s32 s25, $0x2  }
0x72: {  	s25 =	sadd.s32 $0x40, s25;
	v0 =	vld [tilespmem:s26+$0x500];
	[tilespmem:s24+$0x0] =	vst v1;
	s24 =	smov.u32 s26  }
0x73: {  	v1 =	vld [tilespmem:s24+$0x0];
	_ =	sdelay $0x4  }
0x74: {  	v0 =	vadd.f32 v0, v1;
	_ =	sdelay $0x1  }
0x75: {  	s31 =	simm.s32 $0x0;
	[tilespmem:s24+$0x0] =	vst v0  }
0x76: {  	[tilespmem:s22], [sflag:$0x1] =	stream.linear.gather [hbm4b:s11+s31], $0x500, $0x38;
	[tilespmem:$0xA00] =	vst v63  }
0x77: {  	_ =	swait.ge [sflag:s21], $0x500  }
0x78: {  	[sflag:s21] =	ssyncset.done $0x0  }
0x79: {  	s24 =	simm.s32 $0x0;
	[sflag:s21] =	ssyncadd.s32 $0xFFFFFB00  }
0x7a: {  	s25 =	simm.s32 $0x40;
	v0 =	vld [tilespmem:s24+$0x500]  }
.LBB2_16:
0x7b: {  	p0 =	sne.s32 s25, $0x13C0;
	v1 =	vld [tilespmem:s24+$0x0];
	_ =	sdelay $0x2  }
.Ltmp7:
0x7c: {  	(pc) =	sbr.rel @p0 .LBB2_16-.Ltmp7, $4  }
0x7d: {  	_ = 	snop  }
0x7e: {  	v1 =	vadd.f32 v0, v1  }
0x7f: {  	s26 =	sshra.s32 s25, $0x2  }
0x80: {  	s25 =	sadd.s32 $0x40, s25;
	v0 =	vld [tilespmem:s26+$0x500];
	[tilespmem:s24+$0x0] =	vst v1;
	s24 =	smov.u32 s26  }
0x81: {  	v1 =	vld [tilespmem:s24+$0x0];
	_ =	sdelay $0x4  }
0x82: {  	v0 =	vadd.f32 v0, v1;
	_ =	sdelay $0x1  }
0x83: {  	s31 =	simm.s32 $0x0;
	[tilespmem:s24+$0x0] =	vst v0  }
0x84: {  	[tilespmem:s22], [sflag:$0x1] =	stream.linear.gather [hbm4b:s12+s31], $0x500, $0x38;
	[tilespmem:$0xA00] =	vst v63  }
0x85: {  	_ =	swait.ge [sflag:s21], $0x500  }
0x86: {  	[sflag:s21] =	ssyncset.done $0x0  }
0x87: {  	s24 =	simm.s32 $0x0;
	[sflag:s21] =	ssyncadd.s32 $0xFFFFFB00  }
0x88: {  	s25 =	simm.s32 $0x40;
	v0 =	vld [tilespmem:s24+$0x500]  }
.LBB2_18:
0x89: {  	p0 =	sne.s32 s25, $0x13C0;
	v1 =	vld [tilespmem:s24+$0x0];
	_ =	sdelay $0x2  }
.Ltmp8:
0x8a: {  	(pc) =	sbr.rel @p0 .LBB2_18-.Ltmp8, $4  }
0x8b: {  	_ = 	snop  }
0x8c: {  	v1 =	vadd.f32 v0, v1  }
0x8d: {  	s26 =	sshra.s32 s25, $0x2  }
0x8e: {  	s25 =	sadd.s32 $0x40, s25;
	v0 =	vld [tilespmem:s26+$0x500];
	[tilespmem:s24+$0x0] =	vst v1;
	s24 =	smov.u32 s26  }
0x8f: {  	v1 =	vld [tilespmem:s24+$0x0];
	_ =	sdelay $0x4  }
0x90: {  	v0 =	vadd.f32 v0, v1;
	_ =	sdelay $0x1  }
0x91: {  	s31 =	simm.s32 $0x0;
	[tilespmem:s24+$0x0] =	vst v0  }
0x92: {  	[tilespmem:s22], [sflag:$0x1] =	stream.linear.gather [hbm4b:s13+s31], $0x500, $0x38;
	[tilespmem:$0xA00] =	vst v63  }
0x93: {  	_ =	swait.ge [sflag:s21], $0x500  }
0x94: {  	[sflag:s21] =	ssyncset.done $0x0  }
0x95: {  	s24 =	simm.s32 $0x0;
	[sflag:s21] =	ssyncadd.s32 $0xFFFFFB00  }
0x96: {  	s25 =	simm.s32 $0x40;
	v0 =	vld [tilespmem:s24+$0x500]  }
.LBB2_20:
0x97: {  	p0 =	sne.s32 s25, $0x13C0;
	v1 =	vld [tilespmem:s24+$0x0];
	_ =	sdelay $0x2  }
.Ltmp9:
0x98: {  	(pc) =	sbr.rel @p0 .LBB2_20-.Ltmp9, $4  }
0x99: {  	_ = 	snop  }
0x9a: {  	v1 =	vadd.f32 v0, v1  }
0x9b: {  	s26 =	sshra.s32 s25, $0x2  }
0x9c: {  	s25 =	sadd.s32 $0x40, s25;
	v0 =	vld [tilespmem:s26+$0x500];
	[tilespmem:s24+$0x0] =	vst v1;
	s24 =	smov.u32 s26  }
0x9d: {  	v1 =	vld [tilespmem:s24+$0x0];
	_ =	sdelay $0x4  }
0x9e: {  	v0 =	vadd.f32 v0, v1;
	_ =	sdelay $0x1  }
0x9f: {  	s31 =	simm.s32 $0x0;
	[tilespmem:s24+$0x0] =	vst v0  }
0xa0: {  	[tilespmem:s22], [sflag:$0x1] =	stream.linear.gather [hbm4b:s14+s31], $0x500, $0x38;
	[tilespmem:$0xA00] =	vst v63  }
0xa1: {  	_ =	swait.ge [sflag:s21], $0x500  }
0xa2: {  	[sflag:s21] =	ssyncset.done $0x0  }
0xa3: {  	s24 =	simm.s32 $0x0;
	[sflag:s21] =	ssyncadd.s32 $0xFFFFFB00  }
0xa4: {  	s25 =	simm.s32 $0x40;
	v0 =	vld [tilespmem:s24+$0x500]  }
.LBB2_22:
0xa5: {  	p0 =	sne.s32 s25, $0x13C0;
	v1 =	vld [tilespmem:s24+$0x0];
	_ =	sdelay $0x2  }
.Ltmp10:
0xa6: {  	(pc) =	sbr.rel @p0 .LBB2_22-.Ltmp10, $4  }
0xa7: {  	_ = 	snop  }
0xa8: {  	v1 =	vadd.f32 v0, v1  }
0xa9: {  	s26 =	sshra.s32 s25, $0x2  }
0xaa: {  	s25 =	sadd.s32 $0x40, s25;
	v0 =	vld [tilespmem:s26+$0x500];
	[tilespmem:s24+$0x0] =	vst v1;
	s24 =	smov.u32 s26  }
0xab: {  	v1 =	vld [tilespmem:s24+$0x0];
	_ =	sdelay $0x4  }
0xac: {  	v0 =	vadd.f32 v0, v1;
	_ =	sdelay $0x1  }
0xad: {  	s31 =	simm.s32 $0x0;
	[tilespmem:s24+$0x0] =	vst v0  }
0xae: {  	[tilespmem:s22], [sflag:$0x1] =	stream.linear.gather [hbm4b:s15+s31], $0x500, $0x38;
	[tilespmem:$0xA00] =	vst v63  }
0xaf: {  	_ =	swait.ge [sflag:s21], $0x500  }
0xb0: {  	[sflag:s21] =	ssyncset.done $0x0  }
0xb1: {  	s24 =	simm.s32 $0x0;
	[sflag:s21] =	ssyncadd.s32 $0xFFFFFB00  }
0xb2: {  	s25 =	simm.s32 $0x40;
	v0 =	vld [tilespmem:s24+$0x500]  }
.LBB2_24:
0xb3: {  	p0 =	sne.s32 s25, $0x13C0;
	v1 =	vld [tilespmem:s24+$0x0];
	_ =	sdelay $0x2  }
.Ltmp11:
0xb4: {  	(pc) =	sbr.rel @p0 .LBB2_24-.Ltmp11, $4  }
0xb5: {  	_ = 	snop  }
0xb6: {  	v1 =	vadd.f32 v0, v1  }
0xb7: {  	s26 =	sshra.s32 s25, $0x2  }
0xb8: {  	s25 =	sadd.s32 $0x40, s25;
	v0 =	vld [tilespmem:s26+$0x500];
	[tilespmem:s24+$0x0] =	vst v1;
	s24 =	smov.u32 s26  }
0xb9: {  	v1 =	vld [tilespmem:s24+$0x0];
	_ =	sdelay $0x4  }
0xba: {  	v0 =	vadd.f32 v0, v1;
	_ =	sdelay $0x1  }
0xbb: {  	s31 =	simm.s32 $0x0;
	[tilespmem:s24+$0x0] =	vst v0  }
0xbc: {  	[tilespmem:s22], [sflag:$0x1] =	stream.linear.gather [hbm4b:s16+s31], $0x500, $0x38;
	[tilespmem:$0xA00] =	vst v63  }
0xbd: {  	_ =	swait.ge [sflag:s21], $0x500  }
0xbe: {  	[sflag:s21] =	ssyncset.done $0x0  }
0xbf: {  	s24 =	simm.s32 $0x0;
	[sflag:s21] =	ssyncadd.s32 $0xFFFFFB00  }
0xc0: {  	s25 =	simm.s32 $0x40;
	v0 =	vld [tilespmem:s24+$0x500]  }
.LBB2_26:
0xc1: {  	p0 =	sne.s32 s25, $0x13C0;
	v1 =	vld [tilespmem:s24+$0x0];
	_ =	sdelay $0x2  }
.Ltmp12:
0xc2: {  	(pc) =	sbr.rel @p0 .LBB2_26-.Ltmp12, $4  }
0xc3: {  	_ = 	snop  }
0xc4: {  	v1 =	vadd.f32 v0, v1  }
0xc5: {  	s26 =	sshra.s32 s25, $0x2  }
0xc6: {  	s25 =	sadd.s32 $0x40, s25;
	v0 =	vld [tilespmem:s26+$0x500];
	[tilespmem:s24+$0x0] =	vst v1;
	s24 =	smov.u32 s26  }
0xc7: {  	v1 =	vld [tilespmem:s24+$0x0];
	_ =	sdelay $0x4  }
0xc8: {  	v0 =	vadd.f32 v0, v1;
	_ =	sdelay $0x1  }
0xc9: {  	s31 =	simm.s32 $0x0;
	[tilespmem:s24+$0x0] =	vst v0  }
0xca: {  	[tilespmem:s22], [sflag:$0x1] =	stream.linear.gather [hbm4b:s17+s31], $0x500, $0x38;
	[tilespmem:$0xA00] =	vst v63  }
0xcb: {  	_ =	swait.ge [sflag:s21], $0x500  }
0xcc: {  	[sflag:s21] =	ssyncset.done $0x0  }
0xcd: {  	s24 =	simm.s32 $0x0;
	[sflag:s21] =	ssyncadd.s32 $0xFFFFFB00  }
0xce: {  	s25 =	simm.s32 $0x40;
	v0 =	vld [tilespmem:s24+$0x500]  }
.LBB2_28:
0xcf: {  	p0 =	sne.s32 s25, $0x13C0;
	v1 =	vld [tilespmem:s24+$0x0];
	_ =	sdelay $0x2  }
.Ltmp13:
0xd0: {  	(pc) =	sbr.rel @p0 .LBB2_28-.Ltmp13, $4  }
0xd1: {  	_ = 	snop  }
0xd2: {  	v1 =	vadd.f32 v0, v1  }
0xd3: {  	s26 =	sshra.s32 s25, $0x2  }
0xd4: {  	s25 =	sadd.s32 $0x40, s25;
	v0 =	vld [tilespmem:s26+$0x500];
	[tilespmem:s24+$0x0] =	vst v1;
	s24 =	smov.u32 s26  }
0xd5: {  	v1 =	vld [tilespmem:s24+$0x0];
	_ =	sdelay $0x4  }
0xd6: {  	v0 =	vadd.f32 v0, v1;
	_ =	sdelay $0x1  }
0xd7: {  	s31 =	simm.s32 $0x0;
	[tilespmem:s24+$0x0] =	vst v0  }
0xd8: {  	[tilespmem:s22], [sflag:$0x1] =	stream.linear.gather [hbm4b:s18+s31], $0x500, $0x38;
	[tilespmem:$0xA00] =	vst v63  }
0xd9: {  	_ =	swait.ge [sflag:s21], $0x500  }
0xda: {  	[sflag:s21] =	ssyncset.done $0x0  }
0xdb: {  	s24 =	simm.s32 $0x0;
	[sflag:s21] =	ssyncadd.s32 $0xFFFFFB00  }
0xdc: {  	s25 =	simm.s32 $0x40;
	v0 =	vld [tilespmem:s24+$0x500]  }
.LBB2_30:
0xdd: {  	p0 =	sne.s32 s25, $0x13C0;
	v1 =	vld [tilespmem:s24+$0x0];
	_ =	sdelay $0x2  }
.Ltmp14:
0xde: {  	(pc) =	sbr.rel @p0 .LBB2_30-.Ltmp14, $4  }
0xdf: {  	_ = 	snop  }
0xe0: {  	v1 =	vadd.f32 v0, v1  }
0xe1: {  	s26 =	sshra.s32 s25, $0x2  }
0xe2: {  	s25 =	sadd.s32 $0x40, s25;
	v0 =	vld [tilespmem:s26+$0x500];
	[tilespmem:s24+$0x0] =	vst v1;
	s24 =	smov.u32 s26  }
0xe3: {  	v1 =	vld [tilespmem:s24+$0x0];
	_ =	sdelay $0x4  }
0xe4: {  	s23 =	sadd.s32 $0x1, s23;
	v0 =	vadd.f32 v0, v1  }
0xe5: {  	p0 =	sne.s32 s23, s20  }
.Ltmp15:
0xe6: {  	[tilespmem:s24+$0x0] =	vst v0;
	(pc) =	sbr.rel @p0 .LBB2_1-.Ltmp15, $4  }
0xe7: {  	[hbm4b:s19+s2] =	stream.linear.scatter [tilespmem:s2], [sflag:$0x1], $0x500, $0x38;
	[tilespmem:$0xA00] =	vst v63  }
0xe8: {  	_ =	swait.ge [sflag:s21], $0x500  }
0xe9: {  	[sflag:s21] =	ssyncset.done $0x0  }
0xea: {  	[sflag:s21] =	ssyncadd.s32 $0xFFFFFB00  }
0xeb: {  	_ =	sfence.sel $0x180000  }
0xec: {  	[bflag:$0x0] =	sbarrier.arrive $0xFFFF  }
0xed: {  	p0 =	sne.s32 s0, $0x0;
	_ =	strace $0x9000004A  }
0xee: {  	s0 =	sadd.s32 @!p0 $0x100000, s1;
	[bflag:$0x2] =	sbarrier.arrive $0xFFFF  }
0xef: {  	[sflag:s0] =	ssyncadd.tile.s32 @!p0 $0x1;
	_ =	shalt  }
.Lfunc_end2:
_tile_overlayer_lowered:
.L_overlay_start_2:
0xf0: {  	(tag) =	ssettag $0x2  }
0xf1: {  	s0 =	rddreg [dreg:$0x0];
	s2 =	stileid.u32  }
0xf2: {  	s1 =	rddreg [dreg:$0x1];
	p0 =	sne.s32 s2, $0x0  }
0xf3: {  	s3 =	rddreg [dreg:$0x2];
	[bflag:$0x3] =	sbarrier.arrive $0xFFFF;
	s2 =	simm.s32 @!p0 $0x1C01  }
0xf4: {  	[timem:s3], [sflag:s2] =	dma.local @!p0 [hbm:s0], s1  }
0xf5: {  	s0 =	simm.s32 @!p0 $0x1  }
0xf6: {  	_ =	swait.ge @!p0 [sflag:s0], s1  }
0xf7: {  	s1 =	ssub.s32 @!p0 $0x0, s1;
	[sflag:s0] =	ssyncset.done @!p0 $0x0  }
0xf8: {  	[sflag:s0] =	ssyncadd.s32 @!p0 s1  }
0xf9: {  	[bflag:$0x3] =	sbarrier.arrive $0xFFFF  }
0xfa: {  	_ =	shalt  }

// kernel: _run.13.cloned.1.call-start
scs
__scs_entry_jumppad:
0x0: {  	(pc) =	sbr.rel $0x88, $3  }
0x1: {  	(tag) =	ssettag $0x0;
	lr =	simm.s32 $0x1  }
0x2: {  	[smem:$0x3F99] =	sst lr;
	_ =	strace $0xD0000000  }
0x3: {  	_ = 	snop  }
0x4: {  	_ = 	snop  }
0x5: {  	_ = 	snop  }
0x6: {  	_ = 	snop  }
0x7: {  	_ = 	snop  }
__scs_overlays_trampoline_lowered:
0x8: {  	[smem:$0x3FA8] =	sst s0  }
0x9: {  	[smem:$0x3FA9] =	sst s1  }
0xa: {  	[smem:$0x3FAA] =	sst s2  }
0xb: {  	[smem:$0x3FAB] =	sst s3  }
0xc: {  	[smem:$0x3FAC] =	sst s4  }
0xd: {  	[smem:$0x3FAD] =	sst s5  }
0xe: {  	[smem:$0x3FAE] =	sst s6  }
0xf: {  	[smem:$0x3FAF] =	sst s7  }
0x10: {  	[smem:$0x3FB0] =	sst s8  }
0x11: {  	[smem:$0x3FB1] =	sst s9;
	s0 =	simm.s32 @!p0 $0x0  }
0x12: {  	s1 =	sld [smem:$0x3F97];
	s0 =	simm.s32 @p0 $0x1  }
0x13: {  	[smem:$0x3FB2] =	sst s0;
	s0 =	simm.s32 @!p1 $0x0  }
0x14: {  	s2 =	sld [smem:$0x3F96];
	s0 =	simm.s32 @p1 $0x1  }
0x15: {  	[smem:$0x3FB3] =	sst s0;
	s0 =	simm.s32 @!p2 $0x0  }
0x16: {  	s3 =	sld [smem:$0x3FDB];
	s0 =	simm.s32 @p2 $0x1  }
0x17: {  	s4 =	simm.s32 $0x1BF5;
	[smem:$0x3FB5] =	sst s0  }
0x18: {  	s0 =	sld [smem:$0x3F98];
	_ =	swait.ge [sflag:s4], $0x0  }
0x19: {  	s7 =	sld [smem:$0x3F99]  }
0x1a: {  	s8 =	sadd.s32 $0xFFFFE003, lr  }
0x1b: {  	s9 =	sadd.s32 $0xFFFFFEF7, lr;
	s5 =	simm.s32 $0xFFFFFFFF;
	p2 =	slt.u32 s8, $0xFFFFF086  }
0x1c: {  	p1 =	slt.u32 s9, $0xF7A;
	s5 =	simm.s32 @!p2 $0x0  }
0x1d: {  	s5 =	simm.s32 @p1 $0x1;
	p0 =	seq.s32 s7, s2  }
0x1e: {  	s7 =	smul.u32 @!p0 $0xF7A, s2;
	p2 =	seq.s32 @!p0 s5, $0x0  }
0x1f: {  	s9 =	smul.u32 $0xF7A, s1;
	s8 =	simm.s32 @!p0 $0x1BF5;
	p2 =	por !p2, p0  }
0x20: {  	[sflag:s8] =	ssyncset.s32 @!p0 $0xFFFFF086;
	s6 =	sadd.s32 @!p0 s3, s7;
	s7 =	simm.s32 @!p0 $0x108  }
0x21: {  	s3 =	sadd.s32 s3, s9;
	s6 =	sadd.s32 @!p0 $0x88, s6;
	s7 =	simm.s32 @p2 $0x1082  }
0x22: {  	[simem:s7], [sflag:s8] =	dma.local @!p0 [hbm:s6], $0xF7A  }
0x23: {  	s9 =	sor.u32 $0xD0000000, s2;
	s6 =	simm.s32 $0x108;
	_ =	swait.ge @!p0 [sflag:s8], $0x0  }
0x24: {  	s3 =	sadd.s32 $0x88, s3;
	s6 =	simm.s32 @!p1 $0x1082;
	[sflag:s4] =	ssyncset.s32 $0xFFFFF086  }
0x25: {  	[simem:s6], [sflag:s4] =	dma.local [hbm:s3], $0xF7A  }
0x26: {  	[smem:$0x3F99] =	sst s1;
	(tag) =	ssettag s2;
	_ =	strace s9  }
0x27: {  	s1 =	sld [smem:$0x3FA9]  }
0x28: {  	s2 =	sld [smem:$0x3FAA]  }
0x29: {  	s4 =	sld [smem:$0x3FAC]  }
0x2a: {  	p0 =	seq.s32 s5, $0x0;
	s5 =	sld [smem:$0x3FAD]  }
0x2b: {  	s6 =	sld [smem:$0x3FAE]  }
0x2c: {  	s7 =	sld [smem:$0x3FAF]  }
0x2d: {  	s3 =	simm.s32 $0x108;
	s8 =	sld [smem:$0x3FB0]  }
0x2e: {  	s3 =	simm.s32 @!p0 $0x1082;
	s9 =	sld [smem:$0x3FB1]  }
0x2f: {  	lr =	sadd.s32 s0, s3;
	s0 =	sld [smem:$0x3FA8]  }
0x30: {  	s3 =	sld [smem:$0x3FAB]  }
0x31: {  	[smem:$0x3FB4] =	sst s10  }
0x32: {  	s10 =	sld [smem:$0x3FB2];
	_ =	sdelay $0x3  }
0x33: {  	p0 =	seq.s32 s10, $0x1;
	s10 =	sld [smem:$0x3FB4];
	_ =	sdelay $0x3  }
0x34: {  	[smem:$0x3FB4] =	sst s10  }
0x35: {  	s10 =	sld [smem:$0x3FB3];
	_ =	sdelay $0x3  }
0x36: {  	p1 =	seq.s32 s10, $0x1;
	s10 =	sld [smem:$0x3FB4];
	_ =	sdelay $0x3  }
0x37: {  	[smem:$0x3FB4] =	sst s10  }
0x38: {  	s10 =	sld [smem:$0x3FB5]  }
0x39: {  	_ = 	snop;
	(pc) =	sbr.ind lr, $3  }
0x3a: {  	_ = 	snop  }
0x3b: {  	_ = 	snop  }
0x3c: {  	p2 =	seq.s32 s10, $0x1;
	s10 =	sld [smem:$0x3FB4]  }
0x3d: {  	_ =	shalt  }
0x3e: {  	_ =	shalt  }
0x3f: {  	_ =	shalt  }
0x40: {  	_ =	shalt  }
0x41: {  	_ =	shalt  }
0x42: {  	_ =	shalt  }
0x43: {  	_ =	shalt  }
0x44: {  	_ =	shalt  }
0x45: {  	_ =	shalt  }
0x46: {  	_ =	shalt  }
0x47: {  	_ =	shalt  }
0x48: {  	_ =	shalt  }
0x49: {  	_ =	shalt  }
0x4a: {  	_ =	shalt  }
0x4b: {  	_ =	shalt  }
0x4c: {  	_ =	shalt  }
0x4d: {  	_ =	shalt  }
0x4e: {  	_ =	shalt  }
0x4f: {  	_ =	shalt  }
0x50: {  	_ =	shalt  }
0x51: {  	_ =	shalt  }
0x52: {  	_ =	shalt  }
0x53: {  	_ =	shalt  }
0x54: {  	_ =	shalt  }
0x55: {  	_ =	shalt  }
0x56: {  	_ =	shalt  }
0x57: {  	_ =	shalt  }
0x58: {  	_ =	shalt  }
0x59: {  	_ =	shalt  }
0x5a: {  	_ =	shalt  }
0x5b: {  	_ =	shalt  }
0x5c: {  	_ =	shalt  }
0x5d: {  	_ =	shalt  }
0x5e: {  	_ =	shalt  }
0x5f: {  	_ =	shalt  }
0x60: {  	_ =	shalt  }
0x61: {  	_ =	shalt  }
0x62: {  	_ =	shalt  }
0x63: {  	_ =	shalt  }
0x64: {  	_ =	shalt  }
0x65: {  	_ =	shalt  }
0x66: {  	_ =	shalt  }
0x67: {  	_ =	shalt  }
0x68: {  	_ =	shalt  }
0x69: {  	_ =	shalt  }
0x6a: {  	_ =	shalt  }
0x6b: {  	_ =	shalt  }
0x6c: {  	_ =	shalt  }
0x6d: {  	_ =	shalt  }
0x6e: {  	_ =	shalt  }
0x6f: {  	_ =	shalt  }
0x70: {  	_ =	shalt  }
0x71: {  	_ =	shalt  }
0x72: {  	_ =	shalt  }
0x73: {  	_ =	shalt  }
0x74: {  	_ =	shalt  }
0x75: {  	_ =	shalt  }
0x76: {  	_ =	shalt  }
0x77: {  	_ =	shalt  }
0x78: {  	_ =	shalt  }
0x79: {  	_ =	shalt  }
0x7a: {  	_ =	shalt  }
0x7b: {  	_ =	shalt  }
0x7c: {  	_ =	shalt  }
0x7d: {  	_ =	shalt  }
0x7e: {  	_ =	shalt  }
0x7f: {  	_ =	shalt  }
0x80: {  	_ =	shalt  }
0x81: {  	_ =	shalt  }
0x82: {  	_ =	shalt  }
0x83: {  	_ =	shalt  }
0x84: {  	_ =	shalt  }
0x85: {  	_ =	shalt  }
0x86: {  	_ =	shalt  }
0x87: {  	_ =	shalt  }
.Lfunc_end0:
.L_simem_size_0:
called_computation.2_lowered:
.L_overlay_start_0:
0x88: {  	s2 =	sld [smem:$0x3FD9]  }
0x89: {  	s3 =	sld [smem:$0x3FFE];
	_ =	sdelay $0x1  }
0x8a: {  	s1 =	srdreg.scid  }
0x8b: {  	s0 =	sand.u32 $0x1, s1  }
0x8c: {  	s17 =	sshll.u32 s0, $0xA;
	s2 =	sadd.s32 s3, s2  }
0x8d: {  	s2 =	sadd.s32 s2, s17  }
0x8e: {  	[smem:$0x3FC0] =	sst s2  }
0x8f: {  	_ = 	snop  }
0x90: {  	s2 =	sld [smem:$0x3FD0];
	(tm) =	ssettm $0x1  }
0x91: {  	s18 =	sld [smem:$0x3FFB];
	_ =	sdelay $0x3  }
0x92: {  	_ =	strace s18  }
0x93: {  	s3 =	sld [smem:$0x3FFC];
	_ =	sdelay $0x3  }
0x94: {  	_ =	strace s3  }
0x95: {  	s3 =	sld [smem:$0x3FFD];
	_ =	sdelay $0x3  }
0x96: {  	_ =	strace s3  }
0x97: {  	_ =	strace $0x8FFFFFFF  }
0x98: {  	s19 =	sld [smem:$0x3FDB];
	_ =	sdelay $0x1  }
0x99: {  	s4 =	simm.s32 $_scs_section_size  }
0x9a: {  	s5 =	simm.s32 $_size__tile_overlayer_lowered;
	s6 =	simm.s32 $_tile_overlayer_lowered  }
0x9b: {  	s22 =	simm.s32 $0x1BFF;
	s21 =	sshll.u32 s6, $0x1;
	s3 =	sadd.s32 s4, s19  }
0x9c: {  	s7 =	simm.s32 $0x0;
	s20 =	sshll.u32 s5, $0x1;
	s5 =	sadd.s32 s21, s3  }
0x9d: {  	[timem:s7], [sflag:s22] =	dma.local [hbm:s5], s20  }
0x9e: {  	_ =	swait.ge [sflag:s22], s20  }
0x9f: {  	s4 =	ssub.s32 $0x0, s20;
	[sflag:s22] =	ssyncset.done $0x0  }
0xa0: {  	[sflag:s22] =	ssyncadd.s32 s4;
	_ =	sdelay $0x1  }
0xa1: {  	s23 =	simm.s32 $0x1B8B  }
0xa2: {  	_ =	swait.ge [sflag:s23], $0x1  }
0xa3: {  	[sflag:s23] =	ssyncset.done $0x0  }
0xa4: {  	s25 =	simm.s32 $0x1B8E;
	s24 =	sld [smem:$0x3FFE];
	[sflag:s23] =	ssyncadd.s32 $0xFFFFFFFF  }
0xa5: {  	s26 =	simm.s32 $execute0_lowered;
	[smem:$0x3FD2] =	sst s25  }
0xa6: {  	s5 =	sshll.u32 s26, $0x1;
	_ =	strace $0x8000004C;
	[dreg:$0x1] =	wrdreg $0xFFFFFFFF  }
0xa7: {  	s28 =	simm.s32 $_size_execute0_lowered;
	s3 =	sadd.s32 s3, s5;
	[dreg:$0x0] =	wrdreg $0x0  }
0xa8: {  	s5 =	sshll.u32 s28, $0x1;
	[dreg:$0x2] =	wrdreg s3  }
0xa9: {  	[dreg:$0x3] =	wrdreg s5  }
0xaa: {  	[dreg:$0x4] =	wrdreg $0xC0  }
0xab: {  	_ =	task [dreg:s7], $0x5FFFF  }
0xac: {  	[dreg:$0x1] =	wrdreg $0xFFFFFFFF  }
0xad: {  	[dreg:$0x0] =	wrdreg $0x60  }
0xae: {  	[dreg:$0x2] =	wrdreg s24  }
0xaf: {  	[dreg:$0x3] =	wrdreg s2  }
0xb0: {  	[dreg:$0x4] =	wrdreg $0x63B00  }
0xb1: {  	[dreg:$0x5] =	wrdreg $0x9  }
0xb2: {  	_ =	task.clear_ibuf [dreg:s7], $0x6FFFF;
	_ =	strace $0x9000004C  }
0xb3: {  	s29 =	simm.s32 $0x9;
	_ =	strace $0x8000004E  }
0xb4: {  	_ =	swait.ge [sflag:s29], $0x1  }
0xb5: {  	[sflag:s29] =	ssyncadd.s32 $0xFFFFFFFF  }
0xb6: {  	_ =	strace $0x9000004E  }
0xb7: {  	_ =	sfence  }
0xb8: {  	s30 =	sld [smem:$0x0];
	_ =	sdelay $0x2  }
0xb9: {  	s31 =	sshll.u32 s1, $0xD;
	s1 =	sshrl.u32 s1, $0x2  }
0xba: {  	s3 =	sand.u32 $0x4000, s31;
	s1 =	sadd.s32 s1, s30  }
0xbb: {  	s0 =	sor.u32 s3, s0;
	s1 =	sshll.u32 s1, $0x11  }
0xbc: {  	s0 =	sor.u32 s1, s0  }
0xbd: {  	s0 =	sadd.s32 $0x8F2B, s0  }
0xbe: {  	[sflag:s0] =	ssyncadd.remote.s32 $0x1  }
0xbf: {  	_ =	sfence.sel $0xFFFF  }
0xc0: {  	[dreg:$0x0] =	wrdreg $0xFFFFFFFF;
	(pc) =	sbr.abs _section_cstart, $3  }
0xc1: {  	[dreg:$0x1] =	wrdreg $0xFFFFFFFF  }
0xc2: {  	_ =	task.clear_ibuf [dreg:s7], $0x2FFFF;
	_ =	strace $0x9FFFFFFF  }
0xc3: {  	(tm) =	ssettm $0x7FFFFFFF  }
tec
execute0_lowered:
.L_overlay_start_1:
0x0: {  	(tag) =	ssettag $0x1  }
0x1: {  	s0 =	rddreg [dreg:$0x0]  }
0x2: {  	s1 =	rddreg [dreg:$0x1]  }
0x3: {  	s2 =	rddreg [dreg:$0x2]  }
0x4: {  	s4 =	srdreg.scid;
	s3 =	simm.s32 $0x0;
	s15 =	stileid.u32  }
0x5: {  	s16 =	simm.s32 $0x2;
	s19 =	simm.s32 $0x4E20;
	s20 =	simm.s32 $0x4F10  }
0x6: {  	s21 =	simm.s32 $0x50;
	s22 =	simm.s32 $0x4EC0;
	s23 =	simm.s32 $0x4FB0  }
0x7: {  	s24 =	simm.s32 $0x1;
	s25 =	simm.s32 $0x4E70;
	s26 =	simm.s32 $0x0  }
0x8: {  	s30 =	simm.s32 $0x0;
	s5 =	sand.u32 $0x1, s4;
	[smem:$0x7FF] =	sst s3  }
0x9: {  	s4 =	sadd.s32 $0x1FF800, s0;
	s6 =	sadd.s32 $0xB600, s0;
	s14 =	smul.u32 $0x28000, s15  }
0xa: {  	s7 =	sadd.s32 $0x1800, s0;
	s9 =	sadd.s32 $0x150800, s0;
	s13 =	smul.u32 $0x280, s15  }
0xb: {  	s31 =	sshll.u32 s15, $0x6;
	s8 =	smul.u32 $0xA00, s5;
	_ =	strace $0x8000004D  }
0xc: {  	s10 =	ssub.s32 $0x2, s5;
	s12 =	sshll.u32 s5, $0x2;
	s17 =	sor.u32 $0x1C02, s31  }
0xd: {  	s29 =	sshrl.u32 s10, $0x1;
	s14 =	sshrl.u32 s14, $0x2;
	s11 =	sadd.s32 s8, s0  }
0xe: {  	s8 =	sadd.s32 $0x14F400, s0;
	s0 =	ssub.s32 s10, s29;
	s10 =	smul.u32 $0x4E20, s15  }
0xf: {  	s18 =	sadd.s32 s14, s2;
	s14 =	smul.u32 $0x4E200, s5;
	s11 =	sadd.s32 $0x14E000, s11  }
0x10: {  	v0 =	vlaneseq.u32;
	s15 =	smax.u32 s0, $0x1;
	s18 =	sshrl.u32 s18, $0x3;
	[dreg:$0x4] =	wrdreg s11  }
.LBB2_1:
0x11: {  	s0 =	rddreg [dreg:$0x4]  }
0x12: {  	[tilespmem:s3], [sflag:$0x2] =	stream.linear.gather [hbm4b:s0+s3], $0x4E20, $0x38;
	[tilespmem:$0x103B0] =	vst v63  }
0x13: {  	_ =	swait.ge [sflag:s16], $0x4E20  }
0x14: {  	[sflag:s16] =	ssyncset.done $0x0  }
0x15: {  	s28 =	simm.s32 $0x0;
	[sflag:s16] =	ssyncadd.s32 $0xFFFFB1E0  }
.LBB2_2:
0x16: {  	[spmem:s18], [sflag:s17] =	dma.local [hbm:s8], $0x1400  }
0x17: {  	s29 =	sadd.s32 s12, s28;
	_ =	swait.ge [sflag:s16], $0x1400  }
0x18: {  	s0 =	smul.u32 $0x2710, s29;
	[sflag:s16] =	ssyncset.done $0x0  }
0x19: {  	s5 =	sshrl.u32 s28, $0x1;
	[sflag:s16] =	ssyncadd.s32 $0xFFFFEC00  }
0x1a: {  	s31 =	simm.s32 $0x0;
	v2 =	vmov s5;
	v1 =	vmov s0;
	[bflag:$0x0] =	sbarrier.arrive $0xFFFF  }
.LBB2_3:
0x1b: {  	s0 =	smul.u32 $0x50, s31;
	_ =	sdelay $0x1  }
0x1c: {  	s5 =	sadd.s32 s10, s0  }
0x1d: {  	s0 =	sshrl.u32 s5, $0x3  }
0x1e: {  	s11 =	sadd.s32 s6, s0  }
0x1f: {  	[tilespmem:s19], [sflag:$0x2] =	stream.linear.gather [hbm4b:s11+s30], $0x50, $0x38;
	[tilespmem:$0x103B0] =	vst v63  }
0x20: {  	_ =	swait.ge [sflag:s16], $0x50  }
0x21: {  	[sflag:s16] =	ssyncset.done $0x0  }
0x22: {  	s11 =	sadd.s32 s7, s0;
	s0 =	simm.s32 $0x4E70;
	[sflag:s16] =	ssyncadd.s32 $0xFFFFFFB0  }
0x23: {  	[tilespmem:s0], [sflag:$0x2] =	stream.linear.gather [hbm4b:s11+s30], $0x50, $0x38;
	[tilespmem:$0x103B0] =	vst v63  }
0x24: {  	s5 =	sadd.s32 s14, s5;
	_ =	swait.ge [sflag:s16], $0x50  }
0x25: {  	s5 =	sshrl.u32 s5, $0x2;
	[sflag:s16] =	ssyncset.done $0x0  }
0x26: {  	s5 =	sadd.s32 s1, s5;
	[sflag:s16] =	ssyncadd.s32 $0xFFFFFFB0  }
0x27: {  	[tilespmem:s20], [sflag:$0x2] =	stream.linear.gather [hbm4b:s5+s30], $0xA0, $0x38;
	[tilespmem:$0x103B0] =	vst v63  }
0x28: {  	_ =	swait.ge [sflag:s16], $0xA0  }
0x29: {  	[sflag:s16] =	ssyncset.done $0x0  }
0x2a: {  	[sflag:s16] =	ssyncadd.s32 $0xFFFFFF60  }
0x2b: {  	v3 =	vld [tilespmem:$0x4E20]  }
0x2c: {  	v4 =	vld [tilespmem:$0x4E30]  }
0x2d: {  	v5 =	vld [tilespmem:$0x4E40]  }
0x2e: {  	v6 =	vld [tilespmem:$0x4E50]  }
0x2f: {  	v7 =	vld [tilespmem:$0x4E60]  }
0x30: {  	v3 =	vadd.s32 v1, v3  }
0x31: {  	[tilespmem:$0x4EC0] =	vst v3;
	v3 =	vadd.s32 v1, v4  }
0x32: {  	[tilespmem:$0x4ED0] =	vst v3;
	v3 =	vadd.s32 v1, v5  }
0x33: {  	[tilespmem:$0x4EE0] =	vst v3;
	v3 =	vadd.s32 v1, v6  }
0x34: {  	[tilespmem:$0x4EF0] =	vst v3;
	v3 =	vadd.s32 v1, v7  }
0x35: {  	[tilespmem:$0x4F00] =	vst v3  }
0x36: {  	[tilespmem:s23], [sflag:$0x1] =	stream.indirect.gather [hbm4b:s4+s21], $0x40, s22, s21, $0xb8;
	[tilespmem:$0x103B0] =	vst v63  }
0x37: {  	_ =	swait.ge [sflag:s24], $0x1400  }
0x38: {  	[sflag:s24] =	ssyncset.done $0x0  }
0x39: {  	s5 =	simm.s32 $0x0;
	[sflag:s24] =	ssyncadd.s32 $0xFFFFEC00  }
.LBB2_4:
0x3a: {  	v3 =	vld [tilespmem:s0+$0x0];
	_ =	sdelay $0x4  }
0x3b: {  	v3 =	vshll.u32 v3, $0x1  }
0x3c: {  	v3 =	vadd.s32 v2, v3;
	_ =	sdelay $0x4  }
0x3d: {  	v3 =	vld.idx.msk [tilespmem:v3+s3+$0x0], $0xffff;
	_ =	sdelay $0x2  }
0x3e: {  	v4 =	vor.u32 s5, v0  }
0x3f: {  	v5 =	vshll.u32 v4, $0x1  }
0x40: {  	v5 =	vadd.s32 v2, v5;
	(erf) = vrcp.f32 v3;
	_ =	sdelay $0x1  }
0x41: {  	v4 =	vshll.u32 v4, $0x6;
	_ =	sdelay $0x2  }
0x42: {  	v3 =	vld.idx.msk [tilespmem:v5+s20+$0x0], $0xffff;
	_ =	sdelay $0x1  }
0x43: {  	v57 =	vld.idx.msk [tilespmem:v4+s23+$0x0], $0xffff;
	_ =	sdelay $0x1  }
0x44: {  	v6 =	vpop (erf)  }
0x45: {  	v58 =	vor.u32 $0x1, v4;
	v3 =	vmul.f32 v6, v3;
	_ =	sdelay $0x1  }
0x46: {  	v5 =	vmul.f32 v3, v57;
	_ =	sdelay $0x1  }
0x47: {  	[tilespmem:v4+s23+$0x0] =	vst.idx.msk $0xffff, v5  }
0x48: {  	v5 =	vld.idx.msk [tilespmem:v58+s23+$0x0], $0xffff;
	_ =	sdelay $0x2  }
0x49: {  	v7 =	vor.u32 $0x2, v4;
	_ =	sdelay $0x1  }
0x4a: {  	v5 =	vmul.f32 v5, v3;
	_ =	sdelay $0x1  }
0x4b: {  	[tilespmem:v58+s23+$0x0] =	vst.idx.msk $0xffff, v5  }
0x4c: {  	v5 =	vld.idx.msk [tilespmem:v7+s23+$0x0], $0xffff;
	_ =	sdelay $0x2  }
0x4d: {  	v59 =	vor.u32 $0x3, v4;
	_ =	sdelay $0x1  }
0x4e: {  	v5 =	vmul.f32 v5, v3;
	_ =	sdelay $0x1  }
0x4f: {  	[tilespmem:v7+s23+$0x0] =	vst.idx.msk $0xffff, v5  }
0x50: {  	v5 =	vld.idx.msk [tilespmem:v59+s23+$0x0], $0xffff;
	_ =	sdelay $0x2  }
0x51: {  	v60 =	vor.u32 $0x4, v4;
	_ =	sdelay $0x1  }
0x52: {  	v5 =	vmul.f32 v5, v3;
	_ =	sdelay $0x1  }
0x53: {  	[tilespmem:v59+s23+$0x0] =	vst.idx.msk $0xffff, v5  }
0x54: {  	v5 =	vld.idx.msk [tilespmem:v60+s23+$0x0], $0xffff;
	_ =	sdelay $0x2  }
0x55: {  	v61 =	vor.u32 $0x5, v4;
	_ =	sdelay $0x1  }
0x56: {  	v5 =	vmul.f32 v5, v3;
	_ =	sdelay $0x1  }
0x57: {  	[tilespmem:v60+s23+$0x0] =	vst.idx.msk $0xffff, v5  }
0x58: {  	v5 =	vld.idx.msk [tilespmem:v61+s23+$0x0], $0xffff;
	_ =	sdelay $0x2  }
0x59: {  	v62 =	vor.u32 $0x6, v4;
	_ =	sdelay $0x1  }
0x5a: {  	v5 =	vmul.f32 v5, v3;
	_ =	sdelay $0x1  }
0x5b: {  	[tilespmem:v61+s23+$0x0] =	vst.idx.msk $0xffff, v5  }
0x5c: {  	v5 =	vld.idx.msk [tilespmem:v62+s23+$0x0], $0xffff;
	_ =	sdelay $0x2  }
0x5d: {  	v63 =	vor.u32 $0x7, v4;
	_ =	sdelay $0x1  }
0x5e: {  	v5 =	vmul.f32 v5, v3;
	_ =	sdelay $0x1  }
0x5f: {  	[tilespmem:v62+s23+$0x0] =	vst.idx.msk $0xffff, v5  }
0x60: {  	v5 =	vld.idx.msk [tilespmem:v63+s23+$0x0], $0xffff;
	_ =	sdelay $0x2  }
0x61: {  	v9 =	vor.u32 $0x8, v4;
	_ =	sdelay $0x1  }
0x62: {  	v5 =	vmul.f32 v5, v3;
	_ =	sdelay $0x1  }
0x63: {  	[tilespmem:v63+s23+$0x0] =	vst.idx.msk $0xffff, v5  }
0x64: {  	v5 =	vld.idx.msk [tilespmem:v9+s23+$0x0], $0xffff;
	_ =	sdelay $0x2  }
0x65: {  	v10 =	vor.u32 $0x9, v4;
	_ =	sdelay $0x1  }
0x66: {  	v5 =	vmul.f32 v5, v3;
	_ =	sdelay $0x1  }
0x67: {  	[tilespmem:v9+s23+$0x0] =	vst.idx.msk $0xffff, v5  }
0x68: {  	v5 =	vld.idx.msk [tilespmem:v10+s23+$0x0], $0xffff;
	_ =	sdelay $0x2  }
0x69: {  	v11 =	vor.u32 $0xA, v4;
	_ =	sdelay $0x1  }
0x6a: {  	v5 =	vmul.f32 v5, v3;
	_ =	sdelay $0x1  }
0x6b: {  	[tilespmem:v10+s23+$0x0] =	vst.idx.msk $0xffff, v5  }
0x6c: {  	v5 =	vld.idx.msk [tilespmem:v11+s23+$0x0], $0xffff;
	_ =	sdelay $0x2  }
0x6d: {  	v12 =	vor.u32 $0xB, v4;
	_ =	sdelay $0x1  }
0x6e: {  	v5 =	vmul.f32 v5, v3;
	_ =	sdelay $0x1  }
0x6f: {  	[tilespmem:v11+s23+$0x0] =	vst.idx.msk $0xffff, v5  }
0x70: {  	v5 =	vld.idx.msk [tilespmem:v12+s23+$0x0], $0xffff;
	_ =	sdelay $0x2  }
0x71: {  	v13 =	vor.u32 $0xC, v4;
	_ =	sdelay $0x1  }
0x72: {  	v5 =	vmul.f32 v5, v3;
	_ =	sdelay $0x1  }
0x73: {  	[tilespmem:v12+s23+$0x0] =	vst.idx.msk $0xffff, v5  }
0x74: {  	v5 =	vld.idx.msk [tilespmem:v13+s23+$0x0], $0xffff;
	_ =	sdelay $0x2  }
0x75: {  	v14 =	vor.u32 $0xD, v4;
	_ =	sdelay $0x1  }
0x76: {  	v5 =	vmul.f32 v5, v3;
	_ =	sdelay $0x1  }
0x77: {  	[tilespmem:v13+s23+$0x0] =	vst.idx.msk $0xffff, v5  }
0x78: {  	v5 =	vld.idx.msk [tilespmem:v14+s23+$0x0], $0xffff;
	_ =	sdelay $0x2  }
0x79: {  	v15 =	vor.u32 $0xE, v4;
	_ =	sdelay $0x1  }
0x7a: {  	v5 =	vmul.f32 v5, v3;
	_ =	sdelay $0x1  }
0x7b: {  	[tilespmem:v14+s23+$0x0] =	vst.idx.msk $0xffff, v5  }
0x7c: {  	v5 =	vld.idx.msk [tilespmem:v15+s23+$0x0], $0xffff;
	_ =	sdelay $0x2  }
0x7d: {  	v16 =	vor.u32 $0xF, v4;
	_ =	sdelay $0x1  }
0x7e: {  	v5 =	vmul.f32 v5, v3;
	_ =	sdelay $0x1  }
0x7f: {  	[tilespmem:v15+s23+$0x0] =	vst.idx.msk $0xffff, v5  }
0x80: {  	v5 =	vld.idx.msk [tilespmem:v16+s23+$0x0], $0xffff;
	_ =	sdelay $0x2  }
0x81: {  	v17 =	vor.u32 $0x10, v4;
	_ =	sdelay $0x1  }
0x82: {  	v5 =	vmul.f32 v5, v3;
	_ =	sdelay $0x1  }
0x83: {  	[tilespmem:v16+s23+$0x0] =	vst.idx.msk $0xffff, v5  }
0x84: {  	v5 =	vld.idx.msk [tilespmem:v17+s23+$0x0], $0xffff;
	_ =	sdelay $0x2  }
0x85: {  	v18 =	vor.u32 $0x11, v4;
	_ =	sdelay $0x1  }
0x86: {  	v5 =	vmul.f32 v5, v3;
	_ =	sdelay $0x1  }
0x87: {  	[tilespmem:v17+s23+$0x0] =	vst.idx.msk $0xffff, v5  }
0x88: {  	v5 =	vld.idx.msk [tilespmem:v18+s23+$0x0], $0xffff;
	_ =	sdelay $0x2  }
0x89: {  	v19 =	vor.u32 $0x12, v4;
	_ =	sdelay $0x1  }
0x8a: {  	v5 =	vmul.f32 v5, v3;
	_ =	sdelay $0x1  }
0x8b: {  	[tilespmem:v18+s23+$0x0] =	vst.idx.msk $0xffff, v5  }
0x8c: {  	v5 =	vld.idx.msk [tilespmem:v19+s23+$0x0], $0xffff;
	_ =	sdelay $0x2  }
0x8d: {  	v20 =	vor.u32 $0x13, v4;
	_ =	sdelay $0x1  }
0x8e: {  	v5 =	vmul.f32 v5, v3;
	_ =	sdelay $0x1  }
0x8f: {  	[tilespmem:v19+s23+$0x0] =	vst.idx.msk $0xffff, v5  }
0x90: {  	v5 =	vld.idx.msk [tilespmem:v20+s23+$0x0], $0xffff;
	_ =	sdelay $0x2  }
0x91: {  	v21 =	vor.u32 $0x14, v4;
	_ =	sdelay $0x1  }
0x92: {  	v5 =	vmul.f32 v5, v3;
	_ =	sdelay $0x1  }
0x93: {  	[tilespmem:v20+s23+$0x0] =	vst.idx.msk $0xffff, v5  }
0x94: {  	v5 =	vld.idx.msk [tilespmem:v21+s23+$0x0], $0xffff;
	_ =	sdelay $0x2  }
0x95: {  	v22 =	vor.u32 $0x15, v4;
	_ =	sdelay $0x1  }
0x96: {  	v5 =	vmul.f32 v5, v3;
	_ =	sdelay $0x1  }
0x97: {  	[tilespmem:v21+s23+$0x0] =	vst.idx.msk $0xffff, v5  }
0x98: {  	v5 =	vld.idx.msk [tilespmem:v22+s23+$0x0], $0xffff;
	_ =	sdelay $0x2  }
0x99: {  	v23 =	vor.u32 $0x16, v4;
	_ =	sdelay $0x1  }
0x9a: {  	v5 =	vmul.f32 v5, v3;
	_ =	sdelay $0x1  }
0x9b: {  	[tilespmem:v22+s23+$0x0] =	vst.idx.msk $0xffff, v5  }
0x9c: {  	v5 =	vld.idx.msk [tilespmem:v23+s23+$0x0], $0xffff;
	_ =	sdelay $0x2  }
0x9d: {  	v24 =	vor.u32 $0x17, v4;
	_ =	sdelay $0x1  }
0x9e: {  	v5 =	vmul.f32 v5, v3;
	_ =	sdelay $0x1  }
0x9f: {  	[tilespmem:v23+s23+$0x0] =	vst.idx.msk $0xffff, v5  }
0xa0: {  	v5 =	vld.idx.msk [tilespmem:v24+s23+$0x0], $0xffff;
	_ =	sdelay $0x2  }
0xa1: {  	v25 =	vor.u32 $0x18, v4;
	_ =	sdelay $0x1  }
0xa2: {  	v5 =	vmul.f32 v5, v3;
	_ =	sdelay $0x1  }
0xa3: {  	[tilespmem:v24+s23+$0x0] =	vst.idx.msk $0xffff, v5  }
0xa4: {  	v5 =	vld.idx.msk [tilespmem:v25+s23+$0x0], $0xffff;
	_ =	sdelay $0x2  }
0xa5: {  	v26 =	vor.u32 $0x19, v4;
	_ =	sdelay $0x1  }
0xa6: {  	v5 =	vmul.f32 v5, v3;
	_ =	sdelay $0x1  }
0xa7: {  	[tilespmem:v25+s23+$0x0] =	vst.idx.msk $0xffff, v5  }
0xa8: {  	v5 =	vld.idx.msk [tilespmem:v26+s23+$0x0], $0xffff;
	_ =	sdelay $0x2  }
0xa9: {  	v27 =	vor.u32 $0x1A, v4;
	_ =	sdelay $0x1  }
0xaa: {  	v5 =	vmul.f32 v5, v3;
	_ =	sdelay $0x1  }
0xab: {  	[tilespmem:v26+s23+$0x0] =	vst.idx.msk $0xffff, v5  }
0xac: {  	v5 =	vld.idx.msk [tilespmem:v27+s23+$0x0], $0xffff;
	_ =	sdelay $0x2  }
0xad: {  	v28 =	vor.u32 $0x1B, v4;
	_ =	sdelay $0x1  }
0xae: {  	v5 =	vmul.f32 v5, v3;
	_ =	sdelay $0x1  }
0xaf: {  	[tilespmem:v27+s23+$0x0] =	vst.idx.msk $0xffff, v5  }
0xb0: {  	v5 =	vld.idx.msk [tilespmem:v28+s23+$0x0], $0xffff;
	_ =	sdelay $0x2  }
0xb1: {  	v29 =	vor.u32 $0x1C, v4;
	_ =	sdelay $0x1  }
0xb2: {  	v5 =	vmul.f32 v5, v3;
	_ =	sdelay $0x1  }
0xb3: {  	[tilespmem:v28+s23+$0x0] =	vst.idx.msk $0xffff, v5  }
0xb4: {  	v5 =	vld.idx.msk [tilespmem:v29+s23+$0x0], $0xffff;
	_ =	sdelay $0x2  }
0xb5: {  	v30 =	vor.u32 $0x1D, v4;
	_ =	sdelay $0x1  }
0xb6: {  	v5 =	vmul.f32 v5, v3;
	_ =	sdelay $0x1  }
0xb7: {  	[tilespmem:v29+s23+$0x0] =	vst.idx.msk $0xffff, v5  }
0xb8: {  	v5 =	vld.idx.msk [tilespmem:v30+s23+$0x0], $0xffff;
	_ =	sdelay $0x2  }
0xb9: {  	v31 =	vor.u32 $0x1E, v4;
	_ =	sdelay $0x1  }
0xba: {  	v5 =	vmul.f32 v5, v3;
	_ =	sdelay $0x1  }
0xbb: {  	[tilespmem:v30+s23+$0x0] =	vst.idx.msk $0xffff, v5  }
0xbc: {  	v5 =	vld.idx.msk [tilespmem:v31+s23+$0x0], $0xffff;
	_ =	sdelay $0x2  }
0xbd: {  	v32 =	vor.u32 $0x1F, v4;
	_ =	sdelay $0x1  }
0xbe: {  	v5 =	vmul.f32 v5, v3;
	_ =	sdelay $0x1  }
0xbf: {  	[tilespmem:v31+s23+$0x0] =	vst.idx.msk $0xffff, v5  }
0xc0: {  	v5 =	vld.idx.msk [tilespmem:v32+s23+$0x0], $0xffff;
	_ =	sdelay $0x2  }
0xc1: {  	v33 =	vor.u32 $0x20, v4;
	_ =	sdelay $0x1  }
0xc2: {  	v5 =	vmul.f32 v5, v3;
	_ =	sdelay $0x1  }
0xc3: {  	[tilespmem:v32+s23+$0x0] =	vst.idx.msk $0xffff, v5  }
0xc4: {  	v5 =	vld.idx.msk [tilespmem:v33+s23+$0x0], $0xffff;
	_ =	sdelay $0x2  }
0xc5: {  	v34 =	vor.u32 $0x21, v4;
	_ =	sdelay $0x1  }
0xc6: {  	v5 =	vmul.f32 v5, v3;
	_ =	sdelay $0x1  }
0xc7: {  	[tilespmem:v33+s23+$0x0] =	vst.idx.msk $0xffff, v5  }
0xc8: {  	v5 =	vld.idx.msk [tilespmem:v34+s23+$0x0], $0xffff;
	_ =	sdelay $0x2  }
0xc9: {  	v35 =	vor.u32 $0x22, v4;
	_ =	sdelay $0x1  }
0xca: {  	v5 =	vmul.f32 v5, v3;
	_ =	sdelay $0x1  }
0xcb: {  	[tilespmem:v34+s23+$0x0] =	vst.idx.msk $0xffff, v5  }
0xcc: {  	v5 =	vld.idx.msk [tilespmem:v35+s23+$0x0], $0xffff;
	_ =	sdelay $0x2  }
0xcd: {  	v36 =	vor.u32 $0x23, v4;
	_ =	sdelay $0x1  }
0xce: {  	v5 =	vmul.f32 v5, v3;
	_ =	sdelay $0x1  }
0xcf: {  	[tilespmem:v35+s23+$0x0] =	vst.idx.msk $0xffff, v5  }
0xd0: {  	v5 =	vld.idx.msk [tilespmem:v36+s23+$0x0], $0xffff;
	_ =	sdelay $0x2  }
0xd1: {  	v37 =	vor.u32 $0x24, v4;
	_ =	sdelay $0x1  }
0xd2: {  	v5 =	vmul.f32 v5, v3;
	_ =	sdelay $0x1  }
0xd3: {  	[tilespmem:v36+s23+$0x0] =	vst.idx.msk $0xffff, v5  }
0xd4: {  	v5 =	vld.idx.msk [tilespmem:v37+s23+$0x0], $0xffff;
	_ =	sdelay $0x2  }
0xd5: {  	v38 =	vor.u32 $0x25, v4;
	_ =	sdelay $0x1  }
0xd6: {  	v5 =	vmul.f32 v5, v3;
	_ =	sdelay $0x1  }
0xd7: {  	[tilespmem:v37+s23+$0x0] =	vst.idx.msk $0xffff, v5  }
0xd8: {  	v5 =	vld.idx.msk [tilespmem:v38+s23+$0x0], $0xffff;
	_ =	sdelay $0x2  }
0xd9: {  	v39 =	vor.u32 $0x26, v4;
	_ =	sdelay $0x1  }
0xda: {  	v5 =	vmul.f32 v5, v3;
	_ =	sdelay $0x1  }
0xdb: {  	[tilespmem:v38+s23+$0x0] =	vst.idx.msk $0xffff, v5  }
0xdc: {  	v5 =	vld.idx.msk [tilespmem:v39+s23+$0x0], $0xffff;
	_ =	sdelay $0x2  }
0xdd: {  	v40 =	vor.u32 $0x27, v4;
	_ =	sdelay $0x1  }
0xde: {  	v5 =	vmul.f32 v5, v3;
	_ =	sdelay $0x1  }
0xdf: {  	[tilespmem:v39+s23+$0x0] =	vst.idx.msk $0xffff, v5  }
0xe0: {  	v5 =	vld.idx.msk [tilespmem:v40+s23+$0x0], $0xffff;
	_ =	sdelay $0x2  }
0xe1: {  	v41 =	vor.u32 $0x28, v4;
	_ =	sdelay $0x1  }
0xe2: {  	v5 =	vmul.f32 v5, v3;
	_ =	sdelay $0x1  }
0xe3: {  	[tilespmem:v40+s23+$0x0] =	vst.idx.msk $0xffff, v5  }
0xe4: {  	v5 =	vld.idx.msk [tilespmem:v41+s23+$0x0], $0xffff;
	_ =	sdelay $0x2  }
0xe5: {  	v42 =	vor.u32 $0x29, v4;
	_ =	sdelay $0x1  }
0xe6: {  	v5 =	vmul.f32 v5, v3;
	_ =	sdelay $0x1  }
0xe7: {  	[tilespmem:v41+s23+$0x0] =	vst.idx.msk $0xffff, v5  }
0xe8: {  	v5 =	vld.idx.msk [tilespmem:v42+s23+$0x0], $0xffff;
	_ =	sdelay $0x2  }
0xe9: {  	v43 =	vor.u32 $0x2A, v4;
	_ =	sdelay $0x1  }
0xea: {  	v5 =	vmul.f32 v5, v3;
	_ =	sdelay $0x1  }
0xeb: {  	[tilespmem:v42+s23+$0x0] =	vst.idx.msk $0xffff, v5  }
0xec: {  	v5 =	vld.idx.msk [tilespmem:v43+s23+$0x0], $0xffff;
	_ =	sdelay $0x2  }
0xed: {  	v44 =	vor.u32 $0x2B, v4;
	_ =	sdelay $0x1  }
0xee: {  	v5 =	vmul.f32 v5, v3;
	_ =	sdelay $0x1  }
0xef: {  	[tilespmem:v43+s23+$0x0] =	vst.idx.msk $0xffff, v5  }
0xf0: {  	v5 =	vld.idx.msk [tilespmem:v44+s23+$0x0], $0xffff;
	_ =	sdelay $0x2  }
0xf1: {  	v45 =	vor.u32 $0x2C, v4;
	_ =	sdelay $0x1  }
0xf2: {  	v5 =	vmul.f32 v5, v3;
	_ =	sdelay $0x1  }
0xf3: {  	[tilespmem:v44+s23+$0x0] =	vst.idx.msk $0xffff, v5  }
0xf4: {  	v5 =	vld.idx.msk [tilespmem:v45+s23+$0x0], $0xffff;
	_ =	sdelay $0x2  }
0xf5: {  	v46 =	vor.u32 $0x2D, v4;
	_ =	sdelay $0x1  }
0xf6: {  	v5 =	vmul.f32 v5, v3;
	_ =	sdelay $0x1  }
0xf7: {  	[tilespmem:v45+s23+$0x0] =	vst.idx.msk $0xffff, v5  }
0xf8: {  	v5 =	vld.idx.msk [tilespmem:v46+s23+$0x0], $0xffff;
	_ =	sdelay $0x2  }
0xf9: {  	v47 =	vor.u32 $0x2E, v4;
	_ =	sdelay $0x1  }
0xfa: {  	v5 =	vmul.f32 v5, v3;
	_ =	sdelay $0x1  }
0xfb: {  	[tilespmem:v46+s23+$0x0] =	vst.idx.msk $0xffff, v5  }
0xfc: {  	v5 =	vld.idx.msk [tilespmem:v47+s23+$0x0], $0xffff;
	_ =	sdelay $0x2  }
0xfd: {  	v48 =	vor.u32 $0x2F, v4;
	_ =	sdelay $0x1  }
0xfe: {  	v5 =	vmul.f32 v5, v3;
	_ =	sdelay $0x1  }
0xff: {  	[tilespmem:v47+s23+$0x0] =	vst.idx.msk $0xffff, v5  }
0x100: {  	v5 =	vld.idx.msk [tilespmem:v48+s23+$0x0], $0xffff;
	_ =	sdelay $0x2  }
0x101: {  	v49 =	vor.u32 $0x30, v4;
	_ =	sdelay $0x1  }
0x102: {  	v5 =	vmul.f32 v5, v3;
	_ =	sdelay $0x1  }
0x103: {  	[tilespmem:v48+s23+$0x0] =	vst.idx.msk $0xffff, v5  }
0x104: {  	v5 =	vld.idx.msk [tilespmem:v49+s23+$0x0], $0xffff;
	_ =	sdelay $0x2  }
0x105: {  	v50 =	vor.u32 $0x31, v4;
	_ =	sdelay $0x1  }
0x106: {  	v5 =	vmul.f32 v5, v3;
	_ =	sdelay $0x1  }
0x107: {  	[tilespmem:v49+s23+$0x0] =	vst.idx.msk $0xffff, v5  }
0x108: {  	v5 =	vld.idx.msk [tilespmem:v50+s23+$0x0], $0xffff;
	_ =	sdelay $0x2  }
0x109: {  	v51 =	vor.u32 $0x32, v4;
	_ =	sdelay $0x1  }
0x10a: {  	v5 =	vmul.f32 v5, v3;
	_ =	sdelay $0x1  }
0x10b: {  	[tilespmem:v50+s23+$0x0] =	vst.idx.msk $0xffff, v5  }
0x10c: {  	v5 =	vld.idx.msk [tilespmem:v51+s23+$0x0], $0xffff;
	_ =	sdelay $0x2  }
0x10d: {  	v52 =	vor.u32 $0x33, v4;
	_ =	sdelay $0x1  }
0x10e: {  	v5 =	vmul.f32 v5, v3;
	_ =	sdelay $0x1  }
0x10f: {  	[tilespmem:v51+s23+$0x0] =	vst.idx.msk $0xffff, v5  }
0x110: {  	v5 =	vld.idx.msk [tilespmem:v52+s23+$0x0], $0xffff;
	_ =	sdelay $0x2  }
0x111: {  	v53 =	vor.u32 $0x34, v4;
	_ =	sdelay $0x1  }
0x112: {  	v5 =	vmul.f32 v5, v3;
	_ =	sdelay $0x1  }
0x113: {  	[tilespmem:v52+s23+$0x0] =	vst.idx.msk $0xffff, v5  }
0x114: {  	v5 =	vld.idx.msk [tilespmem:v53+s23+$0x0], $0xffff;
	_ =	sdelay $0x2  }
0x115: {  	v54 =	vor.u32 $0x35, v4;
	_ =	sdelay $0x1  }
0x116: {  	v5 =	vmul.f32 v5, v3;
	_ =	sdelay $0x1  }
0x117: {  	[tilespmem:v53+s23+$0x0] =	vst.idx.msk $0xffff, v5  }
0x118: {  	v5 =	vld.idx.msk [tilespmem:v54+s23+$0x0], $0xffff;
	_ =	sdelay $0x2  }
0x119: {  	v55 =	vor.u32 $0x36, v4;
	_ =	sdelay $0x1  }
0x11a: {  	v5 =	vmul.f32 v5, v3;
	_ =	sdelay $0x1  }
0x11b: {  	[tilespmem:v54+s23+$0x0] =	vst.idx.msk $0xffff, v5  }
0x11c: {  	v5 =	vld.idx.msk [tilespmem:v55+s23+$0x0], $0xffff;
	_ =	sdelay $0x2  }
0x11d: {  	v56 =	vor.u32 $0x37, v4;
	_ =	sdelay $0x1  }
0x11e: {  	v5 =	vmul.f32 v5, v3;
	_ =	sdelay $0x1  }
0x11f: {  	[tilespmem:v55+s23+$0x0] =	vst.idx.msk $0xffff, v5  }
0x120: {  	v5 =	vld.idx.msk [tilespmem:v56+s23+$0x0], $0xffff;
	_ =	sdelay $0x2  }
0x121: {  	v57 =	vor.u32 $0x38, v4;
	_ =	sdelay $0x1  }
0x122: {  	v5 =	vmul.f32 v5, v3;
	_ =	sdelay $0x1  }
0x123: {  	[tilespmem:v56+s23+$0x0] =	vst.idx.msk $0xffff, v5  }
0x124: {  	v5 =	vld.idx.msk [tilespmem:v57+s23+$0x0], $0xffff;
	_ =	sdelay $0x2  }
0x125: {  	v58 =	vor.u32 $0x39, v4;
	_ =	sdelay $0x1  }
0x126: {  	v5 =	vmul.f32 v5, v3;
	_ =	sdelay $0x1  }
0x127: {  	[tilespmem:v57+s23+$0x0] =	vst.idx.msk $0xffff, v5  }
0x128: {  	v5 =	vld.idx.msk [tilespmem:v58+s23+$0x0], $0xffff;
	_ =	sdelay $0x2  }
0x129: {  	v59 =	vor.u32 $0x3A, v4;
	_ =	sdelay $0x1  }
0x12a: {  	v5 =	vmul.f32 v5, v3;
	_ =	sdelay $0x1  }
0x12b: {  	[tilespmem:v58+s23+$0x0] =	vst.idx.msk $0xffff, v5  }
0x12c: {  	v5 =	vld.idx.msk [tilespmem:v59+s23+$0x0], $0xffff;
	_ =	sdelay $0x2  }
0x12d: {  	v60 =	vor.u32 $0x3B, v4;
	_ =	sdelay $0x1  }
0x12e: {  	v5 =	vmul.f32 v5, v3;
	_ =	sdelay $0x1  }
0x12f: {  	[tilespmem:v59+s23+$0x0] =	vst.idx.msk $0xffff, v5  }
0x130: {  	v5 =	vld.idx.msk [tilespmem:v60+s23+$0x0], $0xffff;
	_ =	sdelay $0x2  }
0x131: {  	v61 =	vor.u32 $0x3C, v4;
	_ =	sdelay $0x1  }
0x132: {  	v5 =	vmul.f32 v5, v3;
	_ =	sdelay $0x1  }
0x133: {  	[tilespmem:v60+s23+$0x0] =	vst.idx.msk $0xffff, v5  }
0x134: {  	v5 =	vld.idx.msk [tilespmem:v61+s23+$0x0], $0xffff;
	_ =	sdelay $0x2  }
0x135: {  	v62 =	vor.u32 $0x3D, v4;
	_ =	sdelay $0x1  }
0x136: {  	v5 =	vmul.f32 v5, v3;
	_ =	sdelay $0x1  }
0x137: {  	[tilespmem:v61+s23+$0x0] =	vst.idx.msk $0xffff, v5  }
0x138: {  	v5 =	vld.idx.msk [tilespmem:v62+s23+$0x0], $0xffff;
	_ =	sdelay $0x2  }
0x139: {  	v63 =	vor.u32 $0x3E, v4;
	_ =	sdelay $0x1  }
0x13a: {  	v5 =	vmul.f32 v5, v3;
	_ =	sdelay $0x1  }
0x13b: {  	[tilespmem:v62+s23+$0x0] =	vst.idx.msk $0xffff, v5  }
0x13c: {  	v5 =	vld.idx.msk [tilespmem:v63+s23+$0x0], $0xffff;
	_ =	sdelay $0x2  }
0x13d: {  	v4 =	vor.u32 $0x3F, v4;
	_ =	sdelay $0x1  }
0x13e: {  	v5 =	vmul.f32 v5, v3;
	_ =	sdelay $0x1  }
0x13f: {  	[tilespmem:v63+s23+$0x0] =	vst.idx.msk $0xffff, v5  }
0x140: {  	v5 =	vld.idx.msk [tilespmem:v4+s23+$0x0], $0xffff;
	_ =	sdelay $0x1  }
0x141: {  	p0 =	sne.s32 s5, $0x40  }
.Ltmp0:
0x142: {  	_ = 	snop;
	(pc) =	sbr.rel @p0 .LBB2_4-.Ltmp0, $3  }
0x143: {  	_ = 	snop  }
0x144: {  	v3 =	vmul.f32 v5, v3;
	_ =	sdelay $0x1  }
0x145: {  	s0 =	sadd.s32 $0x10, s0;
	s5 =	sadd.s32 $0x10, s5;
	[tilespmem:v4+s23+$0x0] =	vst.idx.msk $0xffff, v3  }
0x146: {  	s31 =	sadd.s32 $0x1, s31  }
0x147: {  	p0 =	sne.s32 s31, $0xFA  }
.Ltmp1:
0x148: {  	_ = 	snop;
	(pc) =	sbr.rel @p0 .LBB2_3-.Ltmp1, $4  }
0x149: {  	[spmem:s2] =	stream.indirect.scatter.add.f32 [tilespmem:s23], [sflag:$0x2], $0x40, s25, s21, $0xb8;
	[tilespmem:$0x103B0] =	vst v63  }
0x14a: {  	_ =	swait.ge [sflag:s16], $0x1400  }
0x14b: {  	[sflag:s16] =	ssyncset.done $0x0  }
0x14c: {  	[sflag:s16] =	ssyncadd.s32 $0xFFFFEC00  }
0x14d: {  	s0 =	smul.u32 $0x2800, s29;
	_ =	sdelay $0x1  }
0x14e: {  	s0 =	sadd.s32 s13, s0  }
0x14f: {  	s28 =	sadd.s32 $0x1, s28;
	s0 =	sshll.u32 s0, $0x3  }
0x150: {  	[bflag:$0x0] =	sbarrier.arrive $0xFFFF;
	p0 =	sne.s32 s28, $0x4;
	s0 =	sadd.s32 s9, s0  }
0x151: {  	[hbm:s0], [sflag:s17] =	dma.local [spmem:s18], $0x1400  }
.Ltmp2:
0x152: {  	_ =	swait.ge [sflag:s16], $0x1400;
	(pc) =	sbr.rel @p0 .LBB2_2-.Ltmp2, $3  }
0x153: {  	[sflag:s16] =	ssyncset.done $0x0  }
0x154: {  	[sflag:s16] =	ssyncadd.s32 $0xFFFFEC00  }
0x155: {  	[bflag:$0x0] =	sbarrier.arrive $0xFFFF;
	_ =	sdelay $0x1  }
0x156: {  	s26 =	sadd.s32 $0x1, s26  }
0x157: {  	p0 =	sne.s32 s26, s15  }
.Ltmp3:
0x158: {  	_ = 	snop;
	(pc) =	sbr.rel @p0 .LBB2_1-.Ltmp3, $1  }
0x159: {  	_ =	sdelay $0x3  }
0x15a: {  	_ =	sfence.sel $0x180000  }
0x15b: {  	[bflag:$0x0] =	sbarrier.arrive $0xFFFF  }
0x15c: {  	_ =	strace $0x9000004D  }
0x15d: {  	s0 =	stileid.u32;
	[bflag:$0x2] =	sbarrier.arrive $0xFFFF  }
0x15e: {  	p0 =	sne.s32 s0, $0x0;
	s0 =	rddreg [dreg:$0x3]  }
0x15f: {  	s0 =	sadd.s32 @!p0 $0x100000, s0  }
0x160: {  	[sflag:s0] =	ssyncadd.tile.s32 @!p0 $0x1;
	_ =	shalt  }
.Lfunc_end2:
_tile_overlayer_lowered:
.L_overlay_start_2:
0x161: {  	(tag) =	ssettag $0x2  }
0x162: {  	s0 =	rddreg [dreg:$0x0];
	s2 =	stileid.u32  }
0x163: {  	s1 =	rddreg [dreg:$0x1];
	p0 =	sne.s32 s2, $0x0  }
0x164: {  	s3 =	rddreg [dreg:$0x2];
	[bflag:$0x3] =	sbarrier.arrive $0xFFFF;
	s2 =	simm.s32 @!p0 $0x1C02  }
0x165: {  	[timem:s3], [sflag:s2] =	dma.local @!p0 [hbm:s0], s1  }
0x166: {  	s0 =	simm.s32 @!p0 $0x2  }
0x167: {  	_ =	swait.ge @!p0 [sflag:s0], s1  }
0x168: {  	s1 =	ssub.s32 @!p0 $0x0, s1;
	[sflag:s0] =	ssyncset.done @!p0 $0x0  }
0x169: {  	[sflag:s0] =	ssyncadd.s32 @!p0 s1  }
0x16a: {  	[bflag:$0x3] =	sbarrier.arrive $0xFFFF  }
0x16b: {  	_ =	shalt  }

// kernel: _run.7.cloned.1.call-start
scs
__scs_entry_jumppad:
0x0: {  	(pc) =	sbr.rel $0x88, $3  }
0x1: {  	(tag) =	ssettag $0x0;
	lr =	simm.s32 $0x1  }
0x2: {  	[smem:$0x3F99] =	sst lr;
	_ =	strace $0xD0000000  }
0x3: {  	_ = 	snop  }
0x4: {  	_ = 	snop  }
0x5: {  	_ = 	snop  }
0x6: {  	_ = 	snop  }
0x7: {  	_ = 	snop  }
__scs_overlays_trampoline_lowered:
0x8: {  	[smem:$0x3FA8] =	sst s0  }
0x9: {  	[smem:$0x3FA9] =	sst s1  }
0xa: {  	[smem:$0x3FAA] =	sst s2  }
0xb: {  	[smem:$0x3FAB] =	sst s3  }
0xc: {  	[smem:$0x3FAC] =	sst s4  }
0xd: {  	[smem:$0x3FAD] =	sst s5  }
0xe: {  	[smem:$0x3FAE] =	sst s6  }
0xf: {  	[smem:$0x3FAF] =	sst s7  }
0x10: {  	[smem:$0x3FB0] =	sst s8  }
0x11: {  	[smem:$0x3FB1] =	sst s9;
	s0 =	simm.s32 @!p0 $0x0  }
0x12: {  	s1 =	sld [smem:$0x3F97];
	s0 =	simm.s32 @p0 $0x1  }
0x13: {  	[smem:$0x3FB2] =	sst s0;
	s0 =	simm.s32 @!p1 $0x0  }
0x14: {  	s2 =	sld [smem:$0x3F96];
	s0 =	simm.s32 @p1 $0x1  }
0x15: {  	[smem:$0x3FB3] =	sst s0;
	s0 =	simm.s32 @!p2 $0x0  }
0x16: {  	s3 =	sld [smem:$0x3FDB];
	s0 =	simm.s32 @p2 $0x1  }
0x17: {  	s4 =	simm.s32 $0x1BF5;
	[smem:$0x3FB5] =	sst s0  }
0x18: {  	s0 =	sld [smem:$0x3F98];
	_ =	swait.ge [sflag:s4], $0x0  }
0x19: {  	s7 =	sld [smem:$0x3F99]  }
0x1a: {  	s8 =	sadd.s32 $0xFFFFE003, lr  }
0x1b: {  	s9 =	sadd.s32 $0xFFFFFEF7, lr;
	s5 =	simm.s32 $0xFFFFFFFF;
	p2 =	slt.u32 s8, $0xFFFFF086  }
0x1c: {  	p1 =	slt.u32 s9, $0xF7A;
	s5 =	simm.s32 @!p2 $0x0  }
0x1d: {  	s5 =	simm.s32 @p1 $0x1;
	p0 =	seq.s32 s7, s2  }
0x1e: {  	s7 =	smul.u32 @!p0 $0xF7A, s2;
	p2 =	seq.s32 @!p0 s5, $0x0  }
0x1f: {  	s9 =	smul.u32 $0xF7A, s1;
	s8 =	simm.s32 @!p0 $0x1BF5;
	p2 =	por !p2, p0  }
0x20: {  	[sflag:s8] =	ssyncset.s32 @!p0 $0xFFFFF086;
	s6 =	sadd.s32 @!p0 s3, s7;
	s7 =	simm.s32 @!p0 $0x108  }
0x21: {  	s3 =	sadd.s32 s3, s9;
	s6 =	sadd.s32 @!p0 $0x88, s6;
	s7 =	simm.s32 @p2 $0x1082  }
0x22: {  	[simem:s7], [sflag:s8] =	dma.local @!p0 [hbm:s6], $0xF7A  }
0x23: {  	s9 =	sor.u32 $0xD0000000, s2;
	s6 =	simm.s32 $0x108;
	_ =	swait.ge @!p0 [sflag:s8], $0x0  }
0x24: {  	s3 =	sadd.s32 $0x88, s3;
	s6 =	simm.s32 @!p1 $0x1082;
	[sflag:s4] =	ssyncset.s32 $0xFFFFF086  }
0x25: {  	[simem:s6], [sflag:s4] =	dma.local [hbm:s3], $0xF7A  }
0x26: {  	[smem:$0x3F99] =	sst s1;
	(tag) =	ssettag s2;
	_ =	strace s9  }
0x27: {  	s1 =	sld [smem:$0x3FA9]  }
0x28: {  	s2 =	sld [smem:$0x3FAA]  }
0x29: {  	s4 =	sld [smem:$0x3FAC]  }
0x2a: {  	p0 =	seq.s32 s5, $0x0;
	s5 =	sld [smem:$0x3FAD]  }
0x2b: {  	s6 =	sld [smem:$0x3FAE]  }
0x2c: {  	s7 =	sld [smem:$0x3FAF]  }
0x2d: {  	s3 =	simm.s32 $0x108;
	s8 =	sld [smem:$0x3FB0]  }
0x2e: {  	s3 =	simm.s32 @!p0 $0x1082;
	s9 =	sld [smem:$0x3FB1]  }
0x2f: {  	lr =	sadd.s32 s0, s3;
	s0 =	sld [smem:$0x3FA8]  }
0x30: {  	s3 =	sld [smem:$0x3FAB]  }
0x31: {  	[smem:$0x3FB4] =	sst s10  }
0x32: {  	s10 =	sld [smem:$0x3FB2];
	_ =	sdelay $0x3  }
0x33: {  	p0 =	seq.s32 s10, $0x1;
	s10 =	sld [smem:$0x3FB4];
	_ =	sdelay $0x3  }
0x34: {  	[smem:$0x3FB4] =	sst s10  }
0x35: {  	s10 =	sld [smem:$0x3FB3];
	_ =	sdelay $0x3  }
0x36: {  	p1 =	seq.s32 s10, $0x1;
	s10 =	sld [smem:$0x3FB4];
	_ =	sdelay $0x3  }
0x37: {  	[smem:$0x3FB4] =	sst s10  }
0x38: {  	s10 =	sld [smem:$0x3FB5]  }
0x39: {  	_ = 	snop;
	(pc) =	sbr.ind lr, $3  }
0x3a: {  	_ = 	snop  }
0x3b: {  	_ = 	snop  }
0x3c: {  	p2 =	seq.s32 s10, $0x1;
	s10 =	sld [smem:$0x3FB4]  }
0x3d: {  	_ =	shalt  }
0x3e: {  	_ =	shalt  }
0x3f: {  	_ =	shalt  }
0x40: {  	_ =	shalt  }
0x41: {  	_ =	shalt  }
0x42: {  	_ =	shalt  }
0x43: {  	_ =	shalt  }
0x44: {  	_ =	shalt  }
0x45: {  	_ =	shalt  }
0x46: {  	_ =	shalt  }
0x47: {  	_ =	shalt  }
0x48: {  	_ =	shalt  }
0x49: {  	_ =	shalt  }
0x4a: {  	_ =	shalt  }
0x4b: {  	_ =	shalt  }
0x4c: {  	_ =	shalt  }
0x4d: {  	_ =	shalt  }
0x4e: {  	_ =	shalt  }
0x4f: {  	_ =	shalt  }
0x50: {  	_ =	shalt  }
0x51: {  	_ =	shalt  }
0x52: {  	_ =	shalt  }
0x53: {  	_ =	shalt  }
0x54: {  	_ =	shalt  }
0x55: {  	_ =	shalt  }
0x56: {  	_ =	shalt  }
0x57: {  	_ =	shalt  }
0x58: {  	_ =	shalt  }
0x59: {  	_ =	shalt  }
0x5a: {  	_ =	shalt  }
0x5b: {  	_ =	shalt  }
0x5c: {  	_ =	shalt  }
0x5d: {  	_ =	shalt  }
0x5e: {  	_ =	shalt  }
0x5f: {  	_ =	shalt  }
0x60: {  	_ =	shalt  }
0x61: {  	_ =	shalt  }
0x62: {  	_ =	shalt  }
0x63: {  	_ =	shalt  }
0x64: {  	_ =	shalt  }
0x65: {  	_ =	shalt  }
0x66: {  	_ =	shalt  }
0x67: {  	_ =	shalt  }
0x68: {  	_ =	shalt  }
0x69: {  	_ =	shalt  }
0x6a: {  	_ =	shalt  }
0x6b: {  	_ =	shalt  }
0x6c: {  	_ =	shalt  }
0x6d: {  	_ =	shalt  }
0x6e: {  	_ =	shalt  }
0x6f: {  	_ =	shalt  }
0x70: {  	_ =	shalt  }
0x71: {  	_ =	shalt  }
0x72: {  	_ =	shalt  }
0x73: {  	_ =	shalt  }
0x74: {  	_ =	shalt  }
0x75: {  	_ =	shalt  }
0x76: {  	_ =	shalt  }
0x77: {  	_ =	shalt  }
0x78: {  	_ =	shalt  }
0x79: {  	_ =	shalt  }
0x7a: {  	_ =	shalt  }
0x7b: {  	_ =	shalt  }
0x7c: {  	_ =	shalt  }
0x7d: {  	_ =	shalt  }
0x7e: {  	_ =	shalt  }
0x7f: {  	_ =	shalt  }
0x80: {  	_ =	shalt  }
0x81: {  	_ =	shalt  }
0x82: {  	_ =	shalt  }
0x83: {  	_ =	shalt  }
0x84: {  	_ =	shalt  }
0x85: {  	_ =	shalt  }
0x86: {  	_ =	shalt  }
0x87: {  	_ =	shalt  }
.Lfunc_end0:
.L_simem_size_0:
called_computation_lowered:
.L_overlay_start_0:
0x88: {  	s2 =	sld [smem:$0x3FD9]  }
0x89: {  	s3 =	sld [smem:$0x3FFE];
	_ =	sdelay $0x1  }
0x8a: {  	s1 =	srdreg.scid  }
0x8b: {  	s0 =	sand.u32 $0x1, s1  }
0x8c: {  	s17 =	sshll.u32 s0, $0xA;
	s2 =	sadd.s32 s3, s2  }
0x8d: {  	s2 =	sadd.s32 s2, s17  }
0x8e: {  	[smem:$0x3FC0] =	sst s2  }
0x8f: {  	_ = 	snop  }
0x90: {  	s2 =	sld [smem:$0x3FD0];
	(tm) =	ssettm $0x1  }
0x91: {  	s18 =	sld [smem:$0x3FFB];
	_ =	sdelay $0x3  }
0x92: {  	_ =	strace s18  }
0x93: {  	s3 =	sld [smem:$0x3FFC];
	_ =	sdelay $0x3  }
0x94: {  	_ =	strace s3  }
0x95: {  	s3 =	sld [smem:$0x3FFD];
	_ =	sdelay $0x3  }
0x96: {  	_ =	strace s3  }
0x97: {  	_ =	strace $0x8FFFFFFF  }
0x98: {  	s19 =	sld [smem:$0x3FDB];
	_ =	sdelay $0x1  }
0x99: {  	s4 =	simm.s32 $_scs_section_size  }
0x9a: {  	s5 =	simm.s32 $_size__tile_overlayer_lowered;
	s6 =	simm.s32 $_tile_overlayer_lowered  }
0x9b: {  	s22 =	simm.s32 $0x1BFF;
	s21 =	sshll.u32 s6, $0x1;
	s3 =	sadd.s32 s4, s19  }
0x9c: {  	s7 =	simm.s32 $0x0;
	s20 =	sshll.u32 s5, $0x1;
	s5 =	sadd.s32 s21, s3  }
0x9d: {  	[timem:s7], [sflag:s22] =	dma.local [hbm:s5], s20  }
0x9e: {  	_ =	swait.ge [sflag:s22], s20  }
0x9f: {  	s4 =	ssub.s32 $0x0, s20;
	[sflag:s22] =	ssyncset.done $0x0  }
0xa0: {  	[sflag:s22] =	ssyncadd.s32 s4;
	_ =	sdelay $0x1  }
0xa1: {  	s23 =	simm.s32 $0x1B8B  }
0xa2: {  	_ =	swait.ge [sflag:s23], $0x1  }
0xa3: {  	[sflag:s23] =	ssyncset.done $0x0  }
0xa4: {  	s25 =	simm.s32 $0x1B8E;
	s24 =	sld [smem:$0x3FFE];
	[sflag:s23] =	ssyncadd.s32 $0xFFFFFFFF  }
0xa5: {  	s26 =	simm.s32 $execute0_lowered;
	[smem:$0x3FD2] =	sst s25  }
0xa6: {  	s5 =	sshll.u32 s26, $0x1;
	_ =	strace $0x80000046;
	[dreg:$0x1] =	wrdreg $0xFFFFFFFF  }
0xa7: {  	s28 =	simm.s32 $_size_execute0_lowered;
	s3 =	sadd.s32 s3, s5;
	[dreg:$0x0] =	wrdreg $0x0  }
0xa8: {  	s5 =	sshll.u32 s28, $0x1;
	[dreg:$0x2] =	wrdreg s3  }
0xa9: {  	[dreg:$0x3] =	wrdreg s5  }
0xaa: {  	[dreg:$0x4] =	wrdreg $0xC0  }
0xab: {  	_ =	task [dreg:s7], $0x5FFFF  }
0xac: {  	[dreg:$0x1] =	wrdreg $0xFFFFFFFF  }
0xad: {  	[dreg:$0x0] =	wrdreg $0x60  }
0xae: {  	[dreg:$0x2] =	wrdreg s2  }
0xaf: {  	[dreg:$0x3] =	wrdreg s24  }
0xb0: {  	[dreg:$0x4] =	wrdreg $0x9  }
0xb1: {  	_ =	task.clear_ibuf [dreg:s7], $0x5FFFF;
	_ =	strace $0x90000046  }
0xb2: {  	s29 =	simm.s32 $0x9;
	_ =	strace $0x80000048  }
0xb3: {  	_ =	swait.ge [sflag:s29], $0x1  }
0xb4: {  	[sflag:s29] =	ssyncadd.s32 $0xFFFFFFFF  }
0xb5: {  	_ =	strace $0x90000048  }
0xb6: {  	_ =	sfence  }
0xb7: {  	s30 =	sld [smem:$0x0];
	_ =	sdelay $0x2  }
0xb8: {  	s31 =	sshll.u32 s1, $0xD;
	s1 =	sshrl.u32 s1, $0x2  }
0xb9: {  	s3 =	sand.u32 $0x4000, s31;
	s1 =	sadd.s32 s1, s30  }
0xba: {  	s0 =	sor.u32 s3, s0;
	s1 =	sshll.u32 s1, $0x11  }
0xbb: {  	s0 =	sor.u32 s1, s0  }
0xbc: {  	s0 =	sadd.s32 $0x8F2B, s0  }
0xbd: {  	[sflag:s0] =	ssyncadd.remote.s32 $0x1  }
0xbe: {  	_ =	sfence.sel $0xFFFF  }
0xbf: {  	[dreg:$0x0] =	wrdreg $0xFFFFFFFF;
	(pc) =	sbr.abs _section_cstart, $3  }
0xc0: {  	[dreg:$0x1] =	wrdreg $0xFFFFFFFF  }
0xc1: {  	_ =	task.clear_ibuf [dreg:s7], $0x2FFFF;
	_ =	strace $0x9FFFFFFF  }
0xc2: {  	(tm) =	ssettm $0x7FFFFFFF  }
0xc3: {  	_ =	shalt  }
tec
execute0_lowered:
.L_overlay_start_1:
0x0: {  	(tag) =	ssettag $0x1  }
0x1: {  	s1 =	rddreg [dreg:$0x0]  }
0x2: {  	s8 =	rddreg [dreg:$0x1];
	s2 =	srdreg.scid  }
0x3: {  	s0 =	rddreg [dreg:$0x2];
	s3 =	simm.s32 $0x0;
	s14 =	simm.s32 $0x13880  }
0x4: {  	s15 =	simm.s32 $0x14830;
	s16 =	simm.s32 $0x186B0;
	s17 =	simm.s32 $0x0  }
0x5: {  	s9 =	sand.u32 $0x1, s2;
	[smem:$0x7FF] =	sst s3;
	s2 =	stileid.u32  }
0x6: {  	s5 =	sadd.s32 $0xB600, s8;
	s7 =	sadd.s32 $0x15600, s8;
	s4 =	sshll.u32 s9, $0x4  }
0x7: {  	_ =	strace $0x80000047;
	s10 =	smul.u32 $0x4E200, s9;
	s12 =	ssub.s32 $0x2, s9  }
0x8: {  	s13 =	sshll.u32 s9, $0x1;
	s6 =	sor.u32 s2, s4;
	s4 =	sadd.s32 $0x14E000, s8  }
0x9: {  	s31 =	sshrl.u32 s12, $0x1;
	v0 =	vmov s13;
	s13 =	simm.s32 $0x9C40;
	s11 =	smul.u32 $0xA00, s6  }
0xa: {  	s6 =	sadd.s32 $0x1800, s8;
	s10 =	sadd.s32 s10, s8;
	s12 =	ssub.s32 s12, s31  }
0xb: {  	v3 =	vlaneseq.u32;
	s9 =	sadd.s32 $0x14F400, s10;
	s11 =	sadd.s32 s11, s8;
	s8 =	smul.u32 $0x4E20, s2  }
0xc: {  	v2 =	vimm.f32 $0.0e+00;
	v3 =	vmul.u32 $0x8, v3;
	v1 =	vor.u32 $0x1, v0;
	s10 =	sadd.s32 $0x1EB800, s11;
	s11 =	smax.u32 s12, $0x1;
	s12 =	simm.s32 $0x1  }
.LBB2_1:
0xd: {  	[tilespmem:s3], [sflag:$0x1] =	stream.linear.gather [hbm4b:s1+s3], $0x9C40, $0x38;
	[tilespmem:$0x1D6B0] =	vst v63  }
0xe: {  	_ =	swait.ge [sflag:s12], $0x9C40  }
0xf: {  	[sflag:s12] =	ssyncset.done $0x0  }
0x10: {  	[sflag:s12] =	ssyncadd.s32 $0xFFFF63C0  }
0x11: {  	[tilespmem:s13], [sflag:$0x1] =	stream.linear.gather [hbm4b:s4+s3], $0x9C40, $0x38;
	[tilespmem:$0x1D6B0] =	vst v63  }
0x12: {  	_ =	swait.ge [sflag:s12], $0x9C40  }
0x13: {  	[sflag:s12] =	ssyncset.done $0x0  }
0x14: {  	[sflag:s12] =	ssyncadd.s32 $0xFFFF63C0  }
0x15: {  	[tilespmem:s14], [sflag:$0x1] =	stream.linear.gather [hbm4b:s7+s3], $0x10, $0x38;
	[tilespmem:$0x1D6B0] =	vst v63  }
0x16: {  	_ =	swait.ge [sflag:s12], $0x10  }
0x17: {  	[sflag:s12] =	ssyncset.done $0x0  }
0x18: {  	s18 =	simm.s32 $0x40;
	s19 =	simm.s32 $0x0;
	[sflag:s12] =	ssyncadd.s32 $0xFFFFFFF0  }
.LBB2_2:
0x19: {  	p0 =	sne.s32 s18, $0x13FC0;
	[tilespmem:s19+$0x186B0] =	vst v2;
	s19 =	smov.u32 s18;
	s18 =	sadd.s32 $0x40, s18  }
.Ltmp0:
0x1a: {  	(pc) =	sbr.rel @p0 .LBB2_2-.Ltmp0, $2  }
0x1b: {  	_ =	sdelay $0x2  }
0x1c: {  	s19 =	sshra.s32 s19, $0x2  }
0x1d: {  	[tilespmem:s19+$0x186B0] =	vst v2  }
0x1e: {  	s18 =	simm.s32 $0x0;
	s19 =	simm.s32 $0x0;
	v4 =	vld [tilespmem:$0x13880]  }
.LBB2_4:
0x1f: {  	s20 =	smul.u32 $0x7D0, s19;
	_ =	sdelay $0x1  }
0x20: {  	s20 =	sadd.s32 s8, s20  }
0x21: {  	s22 =	sshrl.u32 s20, $0x3  }
0x22: {  	s21 =	simm.s32 $0x13890;
	s23 =	sadd.s32 s5, s22  }
0x23: {  	[tilespmem:s21], [sflag:$0x1] =	stream.linear.gather [hbm4b:s23+s18], $0x7D0, $0x38;
	[tilespmem:$0x1D6B0] =	vst v63  }
0x24: {  	_ =	swait.ge [sflag:s12], $0x7D0  }
0x25: {  	[sflag:s12] =	ssyncset.done $0x0  }
0x26: {  	s31 =	sadd.s32 s6, s22;
	s22 =	simm.s32 $0x14060;
	[sflag:s12] =	ssyncadd.s32 $0xFFFFF830  }
0x27: {  	[tilespmem:s22], [sflag:$0x1] =	stream.linear.gather [hbm4b:s31+s18], $0x7D0, $0x38;
	[tilespmem:$0x1D6B0] =	vst v63  }
0x28: {  	_ =	swait.ge [sflag:s12], $0x7D0  }
0x29: {  	[sflag:s12] =	ssyncset.done $0x0  }
0x2a: {  	[sflag:s12] =	ssyncadd.s32 $0xFFFFF830  }
0x2b: {  	v5 =	vld [tilespmem:s22+$0x0]  }
0x2c: {  	v6 =	vld [tilespmem:s21+$0x0];
	_ =	sdelay $0x3  }
0x2d: {  	v7 =	vshll.u32 v5, $0x2  }
0x2e: {  	v6 =	vshll.u32 v6, $0x2;
	v8 =	vor.u32 v0, v7  }
0x2f: {  	v9 =	vor.u32 v0, v6;
	_ =	sdelay $0x3  }
0x30: {  	v8 =	vld.idx.msk [tilespmem:v8+s13+$0x0], $0xffff  }
0x31: {  	v9 =	vld.idx.msk [tilespmem:v9+s3+$0x0], $0xffff;
	_ =	sdelay $0x4  }
0x32: {  	v8 =	vadd.f32 v8, v9;
	_ =	sdelay $0x1  }
0x33: {  	v9 =	vmul.f32 $2.000000030e-01, v8;
	_ =	sdelay $0x1  }
0x34: {  	v8 =	vmax.f32 v8, v9  }
0x35: {  	v8 =	vsub.f32 v8, v4;
	_ =	sdelay $0x1  }
0x36: {  	v8 =	vmul.f32 $1.442695020e+00, v8;
	_ =	sdelay $0x1  }
0x37: {  	(erf) = vpow2.f32 v8;
	_ =	sdelay $0x2  }
0x38: {  	v8 =	vmov s18  }
0x39: {  	v8 =	vshll.u32 v8, $0x3  }
0x3a: {  	v8 =	vor.u32 v3, v8  }
0x3b: {  	v5 =	vshll.u32 v5, $0x1  }
0x3c: {  	v7 =	vor.u32 v1, v7  }
0x3d: {  	v6 =	vor.u32 v1, v6  }
0x3e: {  	v63 =	vpop (erf)  }
0x3f: {  	[tilespmem:v8+s15+$0x0] =	vst.idx.msk $0xffff, v63  }
0x40: {  	[tilespmem:v5+s16+$0x0] =	vst.idx.add.f32.msk $0xffff, v63  }
0x41: {  	v7 =	vld.idx.msk [tilespmem:v7+s13+$0x0], $0xffff  }
0x42: {  	v6 =	vld.idx.msk [tilespmem:v6+s3+$0x0], $0xffff;
	_ =	sdelay $0x4  }
0x43: {  	v6 =	vadd.f32 v7, v6;
	_ =	sdelay $0x1  }
0x44: {  	v7 =	vmul.f32 $2.000000030e-01, v6;
	_ =	sdelay $0x1  }
0x45: {  	v6 =	vmax.f32 v6, v7  }
0x46: {  	v6 =	vsub.f32 v6, v4;
	_ =	sdelay $0x1  }
0x47: {  	v6 =	vmul.f32 $1.442695020e+00, v6;
	_ =	sdelay $0x1  }
0x48: {  	(erf) = vpow2.f32 v6;
	_ =	sdelay $0x4  }
0x49: {  	v6 =	vor.u32 $0x1, v8  }
0x4a: {  	v5 =	vor.u32 $0x1, v5;
	_ =	sdelay $0x2  }
0x4b: {  	s23 =	simm.s32 $0x10;
	v7 =	vpop (erf)  }
.LBB2_5:
0x4c: {  	p0 =	sne.s32 s23, $0x7C0;
	[tilespmem:v6+s15+$0x0] =	vst.idx.msk $0xffff, v7;
	s21 =	sadd.s32 $0x10, s21;
	s22 =	sadd.s32 $0x10, s22  }
0x4d: {  	s24 =	smov.u32 s23;
	s23 =	sadd.s32 $0x10, s23;
	[tilespmem:v5+s16+$0x0] =	vst.idx.add.f32.msk $0xffff, v7  }
0x4e: {  	v5 =	vld [tilespmem:s22+$0x0]  }
0x4f: {  	v6 =	vld [tilespmem:s21+$0x0];
	_ =	sdelay $0x3  }
0x50: {  	v7 =	vshll.u32 v5, $0x2  }
0x51: {  	v6 =	vshll.u32 v6, $0x2;
	v8 =	vor.u32 v0, v7  }
0x52: {  	v9 =	vor.u32 v0, v6;
	_ =	sdelay $0x3  }
0x53: {  	v8 =	vld.idx.msk [tilespmem:v8+s13+$0x0], $0xffff  }
0x54: {  	v9 =	vld.idx.msk [tilespmem:v9+s3+$0x0], $0xffff;
	_ =	sdelay $0x5  }
0x55: {  	v8 =	vadd.f32 v8, v9;
	_ =	sdelay $0x1  }
0x56: {  	v9 =	vmul.f32 $2.000000030e-01, v8;
	_ =	sdelay $0x1  }
0x57: {  	v8 =	vmax.f32 v8, v9  }
0x58: {  	v8 =	vsub.f32 v8, v4;
	_ =	sdelay $0x1  }
0x59: {  	v8 =	vmul.f32 $1.442695020e+00, v8;
	_ =	sdelay $0x1  }
0x5a: {  	(erf) = vpow2.f32 v8;
	_ =	sdelay $0x2  }
0x5b: {  	v8 =	vmov s24  }
0x5c: {  	v8 =	vshll.u32 v8, $0x3  }
0x5d: {  	v8 =	vor.u32 v3, v8  }
0x5e: {  	v5 =	vshll.u32 v5, $0x1  }
0x5f: {  	v7 =	vor.u32 v1, v7;
	v6 =	vor.u32 v1, v6;
	_ =	sdelay $0x1  }
0x60: {  	v9 =	vpop (erf)  }
0x61: {  	[tilespmem:v8+s15+$0x0] =	vst.idx.msk $0xffff, v9  }
0x62: {  	[tilespmem:v5+s16+$0x0] =	vst.idx.add.f32.msk $0xffff, v9  }
0x63: {  	v7 =	vld.idx.msk [tilespmem:v7+s13+$0x0], $0xffff  }
0x64: {  	v6 =	vld.idx.msk [tilespmem:v6+s3+$0x0], $0xffff;
	_ =	sdelay $0x5  }
0x65: {  	v6 =	vadd.f32 v7, v6;
	_ =	sdelay $0x1  }
0x66: {  	v7 =	vmul.f32 $2.000000030e-01, v6;
	_ =	sdelay $0x1  }
0x67: {  	v6 =	vmax.f32 v6, v7  }
0x68: {  	v6 =	vsub.f32 v6, v4;
	_ =	sdelay $0x1  }
0x69: {  	v6 =	vmul.f32 $1.442695020e+00, v6;
	_ =	sdelay $0x1  }
0x6a: {  	(erf) = vpow2.f32 v6;
	_ =	sdelay $0x3  }
0x6b: {  	v6 =	vor.u32 $0x1, v8  }
.Ltmp1:
0x6c: {  	v5 =	vor.u32 $0x1, v5;
	(pc) =	sbr.rel @p0 .LBB2_5-.Ltmp1, $2  }
0x6d: {  	_ =	sdelay $0x2  }
0x6e: {  	v7 =	vpop (erf)  }
0x6f: {  	_ =	sdelay $0x2  }
0x70: {  	s19 =	sadd.s32 $0x1, s19  }
0x71: {  	[tilespmem:v6+s15+$0x0] =	vst.idx.msk $0xffff, v7;
	p0 =	sne.s32 s19, $0xA  }
.Ltmp2:
0x72: {  	s20 =	sadd.s32 s20, s9;
	[tilespmem:v5+s16+$0x0] =	vst.idx.add.f32.msk $0xffff, v7;
	(pc) =	sbr.rel @p0 .LBB2_4-.Ltmp2, $4  }
0x73: {  	[hbm4b:s20+s3] =	stream.linear.scatter [tilespmem:s15], [sflag:$0x1], $0x3E80, $0x38;
	[tilespmem:$0x1D6B0] =	vst v63  }
0x74: {  	_ =	swait.ge [sflag:s12], $0x3E80  }
0x75: {  	[sflag:s12] =	ssyncset.done $0x0  }
0x76: {  	[sflag:s12] =	ssyncadd.s32 $0xFFFFC180  }
0x77: {  	s17 =	sadd.s32 $0x1, s17  }
0x78: {  	p0 =	sne.s32 s17, s11  }
.Ltmp3:
0x79: {  	_ = 	snop;
	(pc) =	sbr.rel @p0 .LBB2_1-.Ltmp3, $4  }
0x7a: {  	[hbm4b:s10+s3] =	stream.linear.scatter [tilespmem:s16], [sflag:$0x1], $0x5000, $0x38;
	[tilespmem:$0x1D6B0] =	vst v63  }
0x7b: {  	_ =	swait.ge [sflag:s12], $0x5000  }
0x7c: {  	[sflag:s12] =	ssyncset.done $0x0  }
0x7d: {  	[sflag:s12] =	ssyncadd.s32 $0xFFFFB000  }
0x7e: {  	_ =	sfence.sel $0x180000  }
0x7f: {  	[bflag:$0x0] =	sbarrier.arrive $0xFFFF  }
0x80: {  	p0 =	sne.s32 s2, $0x0;
	_ =	strace $0x90000047  }
0x81: {  	s0 =	sadd.s32 @!p0 $0x100000, s0;
	[bflag:$0x2] =	sbarrier.arrive $0xFFFF  }
0x82: {  	[sflag:s0] =	ssyncadd.tile.s32 @!p0 $0x1;
	_ =	shalt  }
.Lfunc_end2:
_tile_overlayer_lowered:
.L_overlay_start_2:
0x83: {  	(tag) =	ssettag $0x2  }
0x84: {  	s0 =	rddreg [dreg:$0x0];
	s2 =	stileid.u32  }
0x85: {  	s1 =	rddreg [dreg:$0x1];
	p0 =	sne.s32 s2, $0x0  }
0x86: {  	s3 =	rddreg [dreg:$0x2];
	[bflag:$0x3] =	sbarrier.arrive $0xFFFF;
	s2 =	simm.s32 @!p0 $0x1C01  }
0x87: {  	[timem:s3], [sflag:s2] =	dma.local @!p0 [hbm:s0], s1  }
0x88: {  	s0 =	simm.s32 @!p0 $0x1  }
0x89: {  	_ =	swait.ge @!p0 [sflag:s0], s1  }
0x8a: {  	s1 =	ssub.s32 @!p0 $0x0, s1;
	[sflag:s0] =	ssyncset.done @!p0 $0x0  }
0x8b: {  	[sflag:s0] =	ssyncadd.s32 @!p0 s1  }
0x8c: {  	[bflag:$0x3] =	sbarrier.arrive $0xFFFF  }
0x8d: {  	_ =	shalt  }

</sc_bundles>
